<compile_context>
chip_gen: v7x
topology: tpu7x:2x2x1
jax: 0.10.2.dev20260603
libtpu: 0.0.44.dev20260713+nightly
codegen_flags: <defaults>
</compile_context>

<pallas_src>
import functools

import jax
import jax.numpy as jnp
from jax import lax
from jax.experimental import pallas as pl
from jax.experimental.pallas import tpu as pltpu
from jax.experimental.pallas import tpu_sc as plsc

N = 10000
D = 512
DW = D // 2
B = 3500
K1 = 32
K2 = 64
NB = 7
BOT = 256
BP = 3584
HBA = 2688
HBB = BP - HBA
NW = 32
CHN = 56
NBUF = 4
BB1 = 56
BB2 = 448
EPS = 1e-8
PER_CLASS = B // NB



@functools.cache
def _sc_gather_build(hb, cen_rows):
    nch = (hb * (K1 + K2) // NW) // CHN
    cch = cen_rows // (NW * CHN)
    assert nch % NBUF == 0
    mesh = plsc.VectorSubcoreMesh(core_axis_name="c", subcore_axis_name="s")
    out_type = [jax.ShapeDtypeStruct((hb * (K1 + K2), DW), jnp.int32)]
    scratch = [
        pltpu.VMEM((nch, CHN), jnp.int32),
        pltpu.VMEM((NBUF, CHN, DW), jnp.int32),
        [pltpu.SemaphoreType.DMA] * NBUF,
        [pltpu.SemaphoreType.DMA] * NBUF,
    ]
    if cch:
        out_type.append(jax.ShapeDtypeStruct((cen_rows, D), jnp.float32))
        scratch += [
            pltpu.VMEM((cch, CHN), jnp.int32),
            pltpu.VMEM((CHN, D), jnp.float32),
            pltpu.SemaphoreType.DMA,
        ]

    @functools.partial(pl.kernel, mesh=mesh, out_type=out_type,
                       scratch_types=scratch)
    def _sc_gather(table_i32, table_f32, idxn2d, *rest):
        if cch:
            (idxc2d, out_nbr, out_cen,
             idx_v, rows_v, sem_g, sem_o, cidx_v, cen_v, sem_c) = rest
        else:
            (out_nbr, idx_v, rows_v, sem_g, sem_o) = rest
        w = lax.axis_index("s") * 2 + lax.axis_index("c")
        base = w * nch
        pltpu.sync_copy(idxn2d.at[pl.ds(base, nch)], idx_v)
        if cch:
            pltpu.sync_copy(idxc2d.at[pl.ds(w * cch, cch)], cidx_v)

        def issue_gather(l, b):
            pltpu.async_copy(table_i32.at[idx_v.at[l]], rows_v.at[b], sem_g[b])

        def wait_gather(b):
            pltpu.make_async_copy(table_i32.at[idx_v.at[0]], rows_v.at[b],
                                  sem_g[b]).wait()

        def put(l, b):
            pltpu.async_copy(rows_v.at[b],
                             out_nbr.at[pl.ds((base + l) * CHN, CHN)],
                             sem_o[b])

        def drain_out(b):
            pltpu.make_async_copy(rows_v.at[b], out_nbr.at[pl.ds(0, CHN)],
                                  sem_o[b]).wait()

        for b in range(NBUF):
            issue_gather(b, b)

        def step(i, carry):
            first = NBUF * i
            for b in range(NBUF):
                l = first + b
                wait_gather(b)
                put(l, b)
                nxt = l + NBUF

                @pl.when(nxt < nch)
                def _next():
                    drain_out(b)
                    issue_gather(nxt, b)

            return carry

        lax.fori_loop(0, nch // NBUF, step, 0)
        for b in range(NBUF):
            drain_out(b)

        for t in range(cch):
            pltpu.async_copy(table_f32.at[cidx_v.at[t]], cen_v, sem_c).wait()
            pltpu.sync_copy(cen_v,
                            out_cen.at[pl.ds((w * cch + t) * CHN, CHN)])

    return _sc_gather



def _agg_body(cen_ref, g1_ref, g2_ref, lab_ref, ws_ref, wn_ref, wn2_ref,
              w1_ref, b1_ref, w2_ref, b2_ref, raw_ref, csum_ref):
    i = pl.program_id(0)
    c = ws_ref[...] * cen_ref[...]

    def unpack(x):
        lo = lax.bitcast_convert_type(x << 16, jnp.float32)
        hi = lax.bitcast_convert_type(x & jnp.int32(-65536), jnp.float32)
        return jnp.concatenate([lo, hi], axis=-1)

    g1 = wn_ref[...][:, None, :] * unpack(g1_ref[...]).reshape(BB1, K1, D)
    g2 = wn2_ref[...][:, None, :] * unpack(g2_ref[...]).reshape(BB1, K2, D)
    na = jnp.maximum(jnp.sqrt(jnp.sum(c * c, axis=-1)), EPS)
    n1 = jnp.maximum(jnp.sqrt(jnp.sum(g1 * g1, axis=-1)), EPS)
    n2 = jnp.maximum(jnp.sqrt(jnp.sum(g2 * g2, axis=-1)), EPS)
    d1 = jnp.sum(c[:, None, :] * g1, axis=-1)
    d2 = jnp.sum(c[:, None, :] * g2, axis=-1)
    s1 = d1 / (na[:, None] * n1)
    s2 = d2 / (na[:, None] * n2)
    m = jnp.maximum(jnp.max(s1, axis=-1), jnp.max(s2, axis=-1))
    e1 = jnp.exp(s1 - m[:, None])
    e2 = jnp.exp(s2 - m[:, None])
    z = jnp.sum(e1, axis=-1) + jnp.sum(e2, axis=-1)
    p1 = e1 / z[:, None]
    p2 = e2 / z[:, None]
    wsum = (jnp.sum(p1[:, :, None] * g1, axis=1)
            + jnp.sum(p2[:, :, None] * g2, axis=1))
    x = wsum + c
    h = jnp.maximum(
        jnp.dot(x, w1_ref[...], preferred_element_type=jnp.float32)
        + b1_ref[...], 0.0)
    pr = jnp.dot(h, w2_ref[...], preferred_element_type=jnp.float32) + b2_ref[...]
    raw = pr + c
    raw_ref[...] = raw
    lab = lab_ref[0]
    cls = lax.broadcasted_iota(jnp.int32, (8, BB1), 0)
    pmat = (cls == lab).astype(jnp.float32)
    part = jnp.dot(pmat, raw, preferred_element_type=jnp.float32)

    @pl.when(i == 0)
    def _init():
        csum_ref[...] = jnp.zeros_like(csum_ref)

    csum_ref[...] += part


def _agg_call(gnbr, cen, cen_blk, hb, lab3, w_self, w_nbr, w_nbr2,
              W1, b1, W2, b2):
    full2 = lambda shape: pl.BlockSpec(shape, lambda i: (0, 0))
    n1_blk = (hb * K2) // (BB1 * K1)
    return pl.pallas_call(
        _agg_body,
        grid=(hb // BB1,),
        in_specs=[
            pl.BlockSpec((BB1, D), lambda i: (cen_blk + i, 0)),
            pl.BlockSpec((BB1 * K1, DW), lambda i: (n1_blk + i, 0)),
            pl.BlockSpec((BB1 * K2, DW), lambda i: (i, 0)),
            pl.BlockSpec((1, 1, BB1), lambda i: (i, 0, 0)),
            full2((1, D)), full2((1, D)), full2((1, D)),
            full2((D, BOT)), full2((1, BOT)), full2((BOT, D)), full2((1, D)),
        ],
        out_specs=[
            pl.BlockSpec((BB1, D), lambda i: (i, 0)),
            pl.BlockSpec((8, D), lambda i: (0, 0)),
        ],
        out_shape=[
            jax.ShapeDtypeStruct((hb, D), jnp.float32),
            jax.ShapeDtypeStruct((8, D), jnp.float32),
        ],
    )(cen, gnbr, gnbr, lab3, w_self, w_nbr, w_nbr2, W1, b1, W2, b2)



def _cos_body(raw_ref, csa_ref, csb_ref, o_ref):
    ave = (csa_ref[...] + csb_ref[...]) * (1.0 / PER_CLASS)
    r = raw_ref[...]
    dots = lax.dot_general(r, ave, (((1,), (1,)), ((), ())),
                           preferred_element_type=jnp.float32)
    na = jnp.maximum(jnp.sqrt(jnp.sum(r * r, axis=-1)), EPS)
    nb = jnp.maximum(jnp.sqrt(jnp.sum(ave * ave, axis=-1)), EPS)
    sim = dots / (na[:, None] * nb[None, :])
    col = lax.broadcasted_iota(jnp.int32, (BB2, 8), 1)
    sim = jnp.where(col < NB, sim, -1e30)
    m = jnp.max(sim, axis=-1)
    e = jnp.exp(sim - m[:, None])
    o_ref[...] = e / jnp.sum(e, axis=-1)[:, None]


def _cos_call(raw, csum_a, csum_b, hb):
    return pl.pallas_call(
        _cos_body,
        grid=(hb // BB2,),
        in_specs=[
            pl.BlockSpec((BB2, D), lambda i: (i, 0)),
            pl.BlockSpec((8, D), lambda i: (0, 0)),
            pl.BlockSpec((8, D), lambda i: (0, 0)),
        ],
        out_specs=pl.BlockSpec((BB2, 8), lambda i: (i, 0)),
        out_shape=jax.ShapeDtypeStruct((hb, 8), jnp.float32),
    )(raw, csum_a, csum_b)



def kernel(embeds, idx, neighbors, neighbors_2hop, labels, w_self, w_nbr,
           w_nbr2, W1, b1, W2, b2):
    pad = BP - B
    idxp = jnp.concatenate([idx, jnp.zeros((pad,), jnp.int32)])
    nbrp = jnp.concatenate([neighbors, jnp.zeros((pad, K1), jnp.int32)])
    nbr2p = jnp.concatenate([neighbors_2hop, jnp.zeros((pad, K2), jnp.int32)])
    labp = jnp.concatenate([labels, jnp.full((pad,), NB, jnp.int32)])

    emb_bf = embeds.astype(jnp.bfloat16)
    emb_i32 = lax.bitcast_convert_type(
        jnp.stack([emb_bf[:, :DW], emb_bf[:, DW:]], axis=-1), jnp.int32)

    b1r = b1.reshape(1, BOT)
    b2r = b2.reshape(1, D)

    def nbr_idx(lo, hb):
        return jnp.concatenate(
            [nbr2p[lo:lo + hb].reshape(hb * K2),
             nbrp[lo:lo + hb].reshape(hb * K1)]).reshape(-1, CHN)

    idxc2d = idxp.reshape(BP // CHN, CHN)
    gnbr_a, cen = _sc_gather_build(HBA, BP)(
        emb_i32, embeds, nbr_idx(0, HBA), idxc2d)
    lab3_a = labp[:HBA].reshape(HBA // BB1, 1, BB1)
    raw_a, cs_a = _agg_call(gnbr_a, cen, 0, HBA, lab3_a, w_self, w_nbr,
                            w_nbr2, W1, b1r, W2, b2r)
    if HBB:
        res_b = _sc_gather_build(HBB, 0)(emb_i32, embeds, nbr_idx(HBA, HBB))
        gnbr_b = res_b[0] if isinstance(res_b, (list, tuple)) else res_b
        lab3_b = labp[HBA:].reshape(HBB // BB1, 1, BB1)
        raw_b, cs_b = _agg_call(gnbr_b, cen, HBA // BB1, HBB, lab3_b, w_self,
                                w_nbr, w_nbr2, W1, b1r, W2, b2r)
        out_a = _cos_call(raw_a, cs_a, cs_b, HBA)
        out_b = _cos_call(raw_b, cs_a, cs_b, HBB)
        out = jnp.concatenate([out_a, out_b], axis=0)
    else:
        out = _cos_call(raw_a, cs_a, jnp.zeros((8, D), jnp.float32), HBA)
    return out[:B, :NB]

# --- scband reference (transcript-rebuilt; emitter-appended) ---
"""Pipeline reference for scband-downprompt-75496935129285 (READ-ONLY COPY).

The authoritative reference and input builder live on the scoring server;
editing this copy changes nothing except your own understanding.
"""

import jax, jax.numpy as jnp
import numpy as np

N = 10000
D = 512
B = 3500
K1 = 32
K2 = 64
NB_CLASSES = 7
BOTTLENECK = 256


def _cosine_sim(a, b, eps=1e-8):
    num = jnp.sum(a * b, axis=-1)
    na = jnp.maximum(jnp.linalg.norm(a, axis=-1), eps)
    nb = jnp.maximum(jnp.linalg.norm(b, axis=-1), eps)
    return num / (na * nb)


def setup_inputs(seed: int = 0) -> dict:
    key = jax.random.key(seed)
    ks = jax.random.split(key, 12)
    embeds = jax.random.normal(ks[0], (N, D), dtype=jnp.float32)
    idx = jax.random.randint(ks[1], (B,), 0, N, dtype=jnp.int32)
    neighbors = jax.random.randint(ks[2], (B, K1), 0, N, dtype=jnp.int32)
    neighbors_2hop = jax.random.randint(ks[3], (B, K2), 0, N, dtype=jnp.int32)
    # averageemb requires exactly B/nb_classes samples per class -> balanced labels
    labels = jnp.arange(B, dtype=jnp.int32) % NB_CLASSES
    limit = float(np.sqrt(6.0 / (1 + D)))
    w_self = jax.random.uniform(ks[4], (1, D), jnp.float32, -limit, limit)
    w_nbr = jax.random.uniform(ks[5], (1, D), jnp.float32, -limit, limit)
    w_nbr2 = jax.random.uniform(ks[6], (1, D), jnp.float32, -limit, limit)
    W1 = jax.random.normal(ks[7], (D, BOTTLENECK), jnp.float32) * (1.0 / np.sqrt(D))
    b1 = jnp.zeros((BOTTLENECK,), jnp.float32)
    W2 = jax.random.normal(ks[8], (BOTTLENECK, D), jnp.float32) * (1.0 / np.sqrt(BOTTLENECK))
    b2 = jnp.zeros((D,), jnp.float32)
    return {"embeds": embeds, "idx": idx, "neighbors": neighbors,
            "neighbors_2hop": neighbors_2hop, "labels": labels,
            "w_self": w_self, "w_nbr": w_nbr, "w_nbr2": w_nbr2,
            "W1": W1, "b1": b1, "W2": W2, "b2": b2}


def reference(embeds, idx, neighbors, neighbors_2hop, labels, w_self, w_nbr, w_nbr2, W1, b1, W2, b2):
    # center = index_select(embeds, idx); selfprompt = elementwise weight
    center = jnp.take(embeds, idx, axis=0)                      # [B, D]
    center_embeds = w_self * center                             # [B, D]
    # per-step neighbor gathers, vectorized over the batch; .data in torch => stop_gradient
    tempn = jax.lax.stop_gradient(jnp.take(embeds, neighbors, axis=0))        # [B, K1, D]
    tempn2 = jax.lax.stop_gradient(jnp.take(embeds, neighbors_2hop, axis=0))  # [B, K2, D]
    nbr = w_nbr * tempn                                         # neighborsprompt
    nbr2 = w_nbr2 * tempn2                                      # neighbors_2hopprompt
    nbr = jnp.where(jnp.isnan(nbr), 0.0, nbr)                   # x[x != x] = 0
    nbr2 = jnp.where(jnp.isnan(nbr2), 0.0, nbr2)
    nbr_all = jnp.concatenate([nbr, nbr2], axis=1)              # [B, K1+K2, D]
    sim = _cosine_sim(center_embeds[:, None, :], nbr_all)       # [B, K1+K2]
    w = jax.nn.softmax(sim, axis=-1)
    weighted = jnp.einsum('bk,bkd->bd', w, nbr_all)             # [B, D]
    inputs = weighted + center_embeds                           # dropout p=0.0 -> identity
    # metanet (PromptVector): bottleneck adapter
    h = jax.nn.relu(inputs @ W1 + b1)
    prompts = h @ W2 + b2
    rawret = prompts + center_embeds                            # [B, D]
    # averageemb: per-class mean (balanced labels)
    per_class = B // NB_CLASSES
    ave = jax.ops.segment_sum(rawret, labels, num_segments=NB_CLASSES) / per_class  # [7, D]
    ret = _cosine_sim(rawret[:, None, :], ave[None, :, :])      # [B, 7]
    ret = jax.nn.softmax(ret, axis=1)
    return ret

if __name__ == "__main__":
    import jax
    _d = setup_inputs()
    print(jax.jit(kernel)(*tuple(_d.values())))

</pallas_src>

<mosaic_0001>
#map = affine_map<(d0, d1) -> (0, 0)>
module attributes {stable_mosaic.version = 14 : i64} {
  func.func @_sc_gather(%arg0: i32, %arg1: i32, %arg2: memref<10000x256xi32, #tpu.memory_space<hbm>>, %arg3: memref<10000x512xf32, #tpu.memory_space<hbm>>, %arg4: memref<1536x56xi32, #tpu.memory_space<hbm>>, %arg5: memref<86016x256xi32, #tpu.memory_space<hbm>>, %arg6: memref<48x56xi32, #tpu.memory_space<vmem>>, %arg7: memref<4x56x256xi32, #tpu.memory_space<vmem>>, %arg8: memref<!tpu.dma_semaphore, #tpu.memory_space<semaphore_mem>>, %arg9: memref<!tpu.dma_semaphore, #tpu.memory_space<semaphore_mem>>, %arg10: memref<!tpu.dma_semaphore, #tpu.memory_space<semaphore_mem>>, %arg11: memref<!tpu.dma_semaphore, #tpu.memory_space<semaphore_mem>>, %arg12: memref<!tpu.dma_semaphore, #tpu.memory_space<semaphore_mem>>, %arg13: memref<!tpu.dma_semaphore, #tpu.memory_space<semaphore_mem>>, %arg14: memref<!tpu.dma_semaphore, #tpu.memory_space<semaphore_mem>>, %arg15: memref<!tpu.dma_semaphore, #tpu.memory_space<semaphore_mem>>) attributes {dimension_semantics = [#tpu.dimension_semantics<core_parallel>, #tpu.dimension_semantics<subcore_parallel>], iteration_bounds = array<i64: 2, 16>, scalar_prefetch = 0 : i64, scratch_operands = 10 : i64, tpu.core_type = #tpu.core_type<sc_vector_subcore>, window_params = [{transform_indices = #map}, {transform_indices = #map}, {transform_indices = #map}, {transform_indices = #map}]} {
    %mul3A = arith.constant 2 : i32
    %mul3A_0 = arith.muli %arg1, %mul3A : i32
    %add3A = arith.addi %mul3A_0, %arg0 : i32
    %mul3A_1 = arith.constant 48 : i32
    %mul3A_2 = arith.muli %add3A, %mul3A_1 : i32
    "tpu.region"() ({
      %run_scoped3A = tpu.sem_alloc : memref<!tpu.dma_semaphore, #tpu.memory_space<semaphore_mem>>
      %dma_start3A_114 = arith.constant 0 : i32
      %dma_start3A_115 = tpu.memref_slice %arg4[%mul3A_2, %dma_start3A_114] : memref<1536x56xi32, #tpu.memory_space<hbm>> -> memref<48x56xi32, #tpu.memory_space<hbm>>
      %dma_start3A_116 = arith.constant 0 : i32
      %dma_start3A_117 = tpu.memref_slice %arg4[%mul3A_2, %dma_start3A_116] : memref<1536x56xi32, #tpu.memory_space<hbm>> -> memref<48x56xi32, #tpu.memory_space<hbm>>
      tpu.enqueue_dma source(%dma_start3A_117 : memref<48x56xi32, #tpu.memory_space<hbm>>) target(%arg6 : memref<48x56xi32, #tpu.memory_space<vmem>>) target_semaphore(%run_scoped3A : memref<!tpu.dma_semaphore, #tpu.memory_space<semaphore_mem>>)
      %dma_wait3A_118 = arith.constant 0 : i32
      %dma_wait3A_119 = tpu.memref_slice %arg4[%mul3A_2, %dma_wait3A_118] : memref<1536x56xi32, #tpu.memory_space<hbm>> -> memref<48x56xi32, #tpu.memory_space<hbm>>
      %dma_wait3A_120 = arith.constant 0 : i32
      %dma_wait3A_121 = tpu.memref_slice %arg4[%mul3A_2, %dma_wait3A_120] : memref<1536x56xi32, #tpu.memory_space<hbm>> -> memref<48x56xi32, #tpu.memory_space<hbm>>
      tpu.wait_dma2 semaphore(%run_scoped3A : memref<!tpu.dma_semaphore, #tpu.memory_space<semaphore_mem>>) src(%dma_wait3A_121 : memref<48x56xi32, #tpu.memory_space<hbm>>) dst(%arg6 : memref<48x56xi32, #tpu.memory_space<vmem>>)
      tpu.yield
    }) : () -> ()
    %dma_start3A = arith.constant 0 : i32
    %dma_start3A_3 = arith.constant 0 : i32
    %dma_start3A_4 = arith.constant 0 : i32
    %dma_start3A_5 = arith.constant 0 : i32
    %dma_start3A_6 = tpu.memref_slice %arg7[%dma_start3A_3, %dma_start3A_4, %dma_start3A_5] : memref<4x56x256xi32, #tpu.memory_space<vmem>> -> memref<1x56x256xi32, #tpu.memory_space<vmem>>
    %dma_start3A_7 = tpu.memref_squeeze %dma_start3A_6 : memref<1x56x256xi32, #tpu.memory_space<vmem>> -> memref<56x256xi32, #tpu.memory_space<vmem>>
    %dma_start3A_8 = arith.constant 0 : i32
    %dma_start3A_9 = tpu.memref_slice %arg6[%dma_start3A, %dma_start3A_8] : memref<48x56xi32, #tpu.memory_space<vmem>> -> memref<1x56xi32, #tpu.memory_space<vmem>>
    %dma_start3A_10 = tpu.memref_squeeze %dma_start3A_9 : memref<1x56xi32, #tpu.memory_space<vmem>> -> memref<56xi32, #tpu.memory_space<vmem>>
    %dma_start3A_11 = arith.constant 0 : i32
    %dma_start3A_12 = arith.constant 0 : i32
    %dma_start3A_13 = tpu.memref_slice %arg2[%dma_start3A_11, %dma_start3A_12] : memref<10000x256xi32, #tpu.memory_space<hbm>> -> memref<10000x256xi32, #tpu.memory_space<hbm>>
    tpu.enqueue_indirect_dma source(%dma_start3A_13 : memref<10000x256xi32, #tpu.memory_space<hbm>>) target(%dma_start3A_7 : memref<56x256xi32, #tpu.memory_space<vmem>>) offsets(%dma_start3A_10 : memref<56xi32, #tpu.memory_space<vmem>>) semaphore(%arg8 : memref<!tpu.dma_semaphore, #tpu.memory_space<semaphore_mem>>)
    %dma_start3A_14 = arith.constant 1 : i32
    %dma_start3A_15 = arith.constant 1 : i32
    %dma_start3A_16 = arith.constant 0 : i32
    %dma_start3A_17 = arith.constant 0 : i32
    %dma_start3A_18 = tpu.memref_slice %arg7[%dma_start3A_15, %dma_start3A_16, %dma_start3A_17] : memref<4x56x256xi32, #tpu.memory_space<vmem>> -> memref<1x56x256xi32, #tpu.memory_space<vmem>>
    %dma_start3A_19 = tpu.memref_squeeze %dma_start3A_18 : memref<1x56x256xi32, #tpu.memory_space<vmem>> -> memref<56x256xi32, #tpu.memory_space<vmem>>
    %dma_start3A_20 = arith.constant 0 : i32
    %dma_start3A_21 = tpu.memref_slice %arg6[%dma_start3A_14, %dma_start3A_20] : memref<48x56xi32, #tpu.memory_space<vmem>> -> memref<1x56xi32, #tpu.memory_space<vmem>>
    %dma_start3A_22 = tpu.memref_squeeze %dma_start3A_21 : memref<1x56xi32, #tpu.memory_space<vmem>> -> memref<56xi32, #tpu.memory_space<vmem>>
    %dma_start3A_23 = arith.constant 0 : i32
    %dma_start3A_24 = arith.constant 0 : i32
    %dma_start3A_25 = tpu.memref_slice %arg2[%dma_start3A_23, %dma_start3A_24] : memref<10000x256xi32, #tpu.memory_space<hbm>> -> memref<10000x256xi32, #tpu.memory_space<hbm>>
    tpu.enqueue_indirect_dma source(%dma_start3A_25 : memref<10000x256xi32, #tpu.memory_space<hbm>>) target(%dma_start3A_19 : memref<56x256xi32, #tpu.memory_space<vmem>>) offsets(%dma_start3A_22 : memref<56xi32, #tpu.memory_space<vmem>>) semaphore(%arg9 : memref<!tpu.dma_semaphore, #tpu.memory_space<semaphore_mem>>)
    %dma_start3A_26 = arith.constant 2 : i32
    %dma_start3A_27 = arith.constant 2 : i32
    %dma_start3A_28 = arith.constant 0 : i32
    %dma_start3A_29 = arith.constant 0 : i32
    %dma_start3A_30 = tpu.memref_slice %arg7[%dma_start3A_27, %dma_start3A_28, %dma_start3A_29] : memref<4x56x256xi32, #tpu.memory_space<vmem>> -> memref<1x56x256xi32, #tpu.memory_space<vmem>>
    %dma_start3A_31 = tpu.memref_squeeze %dma_start3A_30 : memref<1x56x256xi32, #tpu.memory_space<vmem>> -> memref<56x256xi32, #tpu.memory_space<vmem>>
    %dma_start3A_32 = arith.constant 0 : i32
    %dma_start3A_33 = tpu.memref_slice %arg6[%dma_start3A_26, %dma_start3A_32] : memref<48x56xi32, #tpu.memory_space<vmem>> -> memref<1x56xi32, #tpu.memory_space<vmem>>
    %dma_start3A_34 = tpu.memref_squeeze %dma_start3A_33 : memref<1x56xi32, #tpu.memory_space<vmem>> -> memref<56xi32, #tpu.memory_space<vmem>>
    %dma_start3A_35 = arith.constant 0 : i32
    %dma_start3A_36 = arith.constant 0 : i32
    %dma_start3A_37 = tpu.memref_slice %arg2[%dma_start3A_35, %dma_start3A_36] : memref<10000x256xi32, #tpu.memory_space<hbm>> -> memref<10000x256xi32, #tpu.memory_space<hbm>>
    tpu.enqueue_indirect_dma source(%dma_start3A_37 : memref<10000x256xi32, #tpu.memory_space<hbm>>) target(%dma_start3A_31 : memref<56x256xi32, #tpu.memory_space<vmem>>) offsets(%dma_start3A_34 : memref<56xi32, #tpu.memory_space<vmem>>) semaphore(%arg10 : memref<!tpu.dma_semaphore, #tpu.memory_space<semaphore_mem>>)
    %dma_start3A_38 = arith.constant 3 : i32
    %dma_start3A_39 = arith.constant 3 : i32
    %dma_start3A_40 = arith.constant 0 : i32
    %dma_start3A_41 = arith.constant 0 : i32
    %dma_start3A_42 = tpu.memref_slice %arg7[%dma_start3A_39, %dma_start3A_40, %dma_start3A_41] : memref<4x56x256xi32, #tpu.memory_space<vmem>> -> memref<1x56x256xi32, #tpu.memory_space<vmem>>
    %dma_start3A_43 = tpu.memref_squeeze %dma_start3A_42 : memref<1x56x256xi32, #tpu.memory_space<vmem>> -> memref<56x256xi32, #tpu.memory_space<vmem>>
    %dma_start3A_44 = arith.constant 0 : i32
    %dma_start3A_45 = tpu.memref_slice %arg6[%dma_start3A_38, %dma_start3A_44] : memref<48x56xi32, #tpu.memory_space<vmem>> -> memref<1x56xi32, #tpu.memory_space<vmem>>
    %dma_start3A_46 = tpu.memref_squeeze %dma_start3A_45 : memref<1x56xi32, #tpu.memory_space<vmem>> -> memref<56xi32, #tpu.memory_space<vmem>>
    %dma_start3A_47 = arith.constant 0 : i32
    %dma_start3A_48 = arith.constant 0 : i32
    %dma_start3A_49 = tpu.memref_slice %arg2[%dma_start3A_47, %dma_start3A_48] : memref<10000x256xi32, #tpu.memory_space<hbm>> -> memref<10000x256xi32, #tpu.memory_space<hbm>>
    tpu.enqueue_indirect_dma source(%dma_start3A_49 : memref<10000x256xi32, #tpu.memory_space<hbm>>) target(%dma_start3A_43 : memref<56x256xi32, #tpu.memory_space<vmem>>) offsets(%dma_start3A_46 : memref<56xi32, #tpu.memory_space<vmem>>) semaphore(%arg11 : memref<!tpu.dma_semaphore, #tpu.memory_space<semaphore_mem>>)
    %scan3A = arith.constant 0 : i32
    %scan3A_50 = arith.constant 0 : i32
    %scan3A_51 = arith.constant 12 : i32
    %scan3A_52 = arith.addi %scan3A_50, %scan3A_51 : i32
    %scan3A_53 = arith.constant 1 : i32
    scf.for %scan3A_114 = %scan3A_50 to %scan3A_52 step %scan3A_53  : i32 {
      %mul3A_115 = arith.constant 4 : i32
      %mul3A_116 = arith.muli %mul3A_115, %scan3A_114 : i32
      %add3A_117 = arith.constant 0 : i32
      %add3A_118 = arith.addi %mul3A_116, %add3A_117 : i32
      %dma_wait3A_119 = arith.constant 0 : i32
      %dma_wait3A_120 = arith.constant 0 : i32
      %dma_wait3A_121 = arith.constant 0 : i32
      %dma_wait3A_122 = arith.constant 0 : i32
      %dma_wait3A_123 = tpu.memref_slice %arg7[%dma_wait3A_120, %dma_wait3A_121, %dma_wait3A_122] : memref<4x56x256xi32, #tpu.memory_space<vmem>> -> memref<1x56x256xi32, #tpu.memory_space<vmem>>
      %dma_wait3A_124 = tpu.memref_squeeze %dma_wait3A_123 : memref<1x56x256xi32, #tpu.memory_space<vmem>> -> memref<56x256xi32, #tpu.memory_space<vmem>>
      %dma_wait3A_125 = arith.constant 0 : i32
      %dma_wait3A_126 = tpu.memref_slice %arg6[%dma_wait3A_119, %dma_wait3A_125] : memref<48x56xi32, #tpu.memory_space<vmem>> -> memref<1x56xi32, #tpu.memory_space<vmem>>
      %dma_wait3A_127 = tpu.memref_squeeze %dma_wait3A_126 : memref<1x56xi32, #tpu.memory_space<vmem>> -> memref<56xi32, #tpu.memory_space<vmem>>
      %dma_wait3A_128 = arith.constant 0 : i32
      %dma_wait3A_129 = arith.constant 0 : i32
      %dma_wait3A_130 = tpu.memref_slice %arg2[%dma_wait3A_128, %dma_wait3A_129] : memref<10000x256xi32, #tpu.memory_space<hbm>> -> memref<10000x256xi32, #tpu.memory_space<hbm>>
      tpu.wait_indirect_dma semaphore(%arg8 : memref<!tpu.dma_semaphore, #tpu.memory_space<semaphore_mem>>) src(%dma_wait3A_130 : memref<10000x256xi32, #tpu.memory_space<hbm>>) dst(%dma_wait3A_124 : memref<56x256xi32, #tpu.memory_space<vmem>>)
      %add3A_131 = arith.addi %mul3A_2, %add3A_118 : i32
      %mul3A_132 = arith.constant 56 : i32
      %mul3A_133 = arith.muli %add3A_131, %mul3A_132 : i32
      %dma_start3A_134 = arith.constant 0 : i32
      %dma_start3A_135 = arith.constant 0 : i32
      %dma_start3A_136 = arith.constant 0 : i32
      %dma_start3A_137 = tpu.memref_slice %arg7[%dma_start3A_134, %dma_start3A_135, %dma_start3A_136] : memref<4x56x256xi32, #tpu.memory_space<vmem>> -> memref<1x56x256xi32, #tpu.memory_space<vmem>>
      %dma_start3A_138 = tpu.memref_squeeze %dma_start3A_137 : memref<1x56x256xi32, #tpu.memory_space<vmem>> -> memref<56x256xi32, #tpu.memory_space<vmem>>
      %dma_start3A_139 = arith.constant 0 : i32
      %dma_start3A_140 = tpu.memref_slice %arg5[%mul3A_133, %dma_start3A_139] : memref<86016x256xi32, #tpu.memory_space<hbm>> -> memref<56x256xi32, #tpu.memory_space<hbm>>
      %dma_start3A_141 = arith.constant 0 : i32
      %dma_start3A_142 = tpu.memref_slice %arg5[%mul3A_133, %dma_start3A_141] : memref<86016x256xi32, #tpu.memory_space<hbm>> -> memref<56x256xi32, #tpu.memory_space<hbm>>
      %dma_start3A_143 = arith.constant 0 : i32
      %dma_start3A_144 = arith.constant 0 : i32
      %dma_start3A_145 = tpu.memref_slice %arg7[%dma_start3A_134, %dma_start3A_143, %dma_start3A_144] : memref<4x56x256xi32, #tpu.memory_space<vmem>> -> memref<1x56x256xi32, #tpu.memory_space<vmem>>
      %dma_start3A_146 = tpu.memref_squeeze %dma_start3A_145 : memref<1x56x256xi32, #tpu.memory_space<vmem>> -> memref<56x256xi32, #tpu.memory_space<vmem>>
      tpu.enqueue_dma source(%dma_start3A_146 : memref<56x256xi32, #tpu.memory_space<vmem>>) target(%dma_start3A_142 : memref<56x256xi32, #tpu.memory_space<hbm>>) target_semaphore(%arg12 : memref<!tpu.dma_semaphore, #tpu.memory_space<semaphore_mem>>)
      %add3A_147 = arith.constant 4 : i32
      %add3A_148 = arith.addi %add3A_118, %add3A_147 : i32
      %lt3A = arith.constant 48 : i32
      %lt3A_149 = arith.cmpi slt, %add3A_148, %lt3A : i32
      %convert_element_type3A = arith.extui %lt3A_149 : i1 to i32
      %cond3A = arith.constant 0 : i32
      %cond3A_150 = arith.cmpi ne, %convert_element_type3A, %cond3A : i32
      scf.if %cond3A_150 {
        %dma_wait3A_262 = arith.constant 0 : i32
        %dma_wait3A_263 = arith.constant 0 : i32
        %dma_wait3A_264 = arith.constant 0 : i32
        %dma_wait3A_265 = tpu.memref_slice %arg7[%dma_wait3A_262, %dma_wait3A_263, %dma_wait3A_264] : memref<4x56x256xi32, #tpu.memory_space<vmem>> -> memref<1x56x256xi32, #tpu.memory_space<vmem>>
        %dma_wait3A_266 = tpu.memref_squeeze %dma_wait3A_265 : memref<1x56x256xi32, #tpu.memory_space<vmem>> -> memref<56x256xi32, #tpu.memory_space<vmem>>
        %dma_wait3A_267 = arith.constant 0 : i32
        %dma_wait3A_268 = arith.constant 0 : i32
        %dma_wait3A_269 = tpu.memref_slice %arg5[%dma_wait3A_267, %dma_wait3A_268] : memref<86016x256xi32, #tpu.memory_space<hbm>> -> memref<56x256xi32, #tpu.memory_space<hbm>>
        %dma_wait3A_270 = arith.constant 0 : i32
        %dma_wait3A_271 = arith.constant 0 : i32
        %dma_wait3A_272 = tpu.memref_slice %arg5[%dma_wait3A_270, %dma_wait3A_271] : memref<86016x256xi32, #tpu.memory_space<hbm>> -> memref<56x256xi32, #tpu.memory_space<hbm>>
        %dma_wait3A_273 = arith.constant 0 : i32
        %dma_wait3A_274 = arith.constant 0 : i32
        %dma_wait3A_275 = tpu.memref_slice %arg7[%dma_wait3A_262, %dma_wait3A_273, %dma_wait3A_274] : memref<4x56x256xi32, #tpu.memory_space<vmem>> -> memref<1x56x256xi32, #tpu.memory_space<vmem>>
        %dma_wait3A_276 = tpu.memref_squeeze %dma_wait3A_275 : memref<1x56x256xi32, #tpu.memory_space<vmem>> -> memref<56x256xi32, #tpu.memory_space<vmem>>
        tpu.wait_dma2 semaphore(%arg12 : memref<!tpu.dma_semaphore, #tpu.memory_space<semaphore_mem>>) src(%dma_wait3A_276 : memref<56x256xi32, #tpu.memory_space<vmem>>) dst(%dma_wait3A_272 : memref<56x256xi32, #tpu.memory_space<hbm>>)
        %dma_start3A_277 = arith.constant 0 : i32
        %dma_start3A_278 = arith.constant 0 : i32
        %dma_start3A_279 = arith.constant 0 : i32
        %dma_start3A_280 = tpu.memref_slice %arg7[%dma_start3A_277, %dma_start3A_278, %dma_start3A_279] : memref<4x56x256xi32, #tpu.memory_space<vmem>> -> memref<1x56x256xi32, #tpu.memory_space<vmem>>
        %dma_start3A_281 = tpu.memref_squeeze %dma_start3A_280 : memref<1x56x256xi32, #tpu.memory_space<vmem>> -> memref<56x256xi32, #tpu.memory_space<vmem>>
        %dma_start3A_282 = arith.constant 0 : i32
        %dma_start3A_283 = tpu.memref_slice %arg6[%add3A_148, %dma_start3A_282] : memref<48x56xi32, #tpu.memory_space<vmem>> -> memref<1x56xi32, #tpu.memory_space<vmem>>
        %dma_start3A_284 = tpu.memref_squeeze %dma_start3A_283 : memref<1x56xi32, #tpu.memory_space<vmem>> -> memref<56xi32, #tpu.memory_space<vmem>>
        %dma_start3A_285 = arith.constant 0 : i32
        %dma_start3A_286 = arith.constant 0 : i32
        %dma_start3A_287 = tpu.memref_slice %arg2[%dma_start3A_285, %dma_start3A_286] : memref<10000x256xi32, #tpu.memory_space<hbm>> -> memref<10000x256xi32, #tpu.memory_space<hbm>>
        tpu.enqueue_indirect_dma source(%dma_start3A_287 : memref<10000x256xi32, #tpu.memory_space<hbm>>) target(%dma_start3A_281 : memref<56x256xi32, #tpu.memory_space<vmem>>) offsets(%dma_start3A_284 : memref<56xi32, #tpu.memory_space<vmem>>) semaphore(%arg8 : memref<!tpu.dma_semaphore, #tpu.memory_space<semaphore_mem>>)
      } else {
      }
      %add3A_151 = arith.constant 1 : i32
      %add3A_152 = arith.addi %mul3A_116, %add3A_151 : i32
      %dma_wait3A_153 = arith.constant 0 : i32
      %dma_wait3A_154 = arith.constant 1 : i32
      %dma_wait3A_155 = arith.constant 0 : i32
      %dma_wait3A_156 = arith.constant 0 : i32
      %dma_wait3A_157 = tpu.memref_slice %arg7[%dma_wait3A_154, %dma_wait3A_155, %dma_wait3A_156] : memref<4x56x256xi32, #tpu.memory_space<vmem>> -> memref<1x56x256xi32, #tpu.memory_space<vmem>>
      %dma_wait3A_158 = tpu.memref_squeeze %dma_wait3A_157 : memref<1x56x256xi32, #tpu.memory_space<vmem>> -> memref<56x256xi32, #tpu.memory_space<vmem>>
      %dma_wait3A_159 = arith.constant 0 : i32
      %dma_wait3A_160 = tpu.memref_slice %arg6[%dma_wait3A_153, %dma_wait3A_159] : memref<48x56xi32, #tpu.memory_space<vmem>> -> memref<1x56xi32, #tpu.memory_space<vmem>>
      %dma_wait3A_161 = tpu.memref_squeeze %dma_wait3A_160 : memref<1x56xi32, #tpu.memory_space<vmem>> -> memref<56xi32, #tpu.memory_space<vmem>>
      %dma_wait3A_162 = arith.constant 0 : i32
      %dma_wait3A_163 = arith.constant 0 : i32
      %dma_wait3A_164 = tpu.memref_slice %arg2[%dma_wait3A_162, %dma_wait3A_163] : memref<10000x256xi32, #tpu.memory_space<hbm>> -> memref<10000x256xi32, #tpu.memory_space<hbm>>
      tpu.wait_indirect_dma semaphore(%arg9 : memref<!tpu.dma_semaphore, #tpu.memory_space<semaphore_mem>>) src(%dma_wait3A_164 : memref<10000x256xi32, #tpu.memory_space<hbm>>) dst(%dma_wait3A_158 : memref<56x256xi32, #tpu.memory_space<vmem>>)
      %add3A_165 = arith.addi %mul3A_2, %add3A_152 : i32
      %mul3A_166 = arith.constant 56 : i32
      %mul3A_167 = arith.muli %add3A_165, %mul3A_166 : i32
      %dma_start3A_168 = arith.constant 1 : i32
      %dma_start3A_169 = arith.constant 0 : i32
      %dma_start3A_170 = arith.constant 0 : i32
      %dma_start3A_171 = tpu.memref_slice %arg7[%dma_start3A_168, %dma_start3A_169, %dma_start3A_170] : memref<4x56x256xi32, #tpu.memory_space<vmem>> -> memref<1x56x256xi32, #tpu.memory_space<vmem>>
      %dma_start3A_172 = tpu.memref_squeeze %dma_start3A_171 : memref<1x56x256xi32, #tpu.memory_space<vmem>> -> memref<56x256xi32, #tpu.memory_space<vmem>>
      %dma_start3A_173 = arith.constant 0 : i32
      %dma_start3A_174 = tpu.memref_slice %arg5[%mul3A_167, %dma_start3A_173] : memref<86016x256xi32, #tpu.memory_space<hbm>> -> memref<56x256xi32, #tpu.memory_space<hbm>>
      %dma_start3A_175 = arith.constant 0 : i32
      %dma_start3A_176 = tpu.memref_slice %arg5[%mul3A_167, %dma_start3A_175] : memref<86016x256xi32, #tpu.memory_space<hbm>> -> memref<56x256xi32, #tpu.memory_space<hbm>>
      %dma_start3A_177 = arith.constant 0 : i32
      %dma_start3A_178 = arith.constant 0 : i32
      %dma_start3A_179 = tpu.memref_slice %arg7[%dma_start3A_168, %dma_start3A_177, %dma_start3A_178] : memref<4x56x256xi32, #tpu.memory_space<vmem>> -> memref<1x56x256xi32, #tpu.memory_space<vmem>>
      %dma_start3A_180 = tpu.memref_squeeze %dma_start3A_179 : memref<1x56x256xi32, #tpu.memory_space<vmem>> -> memref<56x256xi32, #tpu.memory_space<vmem>>
      tpu.enqueue_dma source(%dma_start3A_180 : memref<56x256xi32, #tpu.memory_space<vmem>>) target(%dma_start3A_176 : memref<56x256xi32, #tpu.memory_space<hbm>>) target_semaphore(%arg13 : memref<!tpu.dma_semaphore, #tpu.memory_space<semaphore_mem>>)
      %add3A_181 = arith.constant 4 : i32
      %add3A_182 = arith.addi %add3A_152, %add3A_181 : i32
      %lt3A_183 = arith.constant 48 : i32
      %lt3A_184 = arith.cmpi slt, %add3A_182, %lt3A_183 : i32
      %convert_element_type3A_185 = arith.extui %lt3A_184 : i1 to i32
      %cond3A_186 = arith.constant 0 : i32
      %cond3A_187 = arith.cmpi ne, %convert_element_type3A_185, %cond3A_186 : i32
      scf.if %cond3A_187 {
        %dma_wait3A_262 = arith.constant 1 : i32
        %dma_wait3A_263 = arith.constant 0 : i32
        %dma_wait3A_264 = arith.constant 0 : i32
        %dma_wait3A_265 = tpu.memref_slice %arg7[%dma_wait3A_262, %dma_wait3A_263, %dma_wait3A_264] : memref<4x56x256xi32, #tpu.memory_space<vmem>> -> memref<1x56x256xi32, #tpu.memory_space<vmem>>
        %dma_wait3A_266 = tpu.memref_squeeze %dma_wait3A_265 : memref<1x56x256xi32, #tpu.memory_space<vmem>> -> memref<56x256xi32, #tpu.memory_space<vmem>>
        %dma_wait3A_267 = arith.constant 0 : i32
        %dma_wait3A_268 = arith.constant 0 : i32
        %dma_wait3A_269 = tpu.memref_slice %arg5[%dma_wait3A_267, %dma_wait3A_268] : memref<86016x256xi32, #tpu.memory_space<hbm>> -> memref<56x256xi32, #tpu.memory_space<hbm>>
        %dma_wait3A_270 = arith.constant 0 : i32
        %dma_wait3A_271 = arith.constant 0 : i32
        %dma_wait3A_272 = tpu.memref_slice %arg5[%dma_wait3A_270, %dma_wait3A_271] : memref<86016x256xi32, #tpu.memory_space<hbm>> -> memref<56x256xi32, #tpu.memory_space<hbm>>
        %dma_wait3A_273 = arith.constant 0 : i32
        %dma_wait3A_274 = arith.constant 0 : i32
        %dma_wait3A_275 = tpu.memref_slice %arg7[%dma_wait3A_262, %dma_wait3A_273, %dma_wait3A_274] : memref<4x56x256xi32, #tpu.memory_space<vmem>> -> memref<1x56x256xi32, #tpu.memory_space<vmem>>
        %dma_wait3A_276 = tpu.memref_squeeze %dma_wait3A_275 : memref<1x56x256xi32, #tpu.memory_space<vmem>> -> memref<56x256xi32, #tpu.memory_space<vmem>>
        tpu.wait_dma2 semaphore(%arg13 : memref<!tpu.dma_semaphore, #tpu.memory_space<semaphore_mem>>) src(%dma_wait3A_276 : memref<56x256xi32, #tpu.memory_space<vmem>>) dst(%dma_wait3A_272 : memref<56x256xi32, #tpu.memory_space<hbm>>)
        %dma_start3A_277 = arith.constant 1 : i32
        %dma_start3A_278 = arith.constant 0 : i32
        %dma_start3A_279 = arith.constant 0 : i32
        %dma_start3A_280 = tpu.memref_slice %arg7[%dma_start3A_277, %dma_start3A_278, %dma_start3A_279] : memref<4x56x256xi32, #tpu.memory_space<vmem>> -> memref<1x56x256xi32, #tpu.memory_space<vmem>>
        %dma_start3A_281 = tpu.memref_squeeze %dma_start3A_280 : memref<1x56x256xi32, #tpu.memory_space<vmem>> -> memref<56x256xi32, #tpu.memory_space<vmem>>
        %dma_start3A_282 = arith.constant 0 : i32
        %dma_start3A_283 = tpu.memref_slice %arg6[%add3A_182, %dma_start3A_282] : memref<48x56xi32, #tpu.memory_space<vmem>> -> memref<1x56xi32, #tpu.memory_space<vmem>>
        %dma_start3A_284 = tpu.memref_squeeze %dma_start3A_283 : memref<1x56xi32, #tpu.memory_space<vmem>> -> memref<56xi32, #tpu.memory_space<vmem>>
        %dma_start3A_285 = arith.constant 0 : i32
        %dma_start3A_286 = arith.constant 0 : i32
        %dma_start3A_287 = tpu.memref_slice %arg2[%dma_start3A_285, %dma_start3A_286] : memref<10000x256xi32, #tpu.memory_space<hbm>> -> memref<10000x256xi32, #tpu.memory_space<hbm>>
        tpu.enqueue_indirect_dma source(%dma_start3A_287 : memref<10000x256xi32, #tpu.memory_space<hbm>>) target(%dma_start3A_281 : memref<56x256xi32, #tpu.memory_space<vmem>>) offsets(%dma_start3A_284 : memref<56xi32, #tpu.memory_space<vmem>>) semaphore(%arg9 : memref<!tpu.dma_semaphore, #tpu.memory_space<semaphore_mem>>)
      } else {
      }
      %add3A_188 = arith.constant 2 : i32
      %add3A_189 = arith.addi %mul3A_116, %add3A_188 : i32
      %dma_wait3A_190 = arith.constant 0 : i32
      %dma_wait3A_191 = arith.constant 2 : i32
      %dma_wait3A_192 = arith.constant 0 : i32
      %dma_wait3A_193 = arith.constant 0 : i32
      %dma_wait3A_194 = tpu.memref_slice %arg7[%dma_wait3A_191, %dma_wait3A_192, %dma_wait3A_193] : memref<4x56x256xi32, #tpu.memory_space<vmem>> -> memref<1x56x256xi32, #tpu.memory_space<vmem>>
      %dma_wait3A_195 = tpu.memref_squeeze %dma_wait3A_194 : memref<1x56x256xi32, #tpu.memory_space<vmem>> -> memref<56x256xi32, #tpu.memory_space<vmem>>
      %dma_wait3A_196 = arith.constant 0 : i32
      %dma_wait3A_197 = tpu.memref_slice %arg6[%dma_wait3A_190, %dma_wait3A_196] : memref<48x56xi32, #tpu.memory_space<vmem>> -> memref<1x56xi32, #tpu.memory_space<vmem>>
      %dma_wait3A_198 = tpu.memref_squeeze %dma_wait3A_197 : memref<1x56xi32, #tpu.memory_space<vmem>> -> memref<56xi32, #tpu.memory_space<vmem>>
      %dma_wait3A_199 = arith.constant 0 : i32
      %dma_wait3A_200 = arith.constant 0 : i32
      %dma_wait3A_201 = tpu.memref_slice %arg2[%dma_wait3A_199, %dma_wait3A_200] : memref<10000x256xi32, #tpu.memory_space<hbm>> -> memref<10000x256xi32, #tpu.memory_space<hbm>>
      tpu.wait_indirect_dma semaphore(%arg10 : memref<!tpu.dma_semaphore, #tpu.memory_space<semaphore_mem>>) src(%dma_wait3A_201 : memref<10000x256xi32, #tpu.memory_space<hbm>>) dst(%dma_wait3A_195 : memref<56x256xi32, #tpu.memory_space<vmem>>)
      %add3A_202 = arith.addi %mul3A_2, %add3A_189 : i32
      %mul3A_203 = arith.constant 56 : i32
      %mul3A_204 = arith.muli %add3A_202, %mul3A_203 : i32
      %dma_start3A_205 = arith.constant 2 : i32
      %dma_start3A_206 = arith.constant 0 : i32
      %dma_start3A_207 = arith.constant 0 : i32
      %dma_start3A_208 = tpu.memref_slice %arg7[%dma_start3A_205, %dma_start3A_206, %dma_start3A_207] : memref<4x56x256xi32, #tpu.memory_space<vmem>> -> memref<1x56x256xi32, #tpu.memory_space<vmem>>
      %dma_start3A_209 = tpu.memref_squeeze %dma_start3A_208 : memref<1x56x256xi32, #tpu.memory_space<vmem>> -> memref<56x256xi32, #tpu.memory_space<vmem>>
      %dma_start3A_210 = arith.constant 0 : i32
      %dma_start3A_211 = tpu.memref_slice %arg5[%mul3A_204, %dma_start3A_210] : memref<86016x256xi32, #tpu.memory_space<hbm>> -> memref<56x256xi32, #tpu.memory_space<hbm>>
      %dma_start3A_212 = arith.constant 0 : i32
      %dma_start3A_213 = tpu.memref_slice %arg5[%mul3A_204, %dma_start3A_212] : memref<86016x256xi32, #tpu.memory_space<hbm>> -> memref<56x256xi32, #tpu.memory_space<hbm>>
      %dma_start3A_214 = arith.constant 0 : i32
      %dma_start3A_215 = arith.constant 0 : i32
      %dma_start3A_216 = tpu.memref_slice %arg7[%dma_start3A_205, %dma_start3A_214, %dma_start3A_215] : memref<4x56x256xi32, #tpu.memory_space<vmem>> -> memref<1x56x256xi32, #tpu.memory_space<vmem>>
      %dma_start3A_217 = tpu.memref_squeeze %dma_start3A_216 : memref<1x56x256xi32, #tpu.memory_space<vmem>> -> memref<56x256xi32, #tpu.memory_space<vmem>>
      tpu.enqueue_dma source(%dma_start3A_217 : memref<56x256xi32, #tpu.memory_space<vmem>>) target(%dma_start3A_213 : memref<56x256xi32, #tpu.memory_space<hbm>>) target_semaphore(%arg14 : memref<!tpu.dma_semaphore, #tpu.memory_space<semaphore_mem>>)
      %add3A_218 = arith.constant 4 : i32
      %add3A_219 = arith.addi %add3A_189, %add3A_218 : i32
      %lt3A_220 = arith.constant 48 : i32
      %lt3A_221 = arith.cmpi slt, %add3A_219, %lt3A_220 : i32
      %convert_element_type3A_222 = arith.extui %lt3A_221 : i1 to i32
      %cond3A_223 = arith.constant 0 : i32
      %cond3A_224 = arith.cmpi ne, %convert_element_type3A_222, %cond3A_223 : i32
      scf.if %cond3A_224 {
        %dma_wait3A_262 = arith.constant 2 : i32
        %dma_wait3A_263 = arith.constant 0 : i32
        %dma_wait3A_264 = arith.constant 0 : i32
        %dma_wait3A_265 = tpu.memref_slice %arg7[%dma_wait3A_262, %dma_wait3A_263, %dma_wait3A_264] : memref<4x56x256xi32, #tpu.memory_space<vmem>> -> memref<1x56x256xi32, #tpu.memory_space<vmem>>
        %dma_wait3A_266 = tpu.memref_squeeze %dma_wait3A_265 : memref<1x56x256xi32, #tpu.memory_space<vmem>> -> memref<56x256xi32, #tpu.memory_space<vmem>>
        %dma_wait3A_267 = arith.constant 0 : i32
        %dma_wait3A_268 = arith.constant 0 : i32
        %dma_wait3A_269 = tpu.memref_slice %arg5[%dma_wait3A_267, %dma_wait3A_268] : memref<86016x256xi32, #tpu.memory_space<hbm>> -> memref<56x256xi32, #tpu.memory_space<hbm>>
        %dma_wait3A_270 = arith.constant 0 : i32
        %dma_wait3A_271 = arith.constant 0 : i32
        %dma_wait3A_272 = tpu.memref_slice %arg5[%dma_wait3A_270, %dma_wait3A_271] : memref<86016x256xi32, #tpu.memory_space<hbm>> -> memref<56x256xi32, #tpu.memory_space<hbm>>
        %dma_wait3A_273 = arith.constant 0 : i32
        %dma_wait3A_274 = arith.constant 0 : i32
        %dma_wait3A_275 = tpu.memref_slice %arg7[%dma_wait3A_262, %dma_wait3A_273, %dma_wait3A_274] : memref<4x56x256xi32, #tpu.memory_space<vmem>> -> memref<1x56x256xi32, #tpu.memory_space<vmem>>
        %dma_wait3A_276 = tpu.memref_squeeze %dma_wait3A_275 : memref<1x56x256xi32, #tpu.memory_space<vmem>> -> memref<56x256xi32, #tpu.memory_space<vmem>>
        tpu.wait_dma2 semaphore(%arg14 : memref<!tpu.dma_semaphore, #tpu.memory_space<semaphore_mem>>) src(%dma_wait3A_276 : memref<56x256xi32, #tpu.memory_space<vmem>>) dst(%dma_wait3A_272 : memref<56x256xi32, #tpu.memory_space<hbm>>)
        %dma_start3A_277 = arith.constant 2 : i32
        %dma_start3A_278 = arith.constant 0 : i32
        %dma_start3A_279 = arith.constant 0 : i32
        %dma_start3A_280 = tpu.memref_slice %arg7[%dma_start3A_277, %dma_start3A_278, %dma_start3A_279] : memref<4x56x256xi32, #tpu.memory_space<vmem>> -> memref<1x56x256xi32, #tpu.memory_space<vmem>>
        %dma_start3A_281 = tpu.memref_squeeze %dma_start3A_280 : memref<1x56x256xi32, #tpu.memory_space<vmem>> -> memref<56x256xi32, #tpu.memory_space<vmem>>
        %dma_start3A_282 = arith.constant 0 : i32
        %dma_start3A_283 = tpu.memref_slice %arg6[%add3A_219, %dma_start3A_282] : memref<48x56xi32, #tpu.memory_space<vmem>> -> memref<1x56xi32, #tpu.memory_space<vmem>>
        %dma_start3A_284 = tpu.memref_squeeze %dma_start3A_283 : memref<1x56xi32, #tpu.memory_space<vmem>> -> memref<56xi32, #tpu.memory_space<vmem>>
        %dma_start3A_285 = arith.constant 0 : i32
        %dma_start3A_286 = arith.constant 0 : i32
        %dma_start3A_287 = tpu.memref_slice %arg2[%dma_start3A_285, %dma_start3A_286] : memref<10000x256xi32, #tpu.memory_space<hbm>> -> memref<10000x256xi32, #tpu.memory_space<hbm>>
        tpu.enqueue_indirect_dma source(%dma_start3A_287 : memref<10000x256xi32, #tpu.memory_space<hbm>>) target(%dma_start3A_281 : memref<56x256xi32, #tpu.memory_space<vmem>>) offsets(%dma_start3A_284 : memref<56xi32, #tpu.memory_space<vmem>>) semaphore(%arg10 : memref<!tpu.dma_semaphore, #tpu.memory_space<semaphore_mem>>)
      } else {
      }
      %add3A_225 = arith.constant 3 : i32
      %add3A_226 = arith.addi %mul3A_116, %add3A_225 : i32
      %dma_wait3A_227 = arith.constant 0 : i32
      %dma_wait3A_228 = arith.constant 3 : i32
      %dma_wait3A_229 = arith.constant 0 : i32
      %dma_wait3A_230 = arith.constant 0 : i32
      %dma_wait3A_231 = tpu.memref_slice %arg7[%dma_wait3A_228, %dma_wait3A_229, %dma_wait3A_230] : memref<4x56x256xi32, #tpu.memory_space<vmem>> -> memref<1x56x256xi32, #tpu.memory_space<vmem>>
      %dma_wait3A_232 = tpu.memref_squeeze %dma_wait3A_231 : memref<1x56x256xi32, #tpu.memory_space<vmem>> -> memref<56x256xi32, #tpu.memory_space<vmem>>
      %dma_wait3A_233 = arith.constant 0 : i32
      %dma_wait3A_234 = tpu.memref_slice %arg6[%dma_wait3A_227, %dma_wait3A_233] : memref<48x56xi32, #tpu.memory_space<vmem>> -> memref<1x56xi32, #tpu.memory_space<vmem>>
      %dma_wait3A_235 = tpu.memref_squeeze %dma_wait3A_234 : memref<1x56xi32, #tpu.memory_space<vmem>> -> memref<56xi32, #tpu.memory_space<vmem>>
      %dma_wait3A_236 = arith.constant 0 : i32
      %dma_wait3A_237 = arith.constant 0 : i32
      %dma_wait3A_238 = tpu.memref_slice %arg2[%dma_wait3A_236, %dma_wait3A_237] : memref<10000x256xi32, #tpu.memory_space<hbm>> -> memref<10000x256xi32, #tpu.memory_space<hbm>>
      tpu.wait_indirect_dma semaphore(%arg11 : memref<!tpu.dma_semaphore, #tpu.memory_space<semaphore_mem>>) src(%dma_wait3A_238 : memref<10000x256xi32, #tpu.memory_space<hbm>>) dst(%dma_wait3A_232 : memref<56x256xi32, #tpu.memory_space<vmem>>)
      %add3A_239 = arith.addi %mul3A_2, %add3A_226 : i32
      %mul3A_240 = arith.constant 56 : i32
      %mul3A_241 = arith.muli %add3A_239, %mul3A_240 : i32
      %dma_start3A_242 = arith.constant 3 : i32
      %dma_start3A_243 = arith.constant 0 : i32
      %dma_start3A_244 = arith.constant 0 : i32
      %dma_start3A_245 = tpu.memref_slice %arg7[%dma_start3A_242, %dma_start3A_243, %dma_start3A_244] : memref<4x56x256xi32, #tpu.memory_space<vmem>> -> memref<1x56x256xi32, #tpu.memory_space<vmem>>
      %dma_start3A_246 = tpu.memref_squeeze %dma_start3A_245 : memref<1x56x256xi32, #tpu.memory_space<vmem>> -> memref<56x256xi32, #tpu.memory_space<vmem>>
      %dma_start3A_247 = arith.constant 0 : i32
      %dma_start3A_248 = tpu.memref_slice %arg5[%mul3A_241, %dma_start3A_247] : memref<86016x256xi32, #tpu.memory_space<hbm>> -> memref<56x256xi32, #tpu.memory_space<hbm>>
      %dma_start3A_249 = arith.constant 0 : i32
      %dma_start3A_250 = tpu.memref_slice %arg5[%mul3A_241, %dma_start3A_249] : memref<86016x256xi32, #tpu.memory_space<hbm>> -> memref<56x256xi32, #tpu.memory_space<hbm>>
      %dma_start3A_251 = arith.constant 0 : i32
      %dma_start3A_252 = arith.constant 0 : i32
      %dma_start3A_253 = tpu.memref_slice %arg7[%dma_start3A_242, %dma_start3A_251, %dma_start3A_252] : memref<4x56x256xi32, #tpu.memory_space<vmem>> -> memref<1x56x256xi32, #tpu.memory_space<vmem>>
      %dma_start3A_254 = tpu.memref_squeeze %dma_start3A_253 : memref<1x56x256xi32, #tpu.memory_space<vmem>> -> memref<56x256xi32, #tpu.memory_space<vmem>>
      tpu.enqueue_dma source(%dma_start3A_254 : memref<56x256xi32, #tpu.memory_space<vmem>>) target(%dma_start3A_250 : memref<56x256xi32, #tpu.memory_space<hbm>>) target_semaphore(%arg15 : memref<!tpu.dma_semaphore, #tpu.memory_space<semaphore_mem>>)
      %add3A_255 = arith.constant 4 : i32
      %add3A_256 = arith.addi %add3A_226, %add3A_255 : i32
      %lt3A_257 = arith.constant 48 : i32
      %lt3A_258 = arith.cmpi slt, %add3A_256, %lt3A_257 : i32
      %convert_element_type3A_259 = arith.extui %lt3A_258 : i1 to i32
      %cond3A_260 = arith.constant 0 : i32
      %cond3A_261 = arith.cmpi ne, %convert_element_type3A_259, %cond3A_260 : i32
      scf.if %cond3A_261 {
        %dma_wait3A_262 = arith.constant 3 : i32
        %dma_wait3A_263 = arith.constant 0 : i32
        %dma_wait3A_264 = arith.constant 0 : i32
        %dma_wait3A_265 = tpu.memref_slice %arg7[%dma_wait3A_262, %dma_wait3A_263, %dma_wait3A_264] : memref<4x56x256xi32, #tpu.memory_space<vmem>> -> memref<1x56x256xi32, #tpu.memory_space<vmem>>
        %dma_wait3A_266 = tpu.memref_squeeze %dma_wait3A_265 : memref<1x56x256xi32, #tpu.memory_space<vmem>> -> memref<56x256xi32, #tpu.memory_space<vmem>>
        %dma_wait3A_267 = arith.constant 0 : i32
        %dma_wait3A_268 = arith.constant 0 : i32
        %dma_wait3A_269 = tpu.memref_slice %arg5[%dma_wait3A_267, %dma_wait3A_268] : memref<86016x256xi32, #tpu.memory_space<hbm>> -> memref<56x256xi32, #tpu.memory_space<hbm>>
        %dma_wait3A_270 = arith.constant 0 : i32
        %dma_wait3A_271 = arith.constant 0 : i32
        %dma_wait3A_272 = tpu.memref_slice %arg5[%dma_wait3A_270, %dma_wait3A_271] : memref<86016x256xi32, #tpu.memory_space<hbm>> -> memref<56x256xi32, #tpu.memory_space<hbm>>
        %dma_wait3A_273 = arith.constant 0 : i32
        %dma_wait3A_274 = arith.constant 0 : i32
        %dma_wait3A_275 = tpu.memref_slice %arg7[%dma_wait3A_262, %dma_wait3A_273, %dma_wait3A_274] : memref<4x56x256xi32, #tpu.memory_space<vmem>> -> memref<1x56x256xi32, #tpu.memory_space<vmem>>
        %dma_wait3A_276 = tpu.memref_squeeze %dma_wait3A_275 : memref<1x56x256xi32, #tpu.memory_space<vmem>> -> memref<56x256xi32, #tpu.memory_space<vmem>>
        tpu.wait_dma2 semaphore(%arg15 : memref<!tpu.dma_semaphore, #tpu.memory_space<semaphore_mem>>) src(%dma_wait3A_276 : memref<56x256xi32, #tpu.memory_space<vmem>>) dst(%dma_wait3A_272 : memref<56x256xi32, #tpu.memory_space<hbm>>)
        %dma_start3A_277 = arith.constant 3 : i32
        %dma_start3A_278 = arith.constant 0 : i32
        %dma_start3A_279 = arith.constant 0 : i32
        %dma_start3A_280 = tpu.memref_slice %arg7[%dma_start3A_277, %dma_start3A_278, %dma_start3A_279] : memref<4x56x256xi32, #tpu.memory_space<vmem>> -> memref<1x56x256xi32, #tpu.memory_space<vmem>>
        %dma_start3A_281 = tpu.memref_squeeze %dma_start3A_280 : memref<1x56x256xi32, #tpu.memory_space<vmem>> -> memref<56x256xi32, #tpu.memory_space<vmem>>
        %dma_start3A_282 = arith.constant 0 : i32
        %dma_start3A_283 = tpu.memref_slice %arg6[%add3A_256, %dma_start3A_282] : memref<48x56xi32, #tpu.memory_space<vmem>> -> memref<1x56xi32, #tpu.memory_space<vmem>>
        %dma_start3A_284 = tpu.memref_squeeze %dma_start3A_283 : memref<1x56xi32, #tpu.memory_space<vmem>> -> memref<56xi32, #tpu.memory_space<vmem>>
        %dma_start3A_285 = arith.constant 0 : i32
        %dma_start3A_286 = arith.constant 0 : i32
        %dma_start3A_287 = tpu.memref_slice %arg2[%dma_start3A_285, %dma_start3A_286] : memref<10000x256xi32, #tpu.memory_space<hbm>> -> memref<10000x256xi32, #tpu.memory_space<hbm>>
        tpu.enqueue_indirect_dma source(%dma_start3A_287 : memref<10000x256xi32, #tpu.memory_space<hbm>>) target(%dma_start3A_281 : memref<56x256xi32, #tpu.memory_space<vmem>>) offsets(%dma_start3A_284 : memref<56xi32, #tpu.memory_space<vmem>>) semaphore(%arg11 : memref<!tpu.dma_semaphore, #tpu.memory_space<semaphore_mem>>)
      } else {
      }
    }
    %scan3A_54 = arith.constant 12 : i32
    %dma_wait3A = arith.constant 0 : i32
    %dma_wait3A_55 = arith.constant 0 : i32
    %dma_wait3A_56 = arith.constant 0 : i32
    %dma_wait3A_57 = tpu.memref_slice %arg7[%dma_wait3A, %dma_wait3A_55, %dma_wait3A_56] : memref<4x56x256xi32, #tpu.memory_space<vmem>> -> memref<1x56x256xi32, #tpu.memory_space<vmem>>
    %dma_wait3A_58 = tpu.memref_squeeze %dma_wait3A_57 : memref<1x56x256xi32, #tpu.memory_space<vmem>> -> memref<56x256xi32, #tpu.memory_space<vmem>>
    %dma_wait3A_59 = arith.constant 0 : i32
    %dma_wait3A_60 = arith.constant 0 : i32
    %dma_wait3A_61 = tpu.memref_slice %arg5[%dma_wait3A_59, %dma_wait3A_60] : memref<86016x256xi32, #tpu.memory_space<hbm>> -> memref<56x256xi32, #tpu.memory_space<hbm>>
    %dma_wait3A_62 = arith.constant 0 : i32
    %dma_wait3A_63 = arith.constant 0 : i32
    %dma_wait3A_64 = tpu.memref_slice %arg5[%dma_wait3A_62, %dma_wait3A_63] : memref<86016x256xi32, #tpu.memory_space<hbm>> -> memref<56x256xi32, #tpu.memory_space<hbm>>
    %dma_wait3A_65 = arith.constant 0 : i32
    %dma_wait3A_66 = arith.constant 0 : i32
    %dma_wait3A_67 = tpu.memref_slice %arg7[%dma_wait3A, %dma_wait3A_65, %dma_wait3A_66] : memref<4x56x256xi32, #tpu.memory_space<vmem>> -> memref<1x56x256xi32, #tpu.memory_space<vmem>>
    %dma_wait3A_68 = tpu.memref_squeeze %dma_wait3A_67 : memref<1x56x256xi32, #tpu.memory_space<vmem>> -> memref<56x256xi32, #tpu.memory_space<vmem>>
    tpu.wait_dma2 semaphore(%arg12 : memref<!tpu.dma_semaphore, #tpu.memory_space<semaphore_mem>>) src(%dma_wait3A_68 : memref<56x256xi32, #tpu.memory_space<vmem>>) dst(%dma_wait3A_64 : memref<56x256xi32, #tpu.memory_space<hbm>>)
    %dma_wait3A_69 = arith.constant 1 : i32
    %dma_wait3A_70 = arith.constant 0 : i32
    %dma_wait3A_71 = arith.constant 0 : i32
    %dma_wait3A_72 = tpu.memref_slice %arg7[%dma_wait3A_69, %dma_wait3A_70, %dma_wait3A_71] : memref<4x56x256xi32, #tpu.memory_space<vmem>> -> memref<1x56x256xi32, #tpu.memory_space<vmem>>
    %dma_wait3A_73 = tpu.memref_squeeze %dma_wait3A_72 : memref<1x56x256xi32, #tpu.memory_space<vmem>> -> memref<56x256xi32, #tpu.memory_space<vmem>>
    %dma_wait3A_74 = arith.constant 0 : i32
    %dma_wait3A_75 = arith.constant 0 : i32
    %dma_wait3A_76 = tpu.memref_slice %arg5[%dma_wait3A_74, %dma_wait3A_75] : memref<86016x256xi32, #tpu.memory_space<hbm>> -> memref<56x256xi32, #tpu.memory_space<hbm>>
    %dma_wait3A_77 = arith.constant 0 : i32
    %dma_wait3A_78 = arith.constant 0 : i32
    %dma_wait3A_79 = tpu.memref_slice %arg5[%dma_wait3A_77, %dma_wait3A_78] : memref<86016x256xi32, #tpu.memory_space<hbm>> -> memref<56x256xi32, #tpu.memory_space<hbm>>
    %dma_wait3A_80 = arith.constant 0 : i32
    %dma_wait3A_81 = arith.constant 0 : i32
    %dma_wait3A_82 = tpu.memref_slice %arg7[%dma_wait3A_69, %dma_wait3A_80, %dma_wait3A_81] : memref<4x56x256xi32, #tpu.memory_space<vmem>> -> memref<1x56x256xi32, #tpu.memory_space<vmem>>
    %dma_wait3A_83 = tpu.memref_squeeze %dma_wait3A_82 : memref<1x56x256xi32, #tpu.memory_space<vmem>> -> memref<56x256xi32, #tpu.memory_space<vmem>>
    tpu.wait_dma2 semaphore(%arg13 : memref<!tpu.dma_semaphore, #tpu.memory_space<semaphore_mem>>) src(%dma_wait3A_83 : memref<56x256xi32, #tpu.memory_space<vmem>>) dst(%dma_wait3A_79 : memref<56x256xi32, #tpu.memory_space<hbm>>)
    %dma_wait3A_84 = arith.constant 2 : i32
    %dma_wait3A_85 = arith.constant 0 : i32
    %dma_wait3A_86 = arith.constant 0 : i32
    %dma_wait3A_87 = tpu.memref_slice %arg7[%dma_wait3A_84, %dma_wait3A_85, %dma_wait3A_86] : memref<4x56x256xi32, #tpu.memory_space<vmem>> -> memref<1x56x256xi32, #tpu.memory_space<vmem>>
    %dma_wait3A_88 = tpu.memref_squeeze %dma_wait3A_87 : memref<1x56x256xi32, #tpu.memory_space<vmem>> -> memref<56x256xi32, #tpu.memory_space<vmem>>
    %dma_wait3A_89 = arith.constant 0 : i32
    %dma_wait3A_90 = arith.constant 0 : i32
    %dma_wait3A_91 = tpu.memref_slice %arg5[%dma_wait3A_89, %dma_wait3A_90] : memref<86016x256xi32, #tpu.memory_space<hbm>> -> memref<56x256xi32, #tpu.memory_space<hbm>>
    %dma_wait3A_92 = arith.constant 0 : i32
    %dma_wait3A_93 = arith.constant 0 : i32
    %dma_wait3A_94 = tpu.memref_slice %arg5[%dma_wait3A_92, %dma_wait3A_93] : memref<86016x256xi32, #tpu.memory_space<hbm>> -> memref<56x256xi32, #tpu.memory_space<hbm>>
    %dma_wait3A_95 = arith.constant 0 : i32
    %dma_wait3A_96 = arith.constant 0 : i32
    %dma_wait3A_97 = tpu.memref_slice %arg7[%dma_wait3A_84, %dma_wait3A_95, %dma_wait3A_96] : memref<4x56x256xi32, #tpu.memory_space<vmem>> -> memref<1x56x256xi32, #tpu.memory_space<vmem>>
    %dma_wait3A_98 = tpu.memref_squeeze %dma_wait3A_97 : memref<1x56x256xi32, #tpu.memory_space<vmem>> -> memref<56x256xi32, #tpu.memory_space<vmem>>
    tpu.wait_dma2 semaphore(%arg14 : memref<!tpu.dma_semaphore, #tpu.memory_space<semaphore_mem>>) src(%dma_wait3A_98 : memref<56x256xi32, #tpu.memory_space<vmem>>) dst(%dma_wait3A_94 : memref<56x256xi32, #tpu.memory_space<hbm>>)
    %dma_wait3A_99 = arith.constant 3 : i32
    %dma_wait3A_100 = arith.constant 0 : i32
    %dma_wait3A_101 = arith.constant 0 : i32
    %dma_wait3A_102 = tpu.memref_slice %arg7[%dma_wait3A_99, %dma_wait3A_100, %dma_wait3A_101] : memref<4x56x256xi32, #tpu.memory_space<vmem>> -> memref<1x56x256xi32, #tpu.memory_space<vmem>>
    %dma_wait3A_103 = tpu.memref_squeeze %dma_wait3A_102 : memref<1x56x256xi32, #tpu.memory_space<vmem>> -> memref<56x256xi32, #tpu.memory_space<vmem>>
    %dma_wait3A_104 = arith.constant 0 : i32
    %dma_wait3A_105 = arith.constant 0 : i32
    %dma_wait3A_106 = tpu.memref_slice %arg5[%dma_wait3A_104, %dma_wait3A_105] : memref<86016x256xi32, #tpu.memory_space<hbm>> -> memref<56x256xi32, #tpu.memory_space<hbm>>
    %dma_wait3A_107 = arith.constant 0 : i32
    %dma_wait3A_108 = arith.constant 0 : i32
    %dma_wait3A_109 = tpu.memref_slice %arg5[%dma_wait3A_107, %dma_wait3A_108] : memref<86016x256xi32, #tpu.memory_space<hbm>> -> memref<56x256xi32, #tpu.memory_space<hbm>>
    %dma_wait3A_110 = arith.constant 0 : i32
    %dma_wait3A_111 = arith.constant 0 : i32
    %dma_wait3A_112 = tpu.memref_slice %arg7[%dma_wait3A_99, %dma_wait3A_110, %dma_wait3A_111] : memref<4x56x256xi32, #tpu.memory_space<vmem>> -> memref<1x56x256xi32, #tpu.memory_space<vmem>>
    %dma_wait3A_113 = tpu.memref_squeeze %dma_wait3A_112 : memref<1x56x256xi32, #tpu.memory_space<vmem>> -> memref<56x256xi32, #tpu.memory_space<vmem>>
    tpu.wait_dma2 semaphore(%arg15 : memref<!tpu.dma_semaphore, #tpu.memory_space<semaphore_mem>>) src(%dma_wait3A_113 : memref<56x256xi32, #tpu.memory_space<vmem>>) dst(%dma_wait3A_109 : memref<56x256xi32, #tpu.memory_space<hbm>>)
    return
  }
}

#map = affine_map<(d0, d1) -> (0, 0)>
module attributes {stable_mosaic.version = 14 : i64} {
  func.func @_sc_gather(%arg0: i32, %arg1: i32, %arg2: memref<10000x256xi32, #tpu.memory_space<hbm>>, %arg3: memref<10000x512xf32, #tpu.memory_space<hbm>>, %arg4: memref<4608x56xi32, #tpu.memory_space<hbm>>, %arg5: memref<64x56xi32, #tpu.memory_space<hbm>>, %arg6: memref<258048x256xi32, #tpu.memory_space<hbm>>, %arg7: memref<3584x512xf32, #tpu.memory_space<hbm>>, %arg8: memref<144x56xi32, #tpu.memory_space<vmem>>, %arg9: memref<4x56x256xi32, #tpu.memory_space<vmem>>, %arg10: memref<!tpu.dma_semaphore, #tpu.memory_space<semaphore_mem>>, %arg11: memref<!tpu.dma_semaphore, #tpu.memory_space<semaphore_mem>>, %arg12: memref<!tpu.dma_semaphore, #tpu.memory_space<semaphore_mem>>, %arg13: memref<!tpu.dma_semaphore, #tpu.memory_space<semaphore_mem>>, %arg14: memref<!tpu.dma_semaphore, #tpu.memory_space<semaphore_mem>>, %arg15: memref<!tpu.dma_semaphore, #tpu.memory_space<semaphore_mem>>, %arg16: memref<!tpu.dma_semaphore, #tpu.memory_space<semaphore_mem>>, %arg17: memref<!tpu.dma_semaphore, #tpu.memory_space<semaphore_mem>>, %arg18: memref<2x56xi32, #tpu.memory_space<vmem>>, %arg19: memref<56x512xf32, #tpu.memory_space<vmem>>, %arg20: memref<!tpu.dma_semaphore, #tpu.memory_space<semaphore_mem>>) attributes {dimension_semantics = [#tpu.dimension_semantics<core_parallel>, #tpu.dimension_semantics<subcore_parallel>], iteration_bounds = array<i64: 2, 16>, scalar_prefetch = 0 : i64, scratch_operands = 13 : i64, tpu.core_type = #tpu.core_type<sc_vector_subcore>, window_params = [{transform_indices = #map}, {transform_indices = #map}, {transform_indices = #map}, {transform_indices = #map}, {transform_indices = #map}, {transform_indices = #map}]} {
    %mul3A = arith.constant 2 : i32
    %mul3A_0 = arith.muli %arg1, %mul3A : i32
    %add3A = arith.addi %mul3A_0, %arg0 : i32
    %mul3A_1 = arith.constant 144 : i32
    %mul3A_2 = arith.muli %add3A, %mul3A_1 : i32
    "tpu.region"() ({
      %run_scoped3A = tpu.sem_alloc : memref<!tpu.dma_semaphore, #tpu.memory_space<semaphore_mem>>
      %dma_start3A_156 = arith.constant 0 : i32
      %dma_start3A_157 = tpu.memref_slice %arg4[%mul3A_2, %dma_start3A_156] : memref<4608x56xi32, #tpu.memory_space<hbm>> -> memref<144x56xi32, #tpu.memory_space<hbm>>
      %dma_start3A_158 = arith.constant 0 : i32
      %dma_start3A_159 = tpu.memref_slice %arg4[%mul3A_2, %dma_start3A_158] : memref<4608x56xi32, #tpu.memory_space<hbm>> -> memref<144x56xi32, #tpu.memory_space<hbm>>
      tpu.enqueue_dma source(%dma_start3A_159 : memref<144x56xi32, #tpu.memory_space<hbm>>) target(%arg8 : memref<144x56xi32, #tpu.memory_space<vmem>>) target_semaphore(%run_scoped3A : memref<!tpu.dma_semaphore, #tpu.memory_space<semaphore_mem>>)
      %dma_wait3A_160 = arith.constant 0 : i32
      %dma_wait3A_161 = tpu.memref_slice %arg4[%mul3A_2, %dma_wait3A_160] : memref<4608x56xi32, #tpu.memory_space<hbm>> -> memref<144x56xi32, #tpu.memory_space<hbm>>
      %dma_wait3A_162 = arith.constant 0 : i32
      %dma_wait3A_163 = tpu.memref_slice %arg4[%mul3A_2, %dma_wait3A_162] : memref<4608x56xi32, #tpu.memory_space<hbm>> -> memref<144x56xi32, #tpu.memory_space<hbm>>
      tpu.wait_dma2 semaphore(%run_scoped3A : memref<!tpu.dma_semaphore, #tpu.memory_space<semaphore_mem>>) src(%dma_wait3A_163 : memref<144x56xi32, #tpu.memory_space<hbm>>) dst(%arg8 : memref<144x56xi32, #tpu.memory_space<vmem>>)
      tpu.yield
    }) : () -> ()
    %mul3A_3 = arith.constant 2 : i32
    %mul3A_4 = arith.muli %add3A, %mul3A_3 : i32
    "tpu.region"() ({
      %run_scoped3A = tpu.sem_alloc : memref<!tpu.dma_semaphore, #tpu.memory_space<semaphore_mem>>
      %dma_start3A_156 = arith.constant 0 : i32
      %dma_start3A_157 = tpu.memref_slice %arg5[%mul3A_4, %dma_start3A_156] : memref<64x56xi32, #tpu.memory_space<hbm>> -> memref<2x56xi32, #tpu.memory_space<hbm>>
      %dma_start3A_158 = arith.constant 0 : i32
      %dma_start3A_159 = tpu.memref_slice %arg5[%mul3A_4, %dma_start3A_158] : memref<64x56xi32, #tpu.memory_space<hbm>> -> memref<2x56xi32, #tpu.memory_space<hbm>>
      tpu.enqueue_dma source(%dma_start3A_159 : memref<2x56xi32, #tpu.memory_space<hbm>>) target(%arg18 : memref<2x56xi32, #tpu.memory_space<vmem>>) target_semaphore(%run_scoped3A : memref<!tpu.dma_semaphore, #tpu.memory_space<semaphore_mem>>)
      %dma_wait3A_160 = arith.constant 0 : i32
      %dma_wait3A_161 = tpu.memref_slice %arg5[%mul3A_4, %dma_wait3A_160] : memref<64x56xi32, #tpu.memory_space<hbm>> -> memref<2x56xi32, #tpu.memory_space<hbm>>
      %dma_wait3A_162 = arith.constant 0 : i32
      %dma_wait3A_163 = tpu.memref_slice %arg5[%mul3A_4, %dma_wait3A_162] : memref<64x56xi32, #tpu.memory_space<hbm>> -> memref<2x56xi32, #tpu.memory_space<hbm>>
      tpu.wait_dma2 semaphore(%run_scoped3A : memref<!tpu.dma_semaphore, #tpu.memory_space<semaphore_mem>>) src(%dma_wait3A_163 : memref<2x56xi32, #tpu.memory_space<hbm>>) dst(%arg18 : memref<2x56xi32, #tpu.memory_space<vmem>>)
      tpu.yield
    }) : () -> ()
    %dma_start3A = arith.constant 0 : i32
    %dma_start3A_5 = arith.constant 0 : i32
    %dma_start3A_6 = arith.constant 0 : i32
    %dma_start3A_7 = arith.constant 0 : i32
    %dma_start3A_8 = tpu.memref_slice %arg9[%dma_start3A_5, %dma_start3A_6, %dma_start3A_7] : memref<4x56x256xi32, #tpu.memory_space<vmem>> -> memref<1x56x256xi32, #tpu.memory_space<vmem>>
    %dma_start3A_9 = tpu.memref_squeeze %dma_start3A_8 : memref<1x56x256xi32, #tpu.memory_space<vmem>> -> memref<56x256xi32, #tpu.memory_space<vmem>>
    %dma_start3A_10 = arith.constant 0 : i32
    %dma_start3A_11 = tpu.memref_slice %arg8[%dma_start3A, %dma_start3A_10] : memref<144x56xi32, #tpu.memory_space<vmem>> -> memref<1x56xi32, #tpu.memory_space<vmem>>
    %dma_start3A_12 = tpu.memref_squeeze %dma_start3A_11 : memref<1x56xi32, #tpu.memory_space<vmem>> -> memref<56xi32, #tpu.memory_space<vmem>>
    %dma_start3A_13 = arith.constant 0 : i32
    %dma_start3A_14 = arith.constant 0 : i32
    %dma_start3A_15 = tpu.memref_slice %arg2[%dma_start3A_13, %dma_start3A_14] : memref<10000x256xi32, #tpu.memory_space<hbm>> -> memref<10000x256xi32, #tpu.memory_space<hbm>>
    tpu.enqueue_indirect_dma source(%dma_start3A_15 : memref<10000x256xi32, #tpu.memory_space<hbm>>) target(%dma_start3A_9 : memref<56x256xi32, #tpu.memory_space<vmem>>) offsets(%dma_start3A_12 : memref<56xi32, #tpu.memory_space<vmem>>) semaphore(%arg10 : memref<!tpu.dma_semaphore, #tpu.memory_space<semaphore_mem>>)
    %dma_start3A_16 = arith.constant 1 : i32
    %dma_start3A_17 = arith.constant 1 : i32
    %dma_start3A_18 = arith.constant 0 : i32
    %dma_start3A_19 = arith.constant 0 : i32
    %dma_start3A_20 = tpu.memref_slice %arg9[%dma_start3A_17, %dma_start3A_18, %dma_start3A_19] : memref<4x56x256xi32, #tpu.memory_space<vmem>> -> memref<1x56x256xi32, #tpu.memory_space<vmem>>
    %dma_start3A_21 = tpu.memref_squeeze %dma_start3A_20 : memref<1x56x256xi32, #tpu.memory_space<vmem>> -> memref<56x256xi32, #tpu.memory_space<vmem>>
    %dma_start3A_22 = arith.constant 0 : i32
    %dma_start3A_23 = tpu.memref_slice %arg8[%dma_start3A_16, %dma_start3A_22] : memref<144x56xi32, #tpu.memory_space<vmem>> -> memref<1x56xi32, #tpu.memory_space<vmem>>
    %dma_start3A_24 = tpu.memref_squeeze %dma_start3A_23 : memref<1x56xi32, #tpu.memory_space<vmem>> -> memref<56xi32, #tpu.memory_space<vmem>>
    %dma_start3A_25 = arith.constant 0 : i32
    %dma_start3A_26 = arith.constant 0 : i32
    %dma_start3A_27 = tpu.memref_slice %arg2[%dma_start3A_25, %dma_start3A_26] : memref<10000x256xi32, #tpu.memory_space<hbm>> -> memref<10000x256xi32, #tpu.memory_space<hbm>>
    tpu.enqueue_indirect_dma source(%dma_start3A_27 : memref<10000x256xi32, #tpu.memory_space<hbm>>) target(%dma_start3A_21 : memref<56x256xi32, #tpu.memory_space<vmem>>) offsets(%dma_start3A_24 : memref<56xi32, #tpu.memory_space<vmem>>) semaphore(%arg11 : memref<!tpu.dma_semaphore, #tpu.memory_space<semaphore_mem>>)
    %dma_start3A_28 = arith.constant 2 : i32
    %dma_start3A_29 = arith.constant 2 : i32
    %dma_start3A_30 = arith.constant 0 : i32
    %dma_start3A_31 = arith.constant 0 : i32
    %dma_start3A_32 = tpu.memref_slice %arg9[%dma_start3A_29, %dma_start3A_30, %dma_start3A_31] : memref<4x56x256xi32, #tpu.memory_space<vmem>> -> memref<1x56x256xi32, #tpu.memory_space<vmem>>
    %dma_start3A_33 = tpu.memref_squeeze %dma_start3A_32 : memref<1x56x256xi32, #tpu.memory_space<vmem>> -> memref<56x256xi32, #tpu.memory_space<vmem>>
    %dma_start3A_34 = arith.constant 0 : i32
    %dma_start3A_35 = tpu.memref_slice %arg8[%dma_start3A_28, %dma_start3A_34] : memref<144x56xi32, #tpu.memory_space<vmem>> -> memref<1x56xi32, #tpu.memory_space<vmem>>
    %dma_start3A_36 = tpu.memref_squeeze %dma_start3A_35 : memref<1x56xi32, #tpu.memory_space<vmem>> -> memref<56xi32, #tpu.memory_space<vmem>>
    %dma_start3A_37 = arith.constant 0 : i32
    %dma_start3A_38 = arith.constant 0 : i32
    %dma_start3A_39 = tpu.memref_slice %arg2[%dma_start3A_37, %dma_start3A_38] : memref<10000x256xi32, #tpu.memory_space<hbm>> -> memref<10000x256xi32, #tpu.memory_space<hbm>>
    tpu.enqueue_indirect_dma source(%dma_start3A_39 : memref<10000x256xi32, #tpu.memory_space<hbm>>) target(%dma_start3A_33 : memref<56x256xi32, #tpu.memory_space<vmem>>) offsets(%dma_start3A_36 : memref<56xi32, #tpu.memory_space<vmem>>) semaphore(%arg12 : memref<!tpu.dma_semaphore, #tpu.memory_space<semaphore_mem>>)
    %dma_start3A_40 = arith.constant 3 : i32
    %dma_start3A_41 = arith.constant 3 : i32
    %dma_start3A_42 = arith.constant 0 : i32
    %dma_start3A_43 = arith.constant 0 : i32
    %dma_start3A_44 = tpu.memref_slice %arg9[%dma_start3A_41, %dma_start3A_42, %dma_start3A_43] : memref<4x56x256xi32, #tpu.memory_space<vmem>> -> memref<1x56x256xi32, #tpu.memory_space<vmem>>
    %dma_start3A_45 = tpu.memref_squeeze %dma_start3A_44 : memref<1x56x256xi32, #tpu.memory_space<vmem>> -> memref<56x256xi32, #tpu.memory_space<vmem>>
    %dma_start3A_46 = arith.constant 0 : i32
    %dma_start3A_47 = tpu.memref_slice %arg8[%dma_start3A_40, %dma_start3A_46] : memref<144x56xi32, #tpu.memory_space<vmem>> -> memref<1x56xi32, #tpu.memory_space<vmem>>
    %dma_start3A_48 = tpu.memref_squeeze %dma_start3A_47 : memref<1x56xi32, #tpu.memory_space<vmem>> -> memref<56xi32, #tpu.memory_space<vmem>>
    %dma_start3A_49 = arith.constant 0 : i32
    %dma_start3A_50 = arith.constant 0 : i32
    %dma_start3A_51 = tpu.memref_slice %arg2[%dma_start3A_49, %dma_start3A_50] : memref<10000x256xi32, #tpu.memory_space<hbm>> -> memref<10000x256xi32, #tpu.memory_space<hbm>>
    tpu.enqueue_indirect_dma source(%dma_start3A_51 : memref<10000x256xi32, #tpu.memory_space<hbm>>) target(%dma_start3A_45 : memref<56x256xi32, #tpu.memory_space<vmem>>) offsets(%dma_start3A_48 : memref<56xi32, #tpu.memory_space<vmem>>) semaphore(%arg13 : memref<!tpu.dma_semaphore, #tpu.memory_space<semaphore_mem>>)
    %scan3A = arith.constant 0 : i32
    %scan3A_52 = arith.constant 0 : i32
    %scan3A_53 = arith.constant 36 : i32
    %scan3A_54 = arith.addi %scan3A_52, %scan3A_53 : i32
    %scan3A_55 = arith.constant 1 : i32
    scf.for %scan3A_156 = %scan3A_52 to %scan3A_54 step %scan3A_55  : i32 {
      %mul3A_157 = arith.constant 4 : i32
      %mul3A_158 = arith.muli %mul3A_157, %scan3A_156 : i32
      %add3A_159 = arith.constant 0 : i32
      %add3A_160 = arith.addi %mul3A_158, %add3A_159 : i32
      %dma_wait3A_161 = arith.constant 0 : i32
      %dma_wait3A_162 = arith.constant 0 : i32
      %dma_wait3A_163 = arith.constant 0 : i32
      %dma_wait3A_164 = arith.constant 0 : i32
      %dma_wait3A_165 = tpu.memref_slice %arg9[%dma_wait3A_162, %dma_wait3A_163, %dma_wait3A_164] : memref<4x56x256xi32, #tpu.memory_space<vmem>> -> memref<1x56x256xi32, #tpu.memory_space<vmem>>
      %dma_wait3A_166 = tpu.memref_squeeze %dma_wait3A_165 : memref<1x56x256xi32, #tpu.memory_space<vmem>> -> memref<56x256xi32, #tpu.memory_space<vmem>>
      %dma_wait3A_167 = arith.constant 0 : i32
      %dma_wait3A_168 = tpu.memref_slice %arg8[%dma_wait3A_161, %dma_wait3A_167] : memref<144x56xi32, #tpu.memory_space<vmem>> -> memref<1x56xi32, #tpu.memory_space<vmem>>
      %dma_wait3A_169 = tpu.memref_squeeze %dma_wait3A_168 : memref<1x56xi32, #tpu.memory_space<vmem>> -> memref<56xi32, #tpu.memory_space<vmem>>
      %dma_wait3A_170 = arith.constant 0 : i32
      %dma_wait3A_171 = arith.constant 0 : i32
      %dma_wait3A_172 = tpu.memref_slice %arg2[%dma_wait3A_170, %dma_wait3A_171] : memref<10000x256xi32, #tpu.memory_space<hbm>> -> memref<10000x256xi32, #tpu.memory_space<hbm>>
      tpu.wait_indirect_dma semaphore(%arg10 : memref<!tpu.dma_semaphore, #tpu.memory_space<semaphore_mem>>) src(%dma_wait3A_172 : memref<10000x256xi32, #tpu.memory_space<hbm>>) dst(%dma_wait3A_166 : memref<56x256xi32, #tpu.memory_space<vmem>>)
      %add3A_173 = arith.addi %mul3A_2, %add3A_160 : i32
      %mul3A_174 = arith.constant 56 : i32
      %mul3A_175 = arith.muli %add3A_173, %mul3A_174 : i32
      %dma_start3A_176 = arith.constant 0 : i32
      %dma_start3A_177 = arith.constant 0 : i32
      %dma_start3A_178 = arith.constant 0 : i32
      %dma_start3A_179 = tpu.memref_slice %arg9[%dma_start3A_176, %dma_start3A_177, %dma_start3A_178] : memref<4x56x256xi32, #tpu.memory_space<vmem>> -> memref<1x56x256xi32, #tpu.memory_space<vmem>>
      %dma_start3A_180 = tpu.memref_squeeze %dma_start3A_179 : memref<1x56x256xi32, #tpu.memory_space<vmem>> -> memref<56x256xi32, #tpu.memory_space<vmem>>
      %dma_start3A_181 = arith.constant 0 : i32
      %dma_start3A_182 = tpu.memref_slice %arg6[%mul3A_175, %dma_start3A_181] : memref<258048x256xi32, #tpu.memory_space<hbm>> -> memref<56x256xi32, #tpu.memory_space<hbm>>
      %dma_start3A_183 = arith.constant 0 : i32
      %dma_start3A_184 = tpu.memref_slice %arg6[%mul3A_175, %dma_start3A_183] : memref<258048x256xi32, #tpu.memory_space<hbm>> -> memref<56x256xi32, #tpu.memory_space<hbm>>
      %dma_start3A_185 = arith.constant 0 : i32
      %dma_start3A_186 = arith.constant 0 : i32
      %dma_start3A_187 = tpu.memref_slice %arg9[%dma_start3A_176, %dma_start3A_185, %dma_start3A_186] : memref<4x56x256xi32, #tpu.memory_space<vmem>> -> memref<1x56x256xi32, #tpu.memory_space<vmem>>
      %dma_start3A_188 = tpu.memref_squeeze %dma_start3A_187 : memref<1x56x256xi32, #tpu.memory_space<vmem>> -> memref<56x256xi32, #tpu.memory_space<vmem>>
      tpu.enqueue_dma source(%dma_start3A_188 : memref<56x256xi32, #tpu.memory_space<vmem>>) target(%dma_start3A_184 : memref<56x256xi32, #tpu.memory_space<hbm>>) target_semaphore(%arg14 : memref<!tpu.dma_semaphore, #tpu.memory_space<semaphore_mem>>)
      %add3A_189 = arith.constant 4 : i32
      %add3A_190 = arith.addi %add3A_160, %add3A_189 : i32
      %lt3A = arith.constant 144 : i32
      %lt3A_191 = arith.cmpi slt, %add3A_190, %lt3A : i32
      %convert_element_type3A = arith.extui %lt3A_191 : i1 to i32
      %cond3A = arith.constant 0 : i32
      %cond3A_192 = arith.cmpi ne, %convert_element_type3A, %cond3A : i32
      scf.if %cond3A_192 {
        %dma_wait3A_304 = arith.constant 0 : i32
        %dma_wait3A_305 = arith.constant 0 : i32
        %dma_wait3A_306 = arith.constant 0 : i32
        %dma_wait3A_307 = tpu.memref_slice %arg9[%dma_wait3A_304, %dma_wait3A_305, %dma_wait3A_306] : memref<4x56x256xi32, #tpu.memory_space<vmem>> -> memref<1x56x256xi32, #tpu.memory_space<vmem>>
        %dma_wait3A_308 = tpu.memref_squeeze %dma_wait3A_307 : memref<1x56x256xi32, #tpu.memory_space<vmem>> -> memref<56x256xi32, #tpu.memory_space<vmem>>
        %dma_wait3A_309 = arith.constant 0 : i32
        %dma_wait3A_310 = arith.constant 0 : i32
        %dma_wait3A_311 = tpu.memref_slice %arg6[%dma_wait3A_309, %dma_wait3A_310] : memref<258048x256xi32, #tpu.memory_space<hbm>> -> memref<56x256xi32, #tpu.memory_space<hbm>>
        %dma_wait3A_312 = arith.constant 0 : i32
        %dma_wait3A_313 = arith.constant 0 : i32
        %dma_wait3A_314 = tpu.memref_slice %arg6[%dma_wait3A_312, %dma_wait3A_313] : memref<258048x256xi32, #tpu.memory_space<hbm>> -> memref<56x256xi32, #tpu.memory_space<hbm>>
        %dma_wait3A_315 = arith.constant 0 : i32
        %dma_wait3A_316 = arith.constant 0 : i32
        %dma_wait3A_317 = tpu.memref_slice %arg9[%dma_wait3A_304, %dma_wait3A_315, %dma_wait3A_316] : memref<4x56x256xi32, #tpu.memory_space<vmem>> -> memref<1x56x256xi32, #tpu.memory_space<vmem>>
        %dma_wait3A_318 = tpu.memref_squeeze %dma_wait3A_317 : memref<1x56x256xi32, #tpu.memory_space<vmem>> -> memref<56x256xi32, #tpu.memory_space<vmem>>
        tpu.wait_dma2 semaphore(%arg14 : memref<!tpu.dma_semaphore, #tpu.memory_space<semaphore_mem>>) src(%dma_wait3A_318 : memref<56x256xi32, #tpu.memory_space<vmem>>) dst(%dma_wait3A_314 : memref<56x256xi32, #tpu.memory_space<hbm>>)
        %dma_start3A_319 = arith.constant 0 : i32
        %dma_start3A_320 = arith.constant 0 : i32
        %dma_start3A_321 = arith.constant 0 : i32
        %dma_start3A_322 = tpu.memref_slice %arg9[%dma_start3A_319, %dma_start3A_320, %dma_start3A_321] : memref<4x56x256xi32, #tpu.memory_space<vmem>> -> memref<1x56x256xi32, #tpu.memory_space<vmem>>
        %dma_start3A_323 = tpu.memref_squeeze %dma_start3A_322 : memref<1x56x256xi32, #tpu.memory_space<vmem>> -> memref<56x256xi32, #tpu.memory_space<vmem>>
        %dma_start3A_324 = arith.constant 0 : i32
        %dma_start3A_325 = tpu.memref_slice %arg8[%add3A_190, %dma_start3A_324] : memref<144x56xi32, #tpu.memory_space<vmem>> -> memref<1x56xi32, #tpu.memory_space<vmem>>
        %dma_start3A_326 = tpu.memref_squeeze %dma_start3A_325 : memref<1x56xi32, #tpu.memory_space<vmem>> -> memref<56xi32, #tpu.memory_space<vmem>>
        %dma_start3A_327 = arith.constant 0 : i32
        %dma_start3A_328 = arith.constant 0 : i32
        %dma_start3A_329 = tpu.memref_slice %arg2[%dma_start3A_327, %dma_start3A_328] : memref<10000x256xi32, #tpu.memory_space<hbm>> -> memref<10000x256xi32, #tpu.memory_space<hbm>>
        tpu.enqueue_indirect_dma source(%dma_start3A_329 : memref<10000x256xi32, #tpu.memory_space<hbm>>) target(%dma_start3A_323 : memref<56x256xi32, #tpu.memory_space<vmem>>) offsets(%dma_start3A_326 : memref<56xi32, #tpu.memory_space<vmem>>) semaphore(%arg10 : memref<!tpu.dma_semaphore, #tpu.memory_space<semaphore_mem>>)
      } else {
      }
      %add3A_193 = arith.constant 1 : i32
      %add3A_194 = arith.addi %mul3A_158, %add3A_193 : i32
      %dma_wait3A_195 = arith.constant 0 : i32
      %dma_wait3A_196 = arith.constant 1 : i32
      %dma_wait3A_197 = arith.constant 0 : i32
      %dma_wait3A_198 = arith.constant 0 : i32
      %dma_wait3A_199 = tpu.memref_slice %arg9[%dma_wait3A_196, %dma_wait3A_197, %dma_wait3A_198] : memref<4x56x256xi32, #tpu.memory_space<vmem>> -> memref<1x56x256xi32, #tpu.memory_space<vmem>>
      %dma_wait3A_200 = tpu.memref_squeeze %dma_wait3A_199 : memref<1x56x256xi32, #tpu.memory_space<vmem>> -> memref<56x256xi32, #tpu.memory_space<vmem>>
      %dma_wait3A_201 = arith.constant 0 : i32
      %dma_wait3A_202 = tpu.memref_slice %arg8[%dma_wait3A_195, %dma_wait3A_201] : memref<144x56xi32, #tpu.memory_space<vmem>> -> memref<1x56xi32, #tpu.memory_space<vmem>>
      %dma_wait3A_203 = tpu.memref_squeeze %dma_wait3A_202 : memref<1x56xi32, #tpu.memory_space<vmem>> -> memref<56xi32, #tpu.memory_space<vmem>>
      %dma_wait3A_204 = arith.constant 0 : i32
      %dma_wait3A_205 = arith.constant 0 : i32
      %dma_wait3A_206 = tpu.memref_slice %arg2[%dma_wait3A_204, %dma_wait3A_205] : memref<10000x256xi32, #tpu.memory_space<hbm>> -> memref<10000x256xi32, #tpu.memory_space<hbm>>
      tpu.wait_indirect_dma semaphore(%arg11 : memref<!tpu.dma_semaphore, #tpu.memory_space<semaphore_mem>>) src(%dma_wait3A_206 : memref<10000x256xi32, #tpu.memory_space<hbm>>) dst(%dma_wait3A_200 : memref<56x256xi32, #tpu.memory_space<vmem>>)
      %add3A_207 = arith.addi %mul3A_2, %add3A_194 : i32
      %mul3A_208 = arith.constant 56 : i32
      %mul3A_209 = arith.muli %add3A_207, %mul3A_208 : i32
      %dma_start3A_210 = arith.constant 1 : i32
      %dma_start3A_211 = arith.constant 0 : i32
      %dma_start3A_212 = arith.constant 0 : i32
      %dma_start3A_213 = tpu.memref_slice %arg9[%dma_start3A_210, %dma_start3A_211, %dma_start3A_212] : memref<4x56x256xi32, #tpu.memory_space<vmem>> -> memref<1x56x256xi32, #tpu.memory_space<vmem>>
      %dma_start3A_214 = tpu.memref_squeeze %dma_start3A_213 : memref<1x56x256xi32, #tpu.memory_space<vmem>> -> memref<56x256xi32, #tpu.memory_space<vmem>>
      %dma_start3A_215 = arith.constant 0 : i32
      %dma_start3A_216 = tpu.memref_slice %arg6[%mul3A_209, %dma_start3A_215] : memref<258048x256xi32, #tpu.memory_space<hbm>> -> memref<56x256xi32, #tpu.memory_space<hbm>>
      %dma_start3A_217 = arith.constant 0 : i32
      %dma_start3A_218 = tpu.memref_slice %arg6[%mul3A_209, %dma_start3A_217] : memref<258048x256xi32, #tpu.memory_space<hbm>> -> memref<56x256xi32, #tpu.memory_space<hbm>>
      %dma_start3A_219 = arith.constant 0 : i32
      %dma_start3A_220 = arith.constant 0 : i32
      %dma_start3A_221 = tpu.memref_slice %arg9[%dma_start3A_210, %dma_start3A_219, %dma_start3A_220] : memref<4x56x256xi32, #tpu.memory_space<vmem>> -> memref<1x56x256xi32, #tpu.memory_space<vmem>>
      %dma_start3A_222 = tpu.memref_squeeze %dma_start3A_221 : memref<1x56x256xi32, #tpu.memory_space<vmem>> -> memref<56x256xi32, #tpu.memory_space<vmem>>
      tpu.enqueue_dma source(%dma_start3A_222 : memref<56x256xi32, #tpu.memory_space<vmem>>) target(%dma_start3A_218 : memref<56x256xi32, #tpu.memory_space<hbm>>) target_semaphore(%arg15 : memref<!tpu.dma_semaphore, #tpu.memory_space<semaphore_mem>>)
      %add3A_223 = arith.constant 4 : i32
      %add3A_224 = arith.addi %add3A_194, %add3A_223 : i32
      %lt3A_225 = arith.constant 144 : i32
      %lt3A_226 = arith.cmpi slt, %add3A_224, %lt3A_225 : i32
      %convert_element_type3A_227 = arith.extui %lt3A_226 : i1 to i32
      %cond3A_228 = arith.constant 0 : i32
      %cond3A_229 = arith.cmpi ne, %convert_element_type3A_227, %cond3A_228 : i32
      scf.if %cond3A_229 {
        %dma_wait3A_304 = arith.constant 1 : i32
        %dma_wait3A_305 = arith.constant 0 : i32
        %dma_wait3A_306 = arith.constant 0 : i32
        %dma_wait3A_307 = tpu.memref_slice %arg9[%dma_wait3A_304, %dma_wait3A_305, %dma_wait3A_306] : memref<4x56x256xi32, #tpu.memory_space<vmem>> -> memref<1x56x256xi32, #tpu.memory_space<vmem>>
        %dma_wait3A_308 = tpu.memref_squeeze %dma_wait3A_307 : memref<1x56x256xi32, #tpu.memory_space<vmem>> -> memref<56x256xi32, #tpu.memory_space<vmem>>
        %dma_wait3A_309 = arith.constant 0 : i32
        %dma_wait3A_310 = arith.constant 0 : i32
        %dma_wait3A_311 = tpu.memref_slice %arg6[%dma_wait3A_309, %dma_wait3A_310] : memref<258048x256xi32, #tpu.memory_space<hbm>> -> memref<56x256xi32, #tpu.memory_space<hbm>>
        %dma_wait3A_312 = arith.constant 0 : i32
        %dma_wait3A_313 = arith.constant 0 : i32
        %dma_wait3A_314 = tpu.memref_slice %arg6[%dma_wait3A_312, %dma_wait3A_313] : memref<258048x256xi32, #tpu.memory_space<hbm>> -> memref<56x256xi32, #tpu.memory_space<hbm>>
        %dma_wait3A_315 = arith.constant 0 : i32
        %dma_wait3A_316 = arith.constant 0 : i32
        %dma_wait3A_317 = tpu.memref_slice %arg9[%dma_wait3A_304, %dma_wait3A_315, %dma_wait3A_316] : memref<4x56x256xi32, #tpu.memory_space<vmem>> -> memref<1x56x256xi32, #tpu.memory_space<vmem>>
        %dma_wait3A_318 = tpu.memref_squeeze %dma_wait3A_317 : memref<1x56x256xi32, #tpu.memory_space<vmem>> -> memref<56x256xi32, #tpu.memory_space<vmem>>
        tpu.wait_dma2 semaphore(%arg15 : memref<!tpu.dma_semaphore, #tpu.memory_space<semaphore_mem>>) src(%dma_wait3A_318 : memref<56x256xi32, #tpu.memory_space<vmem>>) dst(%dma_wait3A_314 : memref<56x256xi32, #tpu.memory_space<hbm>>)
        %dma_start3A_319 = arith.constant 1 : i32
        %dma_start3A_320 = arith.constant 0 : i32
        %dma_start3A_321 = arith.constant 0 : i32
        %dma_start3A_322 = tpu.memref_slice %arg9[%dma_start3A_319, %dma_start3A_320, %dma_start3A_321] : memref<4x56x256xi32, #tpu.memory_space<vmem>> -> memref<1x56x256xi32, #tpu.memory_space<vmem>>
        %dma_start3A_323 = tpu.memref_squeeze %dma_start3A_322 : memref<1x56x256xi32, #tpu.memory_space<vmem>> -> memref<56x256xi32, #tpu.memory_space<vmem>>
        %dma_start3A_324 = arith.constant 0 : i32
        %dma_start3A_325 = tpu.memref_slice %arg8[%add3A_224, %dma_start3A_324] : memref<144x56xi32, #tpu.memory_space<vmem>> -> memref<1x56xi32, #tpu.memory_space<vmem>>
        %dma_start3A_326 = tpu.memref_squeeze %dma_start3A_325 : memref<1x56xi32, #tpu.memory_space<vmem>> -> memref<56xi32, #tpu.memory_space<vmem>>
        %dma_start3A_327 = arith.constant 0 : i32
        %dma_start3A_328 = arith.constant 0 : i32
        %dma_start3A_329 = tpu.memref_slice %arg2[%dma_start3A_327, %dma_start3A_328] : memref<10000x256xi32, #tpu.memory_space<hbm>> -> memref<10000x256xi32, #tpu.memory_space<hbm>>
        tpu.enqueue_indirect_dma source(%dma_start3A_329 : memref<10000x256xi32, #tpu.memory_space<hbm>>) target(%dma_start3A_323 : memref<56x256xi32, #tpu.memory_space<vmem>>) offsets(%dma_start3A_326 : memref<56xi32, #tpu.memory_space<vmem>>) semaphore(%arg11 : memref<!tpu.dma_semaphore, #tpu.memory_space<semaphore_mem>>)
      } else {
      }
      %add3A_230 = arith.constant 2 : i32
      %add3A_231 = arith.addi %mul3A_158, %add3A_230 : i32
      %dma_wait3A_232 = arith.constant 0 : i32
      %dma_wait3A_233 = arith.constant 2 : i32
      %dma_wait3A_234 = arith.constant 0 : i32
      %dma_wait3A_235 = arith.constant 0 : i32
      %dma_wait3A_236 = tpu.memref_slice %arg9[%dma_wait3A_233, %dma_wait3A_234, %dma_wait3A_235] : memref<4x56x256xi32, #tpu.memory_space<vmem>> -> memref<1x56x256xi32, #tpu.memory_space<vmem>>
      %dma_wait3A_237 = tpu.memref_squeeze %dma_wait3A_236 : memref<1x56x256xi32, #tpu.memory_space<vmem>> -> memref<56x256xi32, #tpu.memory_space<vmem>>
      %dma_wait3A_238 = arith.constant 0 : i32
      %dma_wait3A_239 = tpu.memref_slice %arg8[%dma_wait3A_232, %dma_wait3A_238] : memref<144x56xi32, #tpu.memory_space<vmem>> -> memref<1x56xi32, #tpu.memory_space<vmem>>
      %dma_wait3A_240 = tpu.memref_squeeze %dma_wait3A_239 : memref<1x56xi32, #tpu.memory_space<vmem>> -> memref<56xi32, #tpu.memory_space<vmem>>
      %dma_wait3A_241 = arith.constant 0 : i32
      %dma_wait3A_242 = arith.constant 0 : i32
      %dma_wait3A_243 = tpu.memref_slice %arg2[%dma_wait3A_241, %dma_wait3A_242] : memref<10000x256xi32, #tpu.memory_space<hbm>> -> memref<10000x256xi32, #tpu.memory_space<hbm>>
      tpu.wait_indirect_dma semaphore(%arg12 : memref<!tpu.dma_semaphore, #tpu.memory_space<semaphore_mem>>) src(%dma_wait3A_243 : memref<10000x256xi32, #tpu.memory_space<hbm>>) dst(%dma_wait3A_237 : memref<56x256xi32, #tpu.memory_space<vmem>>)
      %add3A_244 = arith.addi %mul3A_2, %add3A_231 : i32
      %mul3A_245 = arith.constant 56 : i32
      %mul3A_246 = arith.muli %add3A_244, %mul3A_245 : i32
      %dma_start3A_247 = arith.constant 2 : i32
      %dma_start3A_248 = arith.constant 0 : i32
      %dma_start3A_249 = arith.constant 0 : i32
      %dma_start3A_250 = tpu.memref_slice %arg9[%dma_start3A_247, %dma_start3A_248, %dma_start3A_249] : memref<4x56x256xi32, #tpu.memory_space<vmem>> -> memref<1x56x256xi32, #tpu.memory_space<vmem>>
      %dma_start3A_251 = tpu.memref_squeeze %dma_start3A_250 : memref<1x56x256xi32, #tpu.memory_space<vmem>> -> memref<56x256xi32, #tpu.memory_space<vmem>>
      %dma_start3A_252 = arith.constant 0 : i32
      %dma_start3A_253 = tpu.memref_slice %arg6[%mul3A_246, %dma_start3A_252] : memref<258048x256xi32, #tpu.memory_space<hbm>> -> memref<56x256xi32, #tpu.memory_space<hbm>>
      %dma_start3A_254 = arith.constant 0 : i32
      %dma_start3A_255 = tpu.memref_slice %arg6[%mul3A_246, %dma_start3A_254] : memref<258048x256xi32, #tpu.memory_space<hbm>> -> memref<56x256xi32, #tpu.memory_space<hbm>>
      %dma_start3A_256 = arith.constant 0 : i32
      %dma_start3A_257 = arith.constant 0 : i32
      %dma_start3A_258 = tpu.memref_slice %arg9[%dma_start3A_247, %dma_start3A_256, %dma_start3A_257] : memref<4x56x256xi32, #tpu.memory_space<vmem>> -> memref<1x56x256xi32, #tpu.memory_space<vmem>>
      %dma_start3A_259 = tpu.memref_squeeze %dma_start3A_258 : memref<1x56x256xi32, #tpu.memory_space<vmem>> -> memref<56x256xi32, #tpu.memory_space<vmem>>
      tpu.enqueue_dma source(%dma_start3A_259 : memref<56x256xi32, #tpu.memory_space<vmem>>) target(%dma_start3A_255 : memref<56x256xi32, #tpu.memory_space<hbm>>) target_semaphore(%arg16 : memref<!tpu.dma_semaphore, #tpu.memory_space<semaphore_mem>>)
      %add3A_260 = arith.constant 4 : i32
      %add3A_261 = arith.addi %add3A_231, %add3A_260 : i32
      %lt3A_262 = arith.constant 144 : i32
      %lt3A_263 = arith.cmpi slt, %add3A_261, %lt3A_262 : i32
      %convert_element_type3A_264 = arith.extui %lt3A_263 : i1 to i32
      %cond3A_265 = arith.constant 0 : i32
      %cond3A_266 = arith.cmpi ne, %convert_element_type3A_264, %cond3A_265 : i32
      scf.if %cond3A_266 {
        %dma_wait3A_304 = arith.constant 2 : i32
        %dma_wait3A_305 = arith.constant 0 : i32
        %dma_wait3A_306 = arith.constant 0 : i32
        %dma_wait3A_307 = tpu.memref_slice %arg9[%dma_wait3A_304, %dma_wait3A_305, %dma_wait3A_306] : memref<4x56x256xi32, #tpu.memory_space<vmem>> -> memref<1x56x256xi32, #tpu.memory_space<vmem>>
        %dma_wait3A_308 = tpu.memref_squeeze %dma_wait3A_307 : memref<1x56x256xi32, #tpu.memory_space<vmem>> -> memref<56x256xi32, #tpu.memory_space<vmem>>
        %dma_wait3A_309 = arith.constant 0 : i32
        %dma_wait3A_310 = arith.constant 0 : i32
        %dma_wait3A_311 = tpu.memref_slice %arg6[%dma_wait3A_309, %dma_wait3A_310] : memref<258048x256xi32, #tpu.memory_space<hbm>> -> memref<56x256xi32, #tpu.memory_space<hbm>>
        %dma_wait3A_312 = arith.constant 0 : i32
        %dma_wait3A_313 = arith.constant 0 : i32
        %dma_wait3A_314 = tpu.memref_slice %arg6[%dma_wait3A_312, %dma_wait3A_313] : memref<258048x256xi32, #tpu.memory_space<hbm>> -> memref<56x256xi32, #tpu.memory_space<hbm>>
        %dma_wait3A_315 = arith.constant 0 : i32
        %dma_wait3A_316 = arith.constant 0 : i32
        %dma_wait3A_317 = tpu.memref_slice %arg9[%dma_wait3A_304, %dma_wait3A_315, %dma_wait3A_316] : memref<4x56x256xi32, #tpu.memory_space<vmem>> -> memref<1x56x256xi32, #tpu.memory_space<vmem>>
        %dma_wait3A_318 = tpu.memref_squeeze %dma_wait3A_317 : memref<1x56x256xi32, #tpu.memory_space<vmem>> -> memref<56x256xi32, #tpu.memory_space<vmem>>
        tpu.wait_dma2 semaphore(%arg16 : memref<!tpu.dma_semaphore, #tpu.memory_space<semaphore_mem>>) src(%dma_wait3A_318 : memref<56x256xi32, #tpu.memory_space<vmem>>) dst(%dma_wait3A_314 : memref<56x256xi32, #tpu.memory_space<hbm>>)
        %dma_start3A_319 = arith.constant 2 : i32
        %dma_start3A_320 = arith.constant 0 : i32
        %dma_start3A_321 = arith.constant 0 : i32
        %dma_start3A_322 = tpu.memref_slice %arg9[%dma_start3A_319, %dma_start3A_320, %dma_start3A_321] : memref<4x56x256xi32, #tpu.memory_space<vmem>> -> memref<1x56x256xi32, #tpu.memory_space<vmem>>
        %dma_start3A_323 = tpu.memref_squeeze %dma_start3A_322 : memref<1x56x256xi32, #tpu.memory_space<vmem>> -> memref<56x256xi32, #tpu.memory_space<vmem>>
        %dma_start3A_324 = arith.constant 0 : i32
        %dma_start3A_325 = tpu.memref_slice %arg8[%add3A_261, %dma_start3A_324] : memref<144x56xi32, #tpu.memory_space<vmem>> -> memref<1x56xi32, #tpu.memory_space<vmem>>
        %dma_start3A_326 = tpu.memref_squeeze %dma_start3A_325 : memref<1x56xi32, #tpu.memory_space<vmem>> -> memref<56xi32, #tpu.memory_space<vmem>>
        %dma_start3A_327 = arith.constant 0 : i32
        %dma_start3A_328 = arith.constant 0 : i32
        %dma_start3A_329 = tpu.memref_slice %arg2[%dma_start3A_327, %dma_start3A_328] : memref<10000x256xi32, #tpu.memory_space<hbm>> -> memref<10000x256xi32, #tpu.memory_space<hbm>>
        tpu.enqueue_indirect_dma source(%dma_start3A_329 : memref<10000x256xi32, #tpu.memory_space<hbm>>) target(%dma_start3A_323 : memref<56x256xi32, #tpu.memory_space<vmem>>) offsets(%dma_start3A_326 : memref<56xi32, #tpu.memory_space<vmem>>) semaphore(%arg12 : memref<!tpu.dma_semaphore, #tpu.memory_space<semaphore_mem>>)
      } else {
      }
      %add3A_267 = arith.constant 3 : i32
      %add3A_268 = arith.addi %mul3A_158, %add3A_267 : i32
      %dma_wait3A_269 = arith.constant 0 : i32
      %dma_wait3A_270 = arith.constant 3 : i32
      %dma_wait3A_271 = arith.constant 0 : i32
      %dma_wait3A_272 = arith.constant 0 : i32
      %dma_wait3A_273 = tpu.memref_slice %arg9[%dma_wait3A_270, %dma_wait3A_271, %dma_wait3A_272] : memref<4x56x256xi32, #tpu.memory_space<vmem>> -> memref<1x56x256xi32, #tpu.memory_space<vmem>>
      %dma_wait3A_274 = tpu.memref_squeeze %dma_wait3A_273 : memref<1x56x256xi32, #tpu.memory_space<vmem>> -> memref<56x256xi32, #tpu.memory_space<vmem>>
      %dma_wait3A_275 = arith.constant 0 : i32
      %dma_wait3A_276 = tpu.memref_slice %arg8[%dma_wait3A_269, %dma_wait3A_275] : memref<144x56xi32, #tpu.memory_space<vmem>> -> memref<1x56xi32, #tpu.memory_space<vmem>>
      %dma_wait3A_277 = tpu.memref_squeeze %dma_wait3A_276 : memref<1x56xi32, #tpu.memory_space<vmem>> -> memref<56xi32, #tpu.memory_space<vmem>>
      %dma_wait3A_278 = arith.constant 0 : i32
      %dma_wait3A_279 = arith.constant 0 : i32
      %dma_wait3A_280 = tpu.memref_slice %arg2[%dma_wait3A_278, %dma_wait3A_279] : memref<10000x256xi32, #tpu.memory_space<hbm>> -> memref<10000x256xi32, #tpu.memory_space<hbm>>
      tpu.wait_indirect_dma semaphore(%arg13 : memref<!tpu.dma_semaphore, #tpu.memory_space<semaphore_mem>>) src(%dma_wait3A_280 : memref<10000x256xi32, #tpu.memory_space<hbm>>) dst(%dma_wait3A_274 : memref<56x256xi32, #tpu.memory_space<vmem>>)
      %add3A_281 = arith.addi %mul3A_2, %add3A_268 : i32
      %mul3A_282 = arith.constant 56 : i32
      %mul3A_283 = arith.muli %add3A_281, %mul3A_282 : i32
      %dma_start3A_284 = arith.constant 3 : i32
      %dma_start3A_285 = arith.constant 0 : i32
      %dma_start3A_286 = arith.constant 0 : i32
      %dma_start3A_287 = tpu.memref_slice %arg9[%dma_start3A_284, %dma_start3A_285, %dma_start3A_286] : memref<4x56x256xi32, #tpu.memory_space<vmem>> -> memref<1x56x256xi32, #tpu.memory_space<vmem>>
      %dma_start3A_288 = tpu.memref_squeeze %dma_start3A_287 : memref<1x56x256xi32, #tpu.memory_space<vmem>> -> memref<56x256xi32, #tpu.memory_space<vmem>>
      %dma_start3A_289 = arith.constant 0 : i32
      %dma_start3A_290 = tpu.memref_slice %arg6[%mul3A_283, %dma_start3A_289] : memref<258048x256xi32, #tpu.memory_space<hbm>> -> memref<56x256xi32, #tpu.memory_space<hbm>>
      %dma_start3A_291 = arith.constant 0 : i32
      %dma_start3A_292 = tpu.memref_slice %arg6[%mul3A_283, %dma_start3A_291] : memref<258048x256xi32, #tpu.memory_space<hbm>> -> memref<56x256xi32, #tpu.memory_space<hbm>>
      %dma_start3A_293 = arith.constant 0 : i32
      %dma_start3A_294 = arith.constant 0 : i32
      %dma_start3A_295 = tpu.memref_slice %arg9[%dma_start3A_284, %dma_start3A_293, %dma_start3A_294] : memref<4x56x256xi32, #tpu.memory_space<vmem>> -> memref<1x56x256xi32, #tpu.memory_space<vmem>>
      %dma_start3A_296 = tpu.memref_squeeze %dma_start3A_295 : memref<1x56x256xi32, #tpu.memory_space<vmem>> -> memref<56x256xi32, #tpu.memory_space<vmem>>
      tpu.enqueue_dma source(%dma_start3A_296 : memref<56x256xi32, #tpu.memory_space<vmem>>) target(%dma_start3A_292 : memref<56x256xi32, #tpu.memory_space<hbm>>) target_semaphore(%arg17 : memref<!tpu.dma_semaphore, #tpu.memory_space<semaphore_mem>>)
      %add3A_297 = arith.constant 4 : i32
      %add3A_298 = arith.addi %add3A_268, %add3A_297 : i32
      %lt3A_299 = arith.constant 144 : i32
      %lt3A_300 = arith.cmpi slt, %add3A_298, %lt3A_299 : i32
      %convert_element_type3A_301 = arith.extui %lt3A_300 : i1 to i32
      %cond3A_302 = arith.constant 0 : i32
      %cond3A_303 = arith.cmpi ne, %convert_element_type3A_301, %cond3A_302 : i32
      scf.if %cond3A_303 {
        %dma_wait3A_304 = arith.constant 3 : i32
        %dma_wait3A_305 = arith.constant 0 : i32
        %dma_wait3A_306 = arith.constant 0 : i32
        %dma_wait3A_307 = tpu.memref_slice %arg9[%dma_wait3A_304, %dma_wait3A_305, %dma_wait3A_306] : memref<4x56x256xi32, #tpu.memory_space<vmem>> -> memref<1x56x256xi32, #tpu.memory_space<vmem>>
        %dma_wait3A_308 = tpu.memref_squeeze %dma_wait3A_307 : memref<1x56x256xi32, #tpu.memory_space<vmem>> -> memref<56x256xi32, #tpu.memory_space<vmem>>
        %dma_wait3A_309 = arith.constant 0 : i32
        %dma_wait3A_310 = arith.constant 0 : i32
        %dma_wait3A_311 = tpu.memref_slice %arg6[%dma_wait3A_309, %dma_wait3A_310] : memref<258048x256xi32, #tpu.memory_space<hbm>> -> memref<56x256xi32, #tpu.memory_space<hbm>>
        %dma_wait3A_312 = arith.constant 0 : i32
        %dma_wait3A_313 = arith.constant 0 : i32
        %dma_wait3A_314 = tpu.memref_slice %arg6[%dma_wait3A_312, %dma_wait3A_313] : memref<258048x256xi32, #tpu.memory_space<hbm>> -> memref<56x256xi32, #tpu.memory_space<hbm>>
        %dma_wait3A_315 = arith.constant 0 : i32
        %dma_wait3A_316 = arith.constant 0 : i32
        %dma_wait3A_317 = tpu.memref_slice %arg9[%dma_wait3A_304, %dma_wait3A_315, %dma_wait3A_316] : memref<4x56x256xi32, #tpu.memory_space<vmem>> -> memref<1x56x256xi32, #tpu.memory_space<vmem>>
        %dma_wait3A_318 = tpu.memref_squeeze %dma_wait3A_317 : memref<1x56x256xi32, #tpu.memory_space<vmem>> -> memref<56x256xi32, #tpu.memory_space<vmem>>
        tpu.wait_dma2 semaphore(%arg17 : memref<!tpu.dma_semaphore, #tpu.memory_space<semaphore_mem>>) src(%dma_wait3A_318 : memref<56x256xi32, #tpu.memory_space<vmem>>) dst(%dma_wait3A_314 : memref<56x256xi32, #tpu.memory_space<hbm>>)
        %dma_start3A_319 = arith.constant 3 : i32
        %dma_start3A_320 = arith.constant 0 : i32
        %dma_start3A_321 = arith.constant 0 : i32
        %dma_start3A_322 = tpu.memref_slice %arg9[%dma_start3A_319, %dma_start3A_320, %dma_start3A_321] : memref<4x56x256xi32, #tpu.memory_space<vmem>> -> memref<1x56x256xi32, #tpu.memory_space<vmem>>
        %dma_start3A_323 = tpu.memref_squeeze %dma_start3A_322 : memref<1x56x256xi32, #tpu.memory_space<vmem>> -> memref<56x256xi32, #tpu.memory_space<vmem>>
        %dma_start3A_324 = arith.constant 0 : i32
        %dma_start3A_325 = tpu.memref_slice %arg8[%add3A_298, %dma_start3A_324] : memref<144x56xi32, #tpu.memory_space<vmem>> -> memref<1x56xi32, #tpu.memory_space<vmem>>
        %dma_start3A_326 = tpu.memref_squeeze %dma_start3A_325 : memref<1x56xi32, #tpu.memory_space<vmem>> -> memref<56xi32, #tpu.memory_space<vmem>>
        %dma_start3A_327 = arith.constant 0 : i32
        %dma_start3A_328 = arith.constant 0 : i32
        %dma_start3A_329 = tpu.memref_slice %arg2[%dma_start3A_327, %dma_start3A_328] : memref<10000x256xi32, #tpu.memory_space<hbm>> -> memref<10000x256xi32, #tpu.memory_space<hbm>>
        tpu.enqueue_indirect_dma source(%dma_start3A_329 : memref<10000x256xi32, #tpu.memory_space<hbm>>) target(%dma_start3A_323 : memref<56x256xi32, #tpu.memory_space<vmem>>) offsets(%dma_start3A_326 : memref<56xi32, #tpu.memory_space<vmem>>) semaphore(%arg13 : memref<!tpu.dma_semaphore, #tpu.memory_space<semaphore_mem>>)
      } else {
      }
    }
    %scan3A_56 = arith.constant 36 : i32
    %dma_wait3A = arith.constant 0 : i32
    %dma_wait3A_57 = arith.constant 0 : i32
    %dma_wait3A_58 = arith.constant 0 : i32
    %dma_wait3A_59 = tpu.memref_slice %arg9[%dma_wait3A, %dma_wait3A_57, %dma_wait3A_58] : memref<4x56x256xi32, #tpu.memory_space<vmem>> -> memref<1x56x256xi32, #tpu.memory_space<vmem>>
    %dma_wait3A_60 = tpu.memref_squeeze %dma_wait3A_59 : memref<1x56x256xi32, #tpu.memory_space<vmem>> -> memref<56x256xi32, #tpu.memory_space<vmem>>
    %dma_wait3A_61 = arith.constant 0 : i32
    %dma_wait3A_62 = arith.constant 0 : i32
    %dma_wait3A_63 = tpu.memref_slice %arg6[%dma_wait3A_61, %dma_wait3A_62] : memref<258048x256xi32, #tpu.memory_space<hbm>> -> memref<56x256xi32, #tpu.memory_space<hbm>>
    %dma_wait3A_64 = arith.constant 0 : i32
    %dma_wait3A_65 = arith.constant 0 : i32
    %dma_wait3A_66 = tpu.memref_slice %arg6[%dma_wait3A_64, %dma_wait3A_65] : memref<258048x256xi32, #tpu.memory_space<hbm>> -> memref<56x256xi32, #tpu.memory_space<hbm>>
    %dma_wait3A_67 = arith.constant 0 : i32
    %dma_wait3A_68 = arith.constant 0 : i32
    %dma_wait3A_69 = tpu.memref_slice %arg9[%dma_wait3A, %dma_wait3A_67, %dma_wait3A_68] : memref<4x56x256xi32, #tpu.memory_space<vmem>> -> memref<1x56x256xi32, #tpu.memory_space<vmem>>
    %dma_wait3A_70 = tpu.memref_squeeze %dma_wait3A_69 : memref<1x56x256xi32, #tpu.memory_space<vmem>> -> memref<56x256xi32, #tpu.memory_space<vmem>>
    tpu.wait_dma2 semaphore(%arg14 : memref<!tpu.dma_semaphore, #tpu.memory_space<semaphore_mem>>) src(%dma_wait3A_70 : memref<56x256xi32, #tpu.memory_space<vmem>>) dst(%dma_wait3A_66 : memref<56x256xi32, #tpu.memory_space<hbm>>)
    %dma_wait3A_71 = arith.constant 1 : i32
    %dma_wait3A_72 = arith.constant 0 : i32
    %dma_wait3A_73 = arith.constant 0 : i32
    %dma_wait3A_74 = tpu.memref_slice %arg9[%dma_wait3A_71, %dma_wait3A_72, %dma_wait3A_73] : memref<4x56x256xi32, #tpu.memory_space<vmem>> -> memref<1x56x256xi32, #tpu.memory_space<vmem>>
    %dma_wait3A_75 = tpu.memref_squeeze %dma_wait3A_74 : memref<1x56x256xi32, #tpu.memory_space<vmem>> -> memref<56x256xi32, #tpu.memory_space<vmem>>
    %dma_wait3A_76 = arith.constant 0 : i32
    %dma_wait3A_77 = arith.constant 0 : i32
    %dma_wait3A_78 = tpu.memref_slice %arg6[%dma_wait3A_76, %dma_wait3A_77] : memref<258048x256xi32, #tpu.memory_space<hbm>> -> memref<56x256xi32, #tpu.memory_space<hbm>>
    %dma_wait3A_79 = arith.constant 0 : i32
    %dma_wait3A_80 = arith.constant 0 : i32
    %dma_wait3A_81 = tpu.memref_slice %arg6[%dma_wait3A_79, %dma_wait3A_80] : memref<258048x256xi32, #tpu.memory_space<hbm>> -> memref<56x256xi32, #tpu.memory_space<hbm>>
    %dma_wait3A_82 = arith.constant 0 : i32
    %dma_wait3A_83 = arith.constant 0 : i32
    %dma_wait3A_84 = tpu.memref_slice %arg9[%dma_wait3A_71, %dma_wait3A_82, %dma_wait3A_83] : memref<4x56x256xi32, #tpu.memory_space<vmem>> -> memref<1x56x256xi32, #tpu.memory_space<vmem>>
    %dma_wait3A_85 = tpu.memref_squeeze %dma_wait3A_84 : memref<1x56x256xi32, #tpu.memory_space<vmem>> -> memref<56x256xi32, #tpu.memory_space<vmem>>
    tpu.wait_dma2 semaphore(%arg15 : memref<!tpu.dma_semaphore, #tpu.memory_space<semaphore_mem>>) src(%dma_wait3A_85 : memref<56x256xi32, #tpu.memory_space<vmem>>) dst(%dma_wait3A_81 : memref<56x256xi32, #tpu.memory_space<hbm>>)
    %dma_wait3A_86 = arith.constant 2 : i32
    %dma_wait3A_87 = arith.constant 0 : i32
    %dma_wait3A_88 = arith.constant 0 : i32
    %dma_wait3A_89 = tpu.memref_slice %arg9[%dma_wait3A_86, %dma_wait3A_87, %dma_wait3A_88] : memref<4x56x256xi32, #tpu.memory_space<vmem>> -> memref<1x56x256xi32, #tpu.memory_space<vmem>>
    %dma_wait3A_90 = tpu.memref_squeeze %dma_wait3A_89 : memref<1x56x256xi32, #tpu.memory_space<vmem>> -> memref<56x256xi32, #tpu.memory_space<vmem>>
    %dma_wait3A_91 = arith.constant 0 : i32
    %dma_wait3A_92 = arith.constant 0 : i32
    %dma_wait3A_93 = tpu.memref_slice %arg6[%dma_wait3A_91, %dma_wait3A_92] : memref<258048x256xi32, #tpu.memory_space<hbm>> -> memref<56x256xi32, #tpu.memory_space<hbm>>
    %dma_wait3A_94 = arith.constant 0 : i32
    %dma_wait3A_95 = arith.constant 0 : i32
    %dma_wait3A_96 = tpu.memref_slice %arg6[%dma_wait3A_94, %dma_wait3A_95] : memref<258048x256xi32, #tpu.memory_space<hbm>> -> memref<56x256xi32, #tpu.memory_space<hbm>>
    %dma_wait3A_97 = arith.constant 0 : i32
    %dma_wait3A_98 = arith.constant 0 : i32
    %dma_wait3A_99 = tpu.memref_slice %arg9[%dma_wait3A_86, %dma_wait3A_97, %dma_wait3A_98] : memref<4x56x256xi32, #tpu.memory_space<vmem>> -> memref<1x56x256xi32, #tpu.memory_space<vmem>>
    %dma_wait3A_100 = tpu.memref_squeeze %dma_wait3A_99 : memref<1x56x256xi32, #tpu.memory_space<vmem>> -> memref<56x256xi32, #tpu.memory_space<vmem>>
    tpu.wait_dma2 semaphore(%arg16 : memref<!tpu.dma_semaphore, #tpu.memory_space<semaphore_mem>>) src(%dma_wait3A_100 : memref<56x256xi32, #tpu.memory_space<vmem>>) dst(%dma_wait3A_96 : memref<56x256xi32, #tpu.memory_space<hbm>>)
    %dma_wait3A_101 = arith.constant 3 : i32
    %dma_wait3A_102 = arith.constant 0 : i32
    %dma_wait3A_103 = arith.constant 0 : i32
    %dma_wait3A_104 = tpu.memref_slice %arg9[%dma_wait3A_101, %dma_wait3A_102, %dma_wait3A_103] : memref<4x56x256xi32, #tpu.memory_space<vmem>> -> memref<1x56x256xi32, #tpu.memory_space<vmem>>
    %dma_wait3A_105 = tpu.memref_squeeze %dma_wait3A_104 : memref<1x56x256xi32, #tpu.memory_space<vmem>> -> memref<56x256xi32, #tpu.memory_space<vmem>>
    %dma_wait3A_106 = arith.constant 0 : i32
    %dma_wait3A_107 = arith.constant 0 : i32
    %dma_wait3A_108 = tpu.memref_slice %arg6[%dma_wait3A_106, %dma_wait3A_107] : memref<258048x256xi32, #tpu.memory_space<hbm>> -> memref<56x256xi32, #tpu.memory_space<hbm>>
    %dma_wait3A_109 = arith.constant 0 : i32
    %dma_wait3A_110 = arith.constant 0 : i32
    %dma_wait3A_111 = tpu.memref_slice %arg6[%dma_wait3A_109, %dma_wait3A_110] : memref<258048x256xi32, #tpu.memory_space<hbm>> -> memref<56x256xi32, #tpu.memory_space<hbm>>
    %dma_wait3A_112 = arith.constant 0 : i32
    %dma_wait3A_113 = arith.constant 0 : i32
    %dma_wait3A_114 = tpu.memref_slice %arg9[%dma_wait3A_101, %dma_wait3A_112, %dma_wait3A_113] : memref<4x56x256xi32, #tpu.memory_space<vmem>> -> memref<1x56x256xi32, #tpu.memory_space<vmem>>
    %dma_wait3A_115 = tpu.memref_squeeze %dma_wait3A_114 : memref<1x56x256xi32, #tpu.memory_space<vmem>> -> memref<56x256xi32, #tpu.memory_space<vmem>>
    tpu.wait_dma2 semaphore(%arg17 : memref<!tpu.dma_semaphore, #tpu.memory_space<semaphore_mem>>) src(%dma_wait3A_115 : memref<56x256xi32, #tpu.memory_space<vmem>>) dst(%dma_wait3A_111 : memref<56x256xi32, #tpu.memory_space<hbm>>)
    %dma_start3A_116 = arith.constant 0 : i32
    %dma_start3A_117 = arith.constant 0 : i32
    %dma_start3A_118 = tpu.memref_slice %arg18[%dma_start3A_116, %dma_start3A_117] : memref<2x56xi32, #tpu.memory_space<vmem>> -> memref<1x56xi32, #tpu.memory_space<vmem>>
    %dma_start3A_119 = tpu.memref_squeeze %dma_start3A_118 : memref<1x56xi32, #tpu.memory_space<vmem>> -> memref<56xi32, #tpu.memory_space<vmem>>
    %dma_start3A_120 = arith.constant 0 : i32
    %dma_start3A_121 = arith.constant 0 : i32
    %dma_start3A_122 = tpu.memref_slice %arg3[%dma_start3A_120, %dma_start3A_121] : memref<10000x512xf32, #tpu.memory_space<hbm>> -> memref<10000x512xf32, #tpu.memory_space<hbm>>
    tpu.enqueue_indirect_dma source(%dma_start3A_122 : memref<10000x512xf32, #tpu.memory_space<hbm>>) target(%arg19 : memref<56x512xf32, #tpu.memory_space<vmem>>) offsets(%dma_start3A_119 : memref<56xi32, #tpu.memory_space<vmem>>) semaphore(%arg20 : memref<!tpu.dma_semaphore, #tpu.memory_space<semaphore_mem>>)
    %dma_wait3A_123 = arith.constant 0 : i32
    %dma_wait3A_124 = arith.constant 0 : i32
    %dma_wait3A_125 = tpu.memref_slice %arg18[%dma_wait3A_123, %dma_wait3A_124] : memref<2x56xi32, #tpu.memory_space<vmem>> -> memref<1x56xi32, #tpu.memory_space<vmem>>
    %dma_wait3A_126 = tpu.memref_squeeze %dma_wait3A_125 : memref<1x56xi32, #tpu.memory_space<vmem>> -> memref<56xi32, #tpu.memory_space<vmem>>
    %dma_wait3A_127 = arith.constant 0 : i32
    %dma_wait3A_128 = arith.constant 0 : i32
    %dma_wait3A_129 = tpu.memref_slice %arg3[%dma_wait3A_127, %dma_wait3A_128] : memref<10000x512xf32, #tpu.memory_space<hbm>> -> memref<10000x512xf32, #tpu.memory_space<hbm>>
    tpu.wait_indirect_dma semaphore(%arg20 : memref<!tpu.dma_semaphore, #tpu.memory_space<semaphore_mem>>) src(%dma_wait3A_129 : memref<10000x512xf32, #tpu.memory_space<hbm>>) dst(%arg19 : memref<56x512xf32, #tpu.memory_space<vmem>>)
    %mul3A_130 = arith.constant 2 : i32
    %mul3A_131 = arith.muli %add3A, %mul3A_130 : i32
    %add3A_132 = arith.constant 0 : i32
    %add3A_133 = arith.addi %mul3A_131, %add3A_132 : i32
    %mul3A_134 = arith.constant 56 : i32
    %mul3A_135 = arith.muli %add3A_133, %mul3A_134 : i32
    "tpu.region"() ({
      %run_scoped3A = tpu.sem_alloc : memref<!tpu.dma_semaphore, #tpu.memory_space<semaphore_mem>>
      %dma_start3A_156 = arith.constant 0 : i32
      %dma_start3A_157 = tpu.memref_slice %arg7[%mul3A_135, %dma_start3A_156] : memref<3584x512xf32, #tpu.memory_space<hbm>> -> memref<56x512xf32, #tpu.memory_space<hbm>>
      %dma_start3A_158 = arith.constant 0 : i32
      %dma_start3A_159 = tpu.memref_slice %arg7[%mul3A_135, %dma_start3A_158] : memref<3584x512xf32, #tpu.memory_space<hbm>> -> memref<56x512xf32, #tpu.memory_space<hbm>>
      tpu.enqueue_dma source(%arg19 : memref<56x512xf32, #tpu.memory_space<vmem>>) target(%dma_start3A_159 : memref<56x512xf32, #tpu.memory_space<hbm>>) target_semaphore(%run_scoped3A : memref<!tpu.dma_semaphore, #tpu.memory_space<semaphore_mem>>)
      %dma_wait3A_160 = arith.constant 0 : i32
      %dma_wait3A_161 = tpu.memref_slice %arg7[%mul3A_135, %dma_wait3A_160] : memref<3584x512xf32, #tpu.memory_space<hbm>> -> memref<56x512xf32, #tpu.memory_space<hbm>>
      %dma_wait3A_162 = arith.constant 0 : i32
      %dma_wait3A_163 = tpu.memref_slice %arg7[%mul3A_135, %dma_wait3A_162] : memref<3584x512xf32, #tpu.memory_space<hbm>> -> memref<56x512xf32, #tpu.memory_space<hbm>>
      tpu.wait_dma2 semaphore(%run_scoped3A : memref<!tpu.dma_semaphore, #tpu.memory_space<semaphore_mem>>) src(%arg19 : memref<56x512xf32, #tpu.memory_space<vmem>>) dst(%dma_wait3A_163 : memref<56x512xf32, #tpu.memory_space<hbm>>)
      tpu.yield
    }) : () -> ()
    %dma_start3A_136 = arith.constant 1 : i32
    %dma_start3A_137 = arith.constant 0 : i32
    %dma_start3A_138 = tpu.memref_slice %arg18[%dma_start3A_136, %dma_start3A_137] : memref<2x56xi32, #tpu.memory_space<vmem>> -> memref<1x56xi32, #tpu.memory_space<vmem>>
    %dma_start3A_139 = tpu.memref_squeeze %dma_start3A_138 : memref<1x56xi32, #tpu.memory_space<vmem>> -> memref<56xi32, #tpu.memory_space<vmem>>
    %dma_start3A_140 = arith.constant 0 : i32
    %dma_start3A_141 = arith.constant 0 : i32
    %dma_start3A_142 = tpu.memref_slice %arg3[%dma_start3A_140, %dma_start3A_141] : memref<10000x512xf32, #tpu.memory_space<hbm>> -> memref<10000x512xf32, #tpu.memory_space<hbm>>
    tpu.enqueue_indirect_dma source(%dma_start3A_142 : memref<10000x512xf32, #tpu.memory_space<hbm>>) target(%arg19 : memref<56x512xf32, #tpu.memory_space<vmem>>) offsets(%dma_start3A_139 : memref<56xi32, #tpu.memory_space<vmem>>) semaphore(%arg20 : memref<!tpu.dma_semaphore, #tpu.memory_space<semaphore_mem>>)
    %dma_wait3A_143 = arith.constant 1 : i32
    %dma_wait3A_144 = arith.constant 0 : i32
    %dma_wait3A_145 = tpu.memref_slice %arg18[%dma_wait3A_143, %dma_wait3A_144] : memref<2x56xi32, #tpu.memory_space<vmem>> -> memref<1x56xi32, #tpu.memory_space<vmem>>
    %dma_wait3A_146 = tpu.memref_squeeze %dma_wait3A_145 : memref<1x56xi32, #tpu.memory_space<vmem>> -> memref<56xi32, #tpu.memory_space<vmem>>
    %dma_wait3A_147 = arith.constant 0 : i32
    %dma_wait3A_148 = arith.constant 0 : i32
    %dma_wait3A_149 = tpu.memref_slice %arg3[%dma_wait3A_147, %dma_wait3A_148] : memref<10000x512xf32, #tpu.memory_space<hbm>> -> memref<10000x512xf32, #tpu.memory_space<hbm>>
    tpu.wait_indirect_dma semaphore(%arg20 : memref<!tpu.dma_semaphore, #tpu.memory_space<semaphore_mem>>) src(%dma_wait3A_149 : memref<10000x512xf32, #tpu.memory_space<hbm>>) dst(%arg19 : memref<56x512xf32, #tpu.memory_space<vmem>>)
    %mul3A_150 = arith.constant 2 : i32
    %mul3A_151 = arith.muli %add3A, %mul3A_150 : i32
    %add3A_152 = arith.constant 1 : i32
    %add3A_153 = arith.addi %mul3A_151, %add3A_152 : i32
    %mul3A_154 = arith.constant 56 : i32
    %mul3A_155 = arith.muli %add3A_153, %mul3A_154 : i32
    "tpu.region"() ({
      %run_scoped3A = tpu.sem_alloc : memref<!tpu.dma_semaphore, #tpu.memory_space<semaphore_mem>>
      %dma_start3A_156 = arith.constant 0 : i32
      %dma_start3A_157 = tpu.memref_slice %arg7[%mul3A_155, %dma_start3A_156] : memref<3584x512xf32, #tpu.memory_space<hbm>> -> memref<56x512xf32, #tpu.memory_space<hbm>>
      %dma_start3A_158 = arith.constant 0 : i32
      %dma_start3A_159 = tpu.memref_slice %arg7[%mul3A_155, %dma_start3A_158] : memref<3584x512xf32, #tpu.memory_space<hbm>> -> memref<56x512xf32, #tpu.memory_space<hbm>>
      tpu.enqueue_dma source(%arg19 : memref<56x512xf32, #tpu.memory_space<vmem>>) target(%dma_start3A_159 : memref<56x512xf32, #tpu.memory_space<hbm>>) target_semaphore(%run_scoped3A : memref<!tpu.dma_semaphore, #tpu.memory_space<semaphore_mem>>)
      %dma_wait3A_160 = arith.constant 0 : i32
      %dma_wait3A_161 = tpu.memref_slice %arg7[%mul3A_155, %dma_wait3A_160] : memref<3584x512xf32, #tpu.memory_space<hbm>> -> memref<56x512xf32, #tpu.memory_space<hbm>>
      %dma_wait3A_162 = arith.constant 0 : i32
      %dma_wait3A_163 = tpu.memref_slice %arg7[%mul3A_155, %dma_wait3A_162] : memref<3584x512xf32, #tpu.memory_space<hbm>> -> memref<56x512xf32, #tpu.memory_space<hbm>>
      tpu.wait_dma2 semaphore(%run_scoped3A : memref<!tpu.dma_semaphore, #tpu.memory_space<semaphore_mem>>) src(%arg19 : memref<56x512xf32, #tpu.memory_space<vmem>>) dst(%dma_wait3A_163 : memref<56x512xf32, #tpu.memory_space<hbm>>)
      tpu.yield
    }) : () -> ()
    return
  }
}

module attributes {stable_mosaic.version = 14 : i64} {
  func.func @_agg_body(%arg0: i32, %arg1: memref<56x512xf32, #tpu.memory_space<vmem>>, %arg2: memref<1792x256xi32, #tpu.memory_space<vmem>>, %arg3: memref<3584x256xi32, #tpu.memory_space<vmem>>, %arg4: memref<1x1x56xi32, #tpu.memory_space<vmem>>, %arg5: memref<1x512xf32, #tpu.memory_space<vmem>>, %arg6: memref<1x512xf32, #tpu.memory_space<vmem>>, %arg7: memref<1x512xf32, #tpu.memory_space<vmem>>, %arg8: memref<512x256xf32, #tpu.memory_space<vmem>>, %arg9: memref<1x256xf32, #tpu.memory_space<vmem>>, %arg10: memref<256x512xf32, #tpu.memory_space<vmem>>, %arg11: memref<1x512xf32, #tpu.memory_space<vmem>>, %arg12: memref<56x512xf32, #tpu.memory_space<vmem>>, %arg13: memref<8x512xf32, #tpu.memory_space<vmem>>) attributes {dimension_semantics = [#tpu.dimension_semantics<arbitrary>], iteration_bounds = array<i64: 48>, scalar_prefetch = 0 : i64, scratch_operands = 0 : i64, tpu.core_type = #tpu.core_type<tc>, window_params = [{transform_indices = @transform_0, window_bounds = array<i64: 56, 512>}, {transform_indices = @transform_1, window_bounds = array<i64: 1792, 256>}, {transform_indices = @transform_2, window_bounds = array<i64: 3584, 256>}, {transform_indices = @transform_3, window_bounds = array<i64: 1, 1, 56>}, {pipeline_mode = #tpu.pipeline_mode<synchronous>, transform_indices = @transform_4, window_bounds = array<i64: 1, 512>}, {pipeline_mode = #tpu.pipeline_mode<synchronous>, transform_indices = @transform_5, window_bounds = array<i64: 1, 512>}, {pipeline_mode = #tpu.pipeline_mode<synchronous>, transform_indices = @transform_6, window_bounds = array<i64: 1, 512>}, {pipeline_mode = #tpu.pipeline_mode<synchronous>, transform_indices = @transform_7, window_bounds = array<i64: 512, 256>}, {pipeline_mode = #tpu.pipeline_mode<synchronous>, transform_indices = @transform_8, window_bounds = array<i64: 1, 256>}, {pipeline_mode = #tpu.pipeline_mode<synchronous>, transform_indices = @transform_9, window_bounds = array<i64: 256, 512>}, {pipeline_mode = #tpu.pipeline_mode<synchronous>, transform_indices = @transform_10, window_bounds = array<i64: 1, 512>}, {transform_indices = @transform_11, window_bounds = array<i64: 56, 512>}, {pipeline_mode = #tpu.pipeline_mode<synchronous>, transform_indices = @transform_12, window_bounds = array<i64: 8, 512>}]} {
    %get3A = arith.constant 0 : index
    %get3A_0 = arith.constant 0 : index
    %get3A_1 = vector.load %arg5[%get3A, %get3A_0] : memref<1x512xf32, #tpu.memory_space<vmem>>, vector<1x512xf32>
    %get3A_2 = arith.constant 0 : index
    %get3A_3 = arith.constant 0 : index
    %get3A_4 = vector.load %arg1[%get3A_2, %get3A_3] : memref<56x512xf32, #tpu.memory_space<vmem>>, vector<56x512xf32>
    %mul3A = vector.broadcast %get3A_1 : vector<1x512xf32> to vector<56x512xf32>
    %mul3A_5 = arith.mulf %mul3A, %get3A_4 : vector<56x512xf32>
    %get3A_6 = arith.constant 0 : index
    %get3A_7 = arith.constant 0 : index
    %get3A_8 = vector.load %arg6[%get3A_6, %get3A_7] : memref<1x512xf32, #tpu.memory_space<vmem>>, vector<1x512xf32>
    %broadcast_in_dim3A = vector.shape_cast %get3A_8 : vector<1x512xf32> to vector<1x1x512xf32>
    %get3A_9 = arith.constant 0 : index
    %get3A_10 = arith.constant 0 : index
    %get3A_11 = vector.load %arg2[%get3A_9, %get3A_10] : memref<1792x256xi32, #tpu.memory_space<vmem>>, vector<1792x256xi32>
    %shift_left3A = arith.constant 16 : i32
    %shift_left3A_12 = vector.broadcast %shift_left3A : i32 to vector<1792x256xi32>
    %shift_left3A_13 = arith.shli %get3A_11, %shift_left3A_12 : vector<1792x256xi32>
    %bitcast_convert_type3A = tpu.bitcast %shift_left3A_13 : vector<1792x256xi32> -> vector<1792x256xf32>
    %and3A = arith.constant -65536 : i32
    %and3A_14 = vector.broadcast %and3A : i32 to vector<1792x256xi32>
    %and3A_15 = arith.andi %get3A_11, %and3A_14 : vector<1792x256xi32>
    %bitcast_convert_type3A_16 = tpu.bitcast %and3A_15 : vector<1792x256xi32> -> vector<1792x256xf32>
    %concatenate3A = tpu.concatenate %bitcast_convert_type3A, %bitcast_convert_type3A_16 in 1 : vector<1792x256xf32>, vector<1792x256xf32> -> vector<1792x512xf32>
    %reshape3A = vector.shape_cast %concatenate3A : vector<1792x512xf32> to vector<56x32x512xf32>
    %mul3A_17 = vector.broadcast %broadcast_in_dim3A : vector<1x1x512xf32> to vector<56x32x512xf32>
    %mul3A_18 = arith.mulf %mul3A_17, %reshape3A : vector<56x32x512xf32>
    %get3A_19 = arith.constant 0 : index
    %get3A_20 = arith.constant 0 : index
    %get3A_21 = vector.load %arg7[%get3A_19, %get3A_20] : memref<1x512xf32, #tpu.memory_space<vmem>>, vector<1x512xf32>
    %broadcast_in_dim3A_22 = vector.shape_cast %get3A_21 : vector<1x512xf32> to vector<1x1x512xf32>
    %get3A_23 = arith.constant 0 : index
    %get3A_24 = arith.constant 0 : index
    %get3A_25 = vector.load %arg3[%get3A_23, %get3A_24] : memref<3584x256xi32, #tpu.memory_space<vmem>>, vector<3584x256xi32>
    %shift_left3A_26 = arith.constant 16 : i32
    %shift_left3A_27 = vector.broadcast %shift_left3A_26 : i32 to vector<3584x256xi32>
    %shift_left3A_28 = arith.shli %get3A_25, %shift_left3A_27 : vector<3584x256xi32>
    %bitcast_convert_type3A_29 = tpu.bitcast %shift_left3A_28 : vector<3584x256xi32> -> vector<3584x256xf32>
    %and3A_30 = arith.constant -65536 : i32
    %and3A_31 = vector.broadcast %and3A_30 : i32 to vector<3584x256xi32>
    %and3A_32 = arith.andi %get3A_25, %and3A_31 : vector<3584x256xi32>
    %bitcast_convert_type3A_33 = tpu.bitcast %and3A_32 : vector<3584x256xi32> -> vector<3584x256xf32>
    %concatenate3A_34 = tpu.concatenate %bitcast_convert_type3A_29, %bitcast_convert_type3A_33 in 1 : vector<3584x256xf32>, vector<3584x256xf32> -> vector<3584x512xf32>
    %reshape3A_35 = vector.shape_cast %concatenate3A_34 : vector<3584x512xf32> to vector<56x64x512xf32>
    %mul3A_36 = vector.broadcast %broadcast_in_dim3A_22 : vector<1x1x512xf32> to vector<56x64x512xf32>
    %mul3A_37 = arith.mulf %mul3A_36, %reshape3A_35 : vector<56x64x512xf32>
    %mul3A_38 = arith.mulf %mul3A_5, %mul3A_5 : vector<56x512xf32>
    %reduce_sum3A = arith.constant dense<0.000000e+00> : vector<56xf32>
    %reduce_sum3A_39 = vector.multi_reduction <add>, %mul3A_38, %reduce_sum3A [1] : vector<56x512xf32> to vector<56xf32>
    %sqrt3A = math.sqrt %reduce_sum3A_39 : vector<56xf32>
    %max3A = arith.constant 9.99999993E-9 : f32
    %max3A_40 = vector.broadcast %max3A : f32 to vector<56xf32>
    %max3A_41 = arith.maximumf %sqrt3A, %max3A_40 : vector<56xf32>
    %mul3A_42 = arith.mulf %mul3A_18, %mul3A_18 : vector<56x32x512xf32>
    %reduce_sum3A_43 = arith.constant dense<0.000000e+00> : vector<56x32xf32>
    %reduce_sum3A_44 = vector.multi_reduction <add>, %mul3A_42, %reduce_sum3A_43 [2] : vector<56x32x512xf32> to vector<56x32xf32>
    %sqrt3A_45 = math.sqrt %reduce_sum3A_44 : vector<56x32xf32>
    %max3A_46 = arith.constant 9.99999993E-9 : f32
    %max3A_47 = vector.broadcast %max3A_46 : f32 to vector<56x32xf32>
    %max3A_48 = arith.maximumf %sqrt3A_45, %max3A_47 : vector<56x32xf32>
    %mul3A_49 = arith.mulf %mul3A_37, %mul3A_37 : vector<56x64x512xf32>
    %reduce_sum3A_50 = arith.constant dense<0.000000e+00> : vector<56x64xf32>
    %reduce_sum3A_51 = vector.multi_reduction <add>, %mul3A_49, %reduce_sum3A_50 [2] : vector<56x64x512xf32> to vector<56x64xf32>
    %sqrt3A_52 = math.sqrt %reduce_sum3A_51 : vector<56x64xf32>
    %max3A_53 = arith.constant 9.99999993E-9 : f32
    %max3A_54 = vector.broadcast %max3A_53 : f32 to vector<56x64xf32>
    %max3A_55 = arith.maximumf %sqrt3A_52, %max3A_54 : vector<56x64xf32>
    %broadcast_in_dim3A_56 = vector.shape_cast %mul3A_5 : vector<56x512xf32> to vector<56x1x512xf32>
    %mul3A_57 = vector.broadcast %broadcast_in_dim3A_56 : vector<56x1x512xf32> to vector<56x32x512xf32>
    %mul3A_58 = arith.mulf %mul3A_57, %mul3A_18 : vector<56x32x512xf32>
    %reduce_sum3A_59 = arith.constant dense<0.000000e+00> : vector<56x32xf32>
    %reduce_sum3A_60 = vector.multi_reduction <add>, %mul3A_58, %reduce_sum3A_59 [2] : vector<56x32x512xf32> to vector<56x32xf32>
    %broadcast_in_dim3A_61 = vector.shape_cast %mul3A_5 : vector<56x512xf32> to vector<56x1x512xf32>
    %mul3A_62 = vector.broadcast %broadcast_in_dim3A_61 : vector<56x1x512xf32> to vector<56x64x512xf32>
    %mul3A_63 = arith.mulf %mul3A_62, %mul3A_37 : vector<56x64x512xf32>
    %reduce_sum3A_64 = arith.constant dense<0.000000e+00> : vector<56x64xf32>
    %reduce_sum3A_65 = vector.multi_reduction <add>, %mul3A_63, %reduce_sum3A_64 [2] : vector<56x64x512xf32> to vector<56x64xf32>
    %broadcast_in_dim3A_66 = vector.shape_cast %max3A_41 : vector<56xf32> to vector<56x1xf32>
    %mul3A_67 = vector.broadcast %broadcast_in_dim3A_66 : vector<56x1xf32> to vector<56x32xf32>
    %mul3A_68 = arith.mulf %mul3A_67, %max3A_48 : vector<56x32xf32>
    %div3A = arith.divf %reduce_sum3A_60, %mul3A_68 : vector<56x32xf32>
    %broadcast_in_dim3A_69 = vector.shape_cast %max3A_41 : vector<56xf32> to vector<56x1xf32>
    %mul3A_70 = vector.broadcast %broadcast_in_dim3A_69 : vector<56x1xf32> to vector<56x64xf32>
    %mul3A_71 = arith.mulf %mul3A_70, %max3A_55 : vector<56x64xf32>
    %div3A_72 = arith.divf %reduce_sum3A_65, %mul3A_71 : vector<56x64xf32>
    %reduce_max3A = arith.constant dense<0xFF800000> : vector<56xf32>
    %reduce_max3A_73 = vector.multi_reduction <maximumf>, %div3A, %reduce_max3A [1] : vector<56x32xf32> to vector<56xf32>
    %reduce_max3A_74 = arith.constant dense<0xFF800000> : vector<56xf32>
    %reduce_max3A_75 = vector.multi_reduction <maximumf>, %div3A_72, %reduce_max3A_74 [1] : vector<56x64xf32> to vector<56xf32>
    %max3A_76 = arith.maximumf %reduce_max3A_73, %reduce_max3A_75 : vector<56xf32>
    %broadcast_in_dim3A_77 = vector.shape_cast %max3A_76 : vector<56xf32> to vector<56x1xf32>
    %sub3A = vector.broadcast %broadcast_in_dim3A_77 : vector<56x1xf32> to vector<56x32xf32>
    %sub3A_78 = arith.subf %div3A, %sub3A : vector<56x32xf32>
    %exp3A = math.exp %sub3A_78 : vector<56x32xf32>
    %broadcast_in_dim3A_79 = vector.shape_cast %max3A_76 : vector<56xf32> to vector<56x1xf32>
    %sub3A_80 = vector.broadcast %broadcast_in_dim3A_79 : vector<56x1xf32> to vector<56x64xf32>
    %sub3A_81 = arith.subf %div3A_72, %sub3A_80 : vector<56x64xf32>
    %exp3A_82 = math.exp %sub3A_81 : vector<56x64xf32>
    %reduce_sum3A_83 = arith.constant dense<0.000000e+00> : vector<56xf32>
    %reduce_sum3A_84 = vector.multi_reduction <add>, %exp3A, %reduce_sum3A_83 [1] : vector<56x32xf32> to vector<56xf32>
    %reduce_sum3A_85 = arith.constant dense<0.000000e+00> : vector<56xf32>
    %reduce_sum3A_86 = vector.multi_reduction <add>, %exp3A_82, %reduce_sum3A_85 [1] : vector<56x64xf32> to vector<56xf32>
    %add3A = arith.addf %reduce_sum3A_84, %reduce_sum3A_86 : vector<56xf32>
    %broadcast_in_dim3A_87 = vector.shape_cast %add3A : vector<56xf32> to vector<56x1xf32>
    %div3A_88 = vector.broadcast %broadcast_in_dim3A_87 : vector<56x1xf32> to vector<56x32xf32>
    %div3A_89 = arith.divf %exp3A, %div3A_88 : vector<56x32xf32>
    %broadcast_in_dim3A_90 = vector.shape_cast %add3A : vector<56xf32> to vector<56x1xf32>
    %div3A_91 = vector.broadcast %broadcast_in_dim3A_90 : vector<56x1xf32> to vector<56x64xf32>
    %div3A_92 = arith.divf %exp3A_82, %div3A_91 : vector<56x64xf32>
    %broadcast_in_dim3A_93 = vector.shape_cast %div3A_89 : vector<56x32xf32> to vector<56x32x1xf32>
    %mul3A_94 = vector.broadcast %broadcast_in_dim3A_93 : vector<56x32x1xf32> to vector<56x32x512xf32>
    %mul3A_95 = arith.mulf %mul3A_94, %mul3A_18 : vector<56x32x512xf32>
    %reduce_sum3A_96 = arith.constant dense<0.000000e+00> : vector<56x512xf32>
    %reduce_sum3A_97 = vector.multi_reduction <add>, %mul3A_95, %reduce_sum3A_96 [1] : vector<56x32x512xf32> to vector<56x512xf32>
    %broadcast_in_dim3A_98 = vector.shape_cast %div3A_92 : vector<56x64xf32> to vector<56x64x1xf32>
    %mul3A_99 = vector.broadcast %broadcast_in_dim3A_98 : vector<56x64x1xf32> to vector<56x64x512xf32>
    %mul3A_100 = arith.mulf %mul3A_99, %mul3A_37 : vector<56x64x512xf32>
    %reduce_sum3A_101 = arith.constant dense<0.000000e+00> : vector<56x512xf32>
    %reduce_sum3A_102 = vector.multi_reduction <add>, %mul3A_100, %reduce_sum3A_101 [1] : vector<56x64x512xf32> to vector<56x512xf32>
    %add3A_103 = arith.addf %reduce_sum3A_97, %reduce_sum3A_102 : vector<56x512xf32>
    %add3A_104 = arith.addf %add3A_103, %mul3A_5 : vector<56x512xf32>
    %get3A_105 = arith.constant 0 : index
    %get3A_106 = arith.constant 0 : index
    %get3A_107 = vector.load %arg8[%get3A_105, %get3A_106] : memref<512x256xf32, #tpu.memory_space<vmem>>, vector<512x256xf32>
    %dot_general3A = arith.constant dense<0.000000e+00> : vector<56x256xf32>
    %dot_general3A_108 = tpu.matmul %add3A_104, %get3A_107, %dot_general3A {dimension_numbers = #tpu.dot_dimension_numbers<[1], [0], [0], [1], [0, 0, 1, 1], [], []>, transpose_lhs_hint = false} : vector<56x512xf32>, vector<512x256xf32>, vector<56x256xf32> -> vector<56x256xf32>
    %get3A_109 = arith.constant 0 : index
    %get3A_110 = arith.constant 0 : index
    %get3A_111 = vector.load %arg9[%get3A_109, %get3A_110] : memref<1x256xf32, #tpu.memory_space<vmem>>, vector<1x256xf32>
    %add3A_112 = vector.broadcast %get3A_111 : vector<1x256xf32> to vector<56x256xf32>
    %add3A_113 = arith.addf %dot_general3A_108, %add3A_112 : vector<56x256xf32>
    %max3A_114 = arith.constant 0.000000e+00 : f32
    %max3A_115 = vector.broadcast %max3A_114 : f32 to vector<56x256xf32>
    %max3A_116 = arith.maximumf %add3A_113, %max3A_115 : vector<56x256xf32>
    %get3A_117 = arith.constant 0 : index
    %get3A_118 = arith.constant 0 : index
    %get3A_119 = vector.load %arg10[%get3A_117, %get3A_118] : memref<256x512xf32, #tpu.memory_space<vmem>>, vector<256x512xf32>
    %dot_general3A_120 = arith.constant dense<0.000000e+00> : vector<56x512xf32>
    %dot_general3A_121 = tpu.matmul %max3A_116, %get3A_119, %dot_general3A_120 {dimension_numbers = #tpu.dot_dimension_numbers<[1], [0], [0], [1], [0, 0, 1, 1], [], []>, transpose_lhs_hint = false} : vector<56x256xf32>, vector<256x512xf32>, vector<56x512xf32> -> vector<56x512xf32>
    %get3A_122 = arith.constant 0 : index
    %get3A_123 = arith.constant 0 : index
    %get3A_124 = vector.load %arg11[%get3A_122, %get3A_123] : memref<1x512xf32, #tpu.memory_space<vmem>>, vector<1x512xf32>
    %add3A_125 = vector.broadcast %get3A_124 : vector<1x512xf32> to vector<56x512xf32>
    %add3A_126 = arith.addf %dot_general3A_121, %add3A_125 : vector<56x512xf32>
    %add3A_127 = arith.addf %add3A_126, %mul3A_5 : vector<56x512xf32>
    %swap3A = arith.constant 0 : index
    %swap3A_128 = arith.constant 0 : index
    %swap3A_129 = vector.load %arg12[%swap3A, %swap3A_128] : memref<56x512xf32, #tpu.memory_space<vmem>>, vector<56x512xf32>
    tpu.vector_store %arg12[%swap3A, %swap3A_128], %add3A_127 {strides = array<i32>} : memref<56x512xf32, #tpu.memory_space<vmem>>, vector<56x512xf32>,
    %get3A_130 = arith.constant 0 : index
    %get3A_131 = arith.constant 0 : index
    %get3A_132 = arith.constant 0 : index
    %get3A_133 = vector.load %arg4[%get3A_130, %get3A_131, %get3A_132] : memref<1x1x56xi32, #tpu.memory_space<vmem>>, vector<1x1x56xi32>
    %get3A_134 = vector.shape_cast %get3A_133 : vector<1x1x56xi32> to vector<1x56xi32>
    %iota3A = tpu.iota {dimensions = array<i32: 0>} : vector<8x56xi32>
    %eq3A = vector.broadcast %get3A_134 : vector<1x56xi32> to vector<8x56xi32>
    %eq3A_135 = arith.cmpi eq, %iota3A, %eq3A : vector<8x56xi32>
    %convert_element_type3A = arith.extui %eq3A_135 : vector<8x56xi1> to vector<8x56xi32>
    %convert_element_type3A_136 = arith.sitofp %convert_element_type3A : vector<8x56xi32> to vector<8x56xf32>
    %dot_general3A_137 = arith.constant dense<0.000000e+00> : vector<8x512xf32>
    %dot_general3A_138 = tpu.matmul %convert_element_type3A_136, %add3A_127, %dot_general3A_137 {dimension_numbers = #tpu.dot_dimension_numbers<[1], [0], [0], [1], [0, 0, 1, 1], [], []>, transpose_lhs_hint = false} : vector<8x56xf32>, vector<56x512xf32>, vector<8x512xf32> -> vector<8x512xf32>
    %eq3A_139 = arith.constant 0 : i32
    %eq3A_140 = arith.cmpi eq, %arg0, %eq3A_139 : i32
    %convert_element_type3A_141 = arith.extui %eq3A_140 : i1 to i32
    %cond3A = arith.constant 0 : i32
    %cond3A_142 = arith.cmpi ne, %convert_element_type3A_141, %cond3A : i32
    scf.if %cond3A_142 {
      %broadcast_in_dim3A_150 = arith.constant 0.000000e+00 : f32
      %broadcast_in_dim3A_151 = vector.broadcast %broadcast_in_dim3A_150 : f32 to vector<8x512xf32>
      %swap3A_152 = arith.constant 0 : index
      %swap3A_153 = arith.constant 0 : index
      %swap3A_154 = vector.load %arg13[%swap3A_152, %swap3A_153] : memref<8x512xf32, #tpu.memory_space<vmem>>, vector<8x512xf32>
      tpu.vector_store %arg13[%swap3A_152, %swap3A_153], %broadcast_in_dim3A_151 {strides = array<i32>} : memref<8x512xf32, #tpu.memory_space<vmem>>, vector<8x512xf32>,
    } else {
    }
    %get3A_143 = arith.constant 0 : index
    %get3A_144 = arith.constant 0 : index
    %get3A_145 = vector.load %arg13[%get3A_143, %get3A_144] : memref<8x512xf32, #tpu.memory_space<vmem>>, vector<8x512xf32>
    %add3A_146 = arith.addf %get3A_145, %dot_general3A_138 : vector<8x512xf32>
    %swap3A_147 = arith.constant 0 : index
    %swap3A_148 = arith.constant 0 : index
    %swap3A_149 = vector.load %arg13[%swap3A_147, %swap3A_148] : memref<8x512xf32, #tpu.memory_space<vmem>>, vector<8x512xf32>
    tpu.vector_store %arg13[%swap3A_147, %swap3A_148], %add3A_146 {strides = array<i32>} : memref<8x512xf32, #tpu.memory_space<vmem>>, vector<8x512xf32>,
    return
  }
  func.func @transform_0(%arg0: i32) -> (i32, i32) {
    %add3A = arith.constant 0 : i32
    %add3A_0 = arith.addi %add3A, %arg0 : i32
    %c0_i32 = arith.constant 0 : i32
    %c0_i32_1 = arith.constant 0 : i32
    return %add3A_0, %c0_i32 : i32, i32
  }
  func.func @transform_1(%arg0: i32) -> (i32, i32) {
    %add3A = arith.constant 96 : i32
    %add3A_0 = arith.addi %add3A, %arg0 : i32
    %c0_i32 = arith.constant 0 : i32
    %c0_i32_1 = arith.constant 0 : i32
    return %add3A_0, %c0_i32 : i32, i32
  }
  func.func @transform_2(%arg0: i32) -> (i32, i32) {
    %c0_i32 = arith.constant 0 : i32
    %c0_i32_0 = arith.constant 0 : i32
    return %arg0, %c0_i32 : i32, i32
  }
  func.func @transform_3(%arg0: i32) -> (i32, i32, i32) {
    %c0_i32 = arith.constant 0 : i32
    %c0_i32_0 = arith.constant 0 : i32
    %c0_i32_1 = arith.constant 0 : i32
    return %arg0, %c0_i32, %c0_i32_0 : i32, i32, i32
  }
  func.func @transform_4(%arg0: i32) -> (i32, i32) {
    %c0_i32 = arith.constant 0 : i32
    %c0_i32_0 = arith.constant 0 : i32
    %c0_i32_1 = arith.constant 0 : i32
    return %c0_i32, %c0_i32_0 : i32, i32
  }
  func.func @transform_5(%arg0: i32) -> (i32, i32) {
    %c0_i32 = arith.constant 0 : i32
    %c0_i32_0 = arith.constant 0 : i32
    %c0_i32_1 = arith.constant 0 : i32
    return %c0_i32, %c0_i32_0 : i32, i32
  }
  func.func @transform_6(%arg0: i32) -> (i32, i32) {
    %c0_i32 = arith.constant 0 : i32
    %c0_i32_0 = arith.constant 0 : i32
    %c0_i32_1 = arith.constant 0 : i32
    return %c0_i32, %c0_i32_0 : i32, i32
  }
  func.func @transform_7(%arg0: i32) -> (i32, i32) {
    %c0_i32 = arith.constant 0 : i32
    %c0_i32_0 = arith.constant 0 : i32
    %c0_i32_1 = arith.constant 0 : i32
    return %c0_i32, %c0_i32_0 : i32, i32
  }
  func.func @transform_8(%arg0: i32) -> (i32, i32) {
    %c0_i32 = arith.constant 0 : i32
    %c0_i32_0 = arith.constant 0 : i32
    %c0_i32_1 = arith.constant 0 : i32
    return %c0_i32, %c0_i32_0 : i32, i32
  }
  func.func @transform_9(%arg0: i32) -> (i32, i32) {
    %c0_i32 = arith.constant 0 : i32
    %c0_i32_0 = arith.constant 0 : i32
    %c0_i32_1 = arith.constant 0 : i32
    return %c0_i32, %c0_i32_0 : i32, i32
  }
  func.func @transform_10(%arg0: i32) -> (i32, i32) {
    %c0_i32 = arith.constant 0 : i32
    %c0_i32_0 = arith.constant 0 : i32
    %c0_i32_1 = arith.constant 0 : i32
    return %c0_i32, %c0_i32_0 : i32, i32
  }
  func.func @transform_11(%arg0: i32) -> (i32, i32) {
    %c0_i32 = arith.constant 0 : i32
    %c0_i32_0 = arith.constant 0 : i32
    return %arg0, %c0_i32 : i32, i32
  }
  func.func @transform_12(%arg0: i32) -> (i32, i32) {
    %c0_i32 = arith.constant 0 : i32
    %c0_i32_0 = arith.constant 0 : i32
    %c0_i32_1 = arith.constant 0 : i32
    return %c0_i32, %c0_i32_0 : i32, i32
  }
}

module attributes {stable_mosaic.version = 14 : i64} {
  func.func @_agg_body(%arg0: i32, %arg1: memref<56x512xf32, #tpu.memory_space<vmem>>, %arg2: memref<1792x256xi32, #tpu.memory_space<vmem>>, %arg3: memref<3584x256xi32, #tpu.memory_space<vmem>>, %arg4: memref<1x1x56xi32, #tpu.memory_space<vmem>>, %arg5: memref<1x512xf32, #tpu.memory_space<vmem>>, %arg6: memref<1x512xf32, #tpu.memory_space<vmem>>, %arg7: memref<1x512xf32, #tpu.memory_space<vmem>>, %arg8: memref<512x256xf32, #tpu.memory_space<vmem>>, %arg9: memref<1x256xf32, #tpu.memory_space<vmem>>, %arg10: memref<256x512xf32, #tpu.memory_space<vmem>>, %arg11: memref<1x512xf32, #tpu.memory_space<vmem>>, %arg12: memref<56x512xf32, #tpu.memory_space<vmem>>, %arg13: memref<8x512xf32, #tpu.memory_space<vmem>>) attributes {dimension_semantics = [#tpu.dimension_semantics<arbitrary>], iteration_bounds = array<i64: 16>, scalar_prefetch = 0 : i64, scratch_operands = 0 : i64, tpu.core_type = #tpu.core_type<tc>, window_params = [{transform_indices = @transform_0, window_bounds = array<i64: 56, 512>}, {transform_indices = @transform_1, window_bounds = array<i64: 1792, 256>}, {transform_indices = @transform_2, window_bounds = array<i64: 3584, 256>}, {transform_indices = @transform_3, window_bounds = array<i64: 1, 1, 56>}, {pipeline_mode = #tpu.pipeline_mode<synchronous>, transform_indices = @transform_4, window_bounds = array<i64: 1, 512>}, {pipeline_mode = #tpu.pipeline_mode<synchronous>, transform_indices = @transform_5, window_bounds = array<i64: 1, 512>}, {pipeline_mode = #tpu.pipeline_mode<synchronous>, transform_indices = @transform_6, window_bounds = array<i64: 1, 512>}, {pipeline_mode = #tpu.pipeline_mode<synchronous>, transform_indices = @transform_7, window_bounds = array<i64: 512, 256>}, {pipeline_mode = #tpu.pipeline_mode<synchronous>, transform_indices = @transform_8, window_bounds = array<i64: 1, 256>}, {pipeline_mode = #tpu.pipeline_mode<synchronous>, transform_indices = @transform_9, window_bounds = array<i64: 256, 512>}, {pipeline_mode = #tpu.pipeline_mode<synchronous>, transform_indices = @transform_10, window_bounds = array<i64: 1, 512>}, {transform_indices = @transform_11, window_bounds = array<i64: 56, 512>}, {pipeline_mode = #tpu.pipeline_mode<synchronous>, transform_indices = @transform_12, window_bounds = array<i64: 8, 512>}]} {
    %get3A = arith.constant 0 : index
    %get3A_0 = arith.constant 0 : index
    %get3A_1 = vector.load %arg5[%get3A, %get3A_0] : memref<1x512xf32, #tpu.memory_space<vmem>>, vector<1x512xf32>
    %get3A_2 = arith.constant 0 : index
    %get3A_3 = arith.constant 0 : index
    %get3A_4 = vector.load %arg1[%get3A_2, %get3A_3] : memref<56x512xf32, #tpu.memory_space<vmem>>, vector<56x512xf32>
    %mul3A = vector.broadcast %get3A_1 : vector<1x512xf32> to vector<56x512xf32>
    %mul3A_5 = arith.mulf %mul3A, %get3A_4 : vector<56x512xf32>
    %get3A_6 = arith.constant 0 : index
    %get3A_7 = arith.constant 0 : index
    %get3A_8 = vector.load %arg6[%get3A_6, %get3A_7] : memref<1x512xf32, #tpu.memory_space<vmem>>, vector<1x512xf32>
    %broadcast_in_dim3A = vector.shape_cast %get3A_8 : vector<1x512xf32> to vector<1x1x512xf32>
    %get3A_9 = arith.constant 0 : index
    %get3A_10 = arith.constant 0 : index
    %get3A_11 = vector.load %arg2[%get3A_9, %get3A_10] : memref<1792x256xi32, #tpu.memory_space<vmem>>, vector<1792x256xi32>
    %shift_left3A = arith.constant 16 : i32
    %shift_left3A_12 = vector.broadcast %shift_left3A : i32 to vector<1792x256xi32>
    %shift_left3A_13 = arith.shli %get3A_11, %shift_left3A_12 : vector<1792x256xi32>
    %bitcast_convert_type3A = tpu.bitcast %shift_left3A_13 : vector<1792x256xi32> -> vector<1792x256xf32>
    %and3A = arith.constant -65536 : i32
    %and3A_14 = vector.broadcast %and3A : i32 to vector<1792x256xi32>
    %and3A_15 = arith.andi %get3A_11, %and3A_14 : vector<1792x256xi32>
    %bitcast_convert_type3A_16 = tpu.bitcast %and3A_15 : vector<1792x256xi32> -> vector<1792x256xf32>
    %concatenate3A = tpu.concatenate %bitcast_convert_type3A, %bitcast_convert_type3A_16 in 1 : vector<1792x256xf32>, vector<1792x256xf32> -> vector<1792x512xf32>
    %reshape3A = vector.shape_cast %concatenate3A : vector<1792x512xf32> to vector<56x32x512xf32>
    %mul3A_17 = vector.broadcast %broadcast_in_dim3A : vector<1x1x512xf32> to vector<56x32x512xf32>
    %mul3A_18 = arith.mulf %mul3A_17, %reshape3A : vector<56x32x512xf32>
    %get3A_19 = arith.constant 0 : index
    %get3A_20 = arith.constant 0 : index
    %get3A_21 = vector.load %arg7[%get3A_19, %get3A_20] : memref<1x512xf32, #tpu.memory_space<vmem>>, vector<1x512xf32>
    %broadcast_in_dim3A_22 = vector.shape_cast %get3A_21 : vector<1x512xf32> to vector<1x1x512xf32>
    %get3A_23 = arith.constant 0 : index
    %get3A_24 = arith.constant 0 : index
    %get3A_25 = vector.load %arg3[%get3A_23, %get3A_24] : memref<3584x256xi32, #tpu.memory_space<vmem>>, vector<3584x256xi32>
    %shift_left3A_26 = arith.constant 16 : i32
    %shift_left3A_27 = vector.broadcast %shift_left3A_26 : i32 to vector<3584x256xi32>
    %shift_left3A_28 = arith.shli %get3A_25, %shift_left3A_27 : vector<3584x256xi32>
    %bitcast_convert_type3A_29 = tpu.bitcast %shift_left3A_28 : vector<3584x256xi32> -> vector<3584x256xf32>
    %and3A_30 = arith.constant -65536 : i32
    %and3A_31 = vector.broadcast %and3A_30 : i32 to vector<3584x256xi32>
    %and3A_32 = arith.andi %get3A_25, %and3A_31 : vector<3584x256xi32>
    %bitcast_convert_type3A_33 = tpu.bitcast %and3A_32 : vector<3584x256xi32> -> vector<3584x256xf32>
    %concatenate3A_34 = tpu.concatenate %bitcast_convert_type3A_29, %bitcast_convert_type3A_33 in 1 : vector<3584x256xf32>, vector<3584x256xf32> -> vector<3584x512xf32>
    %reshape3A_35 = vector.shape_cast %concatenate3A_34 : vector<3584x512xf32> to vector<56x64x512xf32>
    %mul3A_36 = vector.broadcast %broadcast_in_dim3A_22 : vector<1x1x512xf32> to vector<56x64x512xf32>
    %mul3A_37 = arith.mulf %mul3A_36, %reshape3A_35 : vector<56x64x512xf32>
    %mul3A_38 = arith.mulf %mul3A_5, %mul3A_5 : vector<56x512xf32>
    %reduce_sum3A = arith.constant dense<0.000000e+00> : vector<56xf32>
    %reduce_sum3A_39 = vector.multi_reduction <add>, %mul3A_38, %reduce_sum3A [1] : vector<56x512xf32> to vector<56xf32>
    %sqrt3A = math.sqrt %reduce_sum3A_39 : vector<56xf32>
    %max3A = arith.constant 9.99999993E-9 : f32
    %max3A_40 = vector.broadcast %max3A : f32 to vector<56xf32>
    %max3A_41 = arith.maximumf %sqrt3A, %max3A_40 : vector<56xf32>
    %mul3A_42 = arith.mulf %mul3A_18, %mul3A_18 : vector<56x32x512xf32>
    %reduce_sum3A_43 = arith.constant dense<0.000000e+00> : vector<56x32xf32>
    %reduce_sum3A_44 = vector.multi_reduction <add>, %mul3A_42, %reduce_sum3A_43 [2] : vector<56x32x512xf32> to vector<56x32xf32>
    %sqrt3A_45 = math.sqrt %reduce_sum3A_44 : vector<56x32xf32>
    %max3A_46 = arith.constant 9.99999993E-9 : f32
    %max3A_47 = vector.broadcast %max3A_46 : f32 to vector<56x32xf32>
    %max3A_48 = arith.maximumf %sqrt3A_45, %max3A_47 : vector<56x32xf32>
    %mul3A_49 = arith.mulf %mul3A_37, %mul3A_37 : vector<56x64x512xf32>
    %reduce_sum3A_50 = arith.constant dense<0.000000e+00> : vector<56x64xf32>
    %reduce_sum3A_51 = vector.multi_reduction <add>, %mul3A_49, %reduce_sum3A_50 [2] : vector<56x64x512xf32> to vector<56x64xf32>
    %sqrt3A_52 = math.sqrt %reduce_sum3A_51 : vector<56x64xf32>
    %max3A_53 = arith.constant 9.99999993E-9 : f32
    %max3A_54 = vector.broadcast %max3A_53 : f32 to vector<56x64xf32>
    %max3A_55 = arith.maximumf %sqrt3A_52, %max3A_54 : vector<56x64xf32>
    %broadcast_in_dim3A_56 = vector.shape_cast %mul3A_5 : vector<56x512xf32> to vector<56x1x512xf32>
    %mul3A_57 = vector.broadcast %broadcast_in_dim3A_56 : vector<56x1x512xf32> to vector<56x32x512xf32>
    %mul3A_58 = arith.mulf %mul3A_57, %mul3A_18 : vector<56x32x512xf32>
    %reduce_sum3A_59 = arith.constant dense<0.000000e+00> : vector<56x32xf32>
    %reduce_sum3A_60 = vector.multi_reduction <add>, %mul3A_58, %reduce_sum3A_59 [2] : vector<56x32x512xf32> to vector<56x32xf32>
    %broadcast_in_dim3A_61 = vector.shape_cast %mul3A_5 : vector<56x512xf32> to vector<56x1x512xf32>
    %mul3A_62 = vector.broadcast %broadcast_in_dim3A_61 : vector<56x1x512xf32> to vector<56x64x512xf32>
    %mul3A_63 = arith.mulf %mul3A_62, %mul3A_37 : vector<56x64x512xf32>
    %reduce_sum3A_64 = arith.constant dense<0.000000e+00> : vector<56x64xf32>
    %reduce_sum3A_65 = vector.multi_reduction <add>, %mul3A_63, %reduce_sum3A_64 [2] : vector<56x64x512xf32> to vector<56x64xf32>
    %broadcast_in_dim3A_66 = vector.shape_cast %max3A_41 : vector<56xf32> to vector<56x1xf32>
    %mul3A_67 = vector.broadcast %broadcast_in_dim3A_66 : vector<56x1xf32> to vector<56x32xf32>
    %mul3A_68 = arith.mulf %mul3A_67, %max3A_48 : vector<56x32xf32>
    %div3A = arith.divf %reduce_sum3A_60, %mul3A_68 : vector<56x32xf32>
    %broadcast_in_dim3A_69 = vector.shape_cast %max3A_41 : vector<56xf32> to vector<56x1xf32>
    %mul3A_70 = vector.broadcast %broadcast_in_dim3A_69 : vector<56x1xf32> to vector<56x64xf32>
    %mul3A_71 = arith.mulf %mul3A_70, %max3A_55 : vector<56x64xf32>
    %div3A_72 = arith.divf %reduce_sum3A_65, %mul3A_71 : vector<56x64xf32>
    %reduce_max3A = arith.constant dense<0xFF800000> : vector<56xf32>
    %reduce_max3A_73 = vector.multi_reduction <maximumf>, %div3A, %reduce_max3A [1] : vector<56x32xf32> to vector<56xf32>
    %reduce_max3A_74 = arith.constant dense<0xFF800000> : vector<56xf32>
    %reduce_max3A_75 = vector.multi_reduction <maximumf>, %div3A_72, %reduce_max3A_74 [1] : vector<56x64xf32> to vector<56xf32>
    %max3A_76 = arith.maximumf %reduce_max3A_73, %reduce_max3A_75 : vector<56xf32>
    %broadcast_in_dim3A_77 = vector.shape_cast %max3A_76 : vector<56xf32> to vector<56x1xf32>
    %sub3A = vector.broadcast %broadcast_in_dim3A_77 : vector<56x1xf32> to vector<56x32xf32>
    %sub3A_78 = arith.subf %div3A, %sub3A : vector<56x32xf32>
    %exp3A = math.exp %sub3A_78 : vector<56x32xf32>
    %broadcast_in_dim3A_79 = vector.shape_cast %max3A_76 : vector<56xf32> to vector<56x1xf32>
    %sub3A_80 = vector.broadcast %broadcast_in_dim3A_79 : vector<56x1xf32> to vector<56x64xf32>
    %sub3A_81 = arith.subf %div3A_72, %sub3A_80 : vector<56x64xf32>
    %exp3A_82 = math.exp %sub3A_81 : vector<56x64xf32>
    %reduce_sum3A_83 = arith.constant dense<0.000000e+00> : vector<56xf32>
    %reduce_sum3A_84 = vector.multi_reduction <add>, %exp3A, %reduce_sum3A_83 [1] : vector<56x32xf32> to vector<56xf32>
    %reduce_sum3A_85 = arith.constant dense<0.000000e+00> : vector<56xf32>
    %reduce_sum3A_86 = vector.multi_reduction <add>, %exp3A_82, %reduce_sum3A_85 [1] : vector<56x64xf32> to vector<56xf32>
    %add3A = arith.addf %reduce_sum3A_84, %reduce_sum3A_86 : vector<56xf32>
    %broadcast_in_dim3A_87 = vector.shape_cast %add3A : vector<56xf32> to vector<56x1xf32>
    %div3A_88 = vector.broadcast %broadcast_in_dim3A_87 : vector<56x1xf32> to vector<56x32xf32>
    %div3A_89 = arith.divf %exp3A, %div3A_88 : vector<56x32xf32>
    %broadcast_in_dim3A_90 = vector.shape_cast %add3A : vector<56xf32> to vector<56x1xf32>
    %div3A_91 = vector.broadcast %broadcast_in_dim3A_90 : vector<56x1xf32> to vector<56x64xf32>
    %div3A_92 = arith.divf %exp3A_82, %div3A_91 : vector<56x64xf32>
    %broadcast_in_dim3A_93 = vector.shape_cast %div3A_89 : vector<56x32xf32> to vector<56x32x1xf32>
    %mul3A_94 = vector.broadcast %broadcast_in_dim3A_93 : vector<56x32x1xf32> to vector<56x32x512xf32>
    %mul3A_95 = arith.mulf %mul3A_94, %mul3A_18 : vector<56x32x512xf32>
    %reduce_sum3A_96 = arith.constant dense<0.000000e+00> : vector<56x512xf32>
    %reduce_sum3A_97 = vector.multi_reduction <add>, %mul3A_95, %reduce_sum3A_96 [1] : vector<56x32x512xf32> to vector<56x512xf32>
    %broadcast_in_dim3A_98 = vector.shape_cast %div3A_92 : vector<56x64xf32> to vector<56x64x1xf32>
    %mul3A_99 = vector.broadcast %broadcast_in_dim3A_98 : vector<56x64x1xf32> to vector<56x64x512xf32>
    %mul3A_100 = arith.mulf %mul3A_99, %mul3A_37 : vector<56x64x512xf32>
    %reduce_sum3A_101 = arith.constant dense<0.000000e+00> : vector<56x512xf32>
    %reduce_sum3A_102 = vector.multi_reduction <add>, %mul3A_100, %reduce_sum3A_101 [1] : vector<56x64x512xf32> to vector<56x512xf32>
    %add3A_103 = arith.addf %reduce_sum3A_97, %reduce_sum3A_102 : vector<56x512xf32>
    %add3A_104 = arith.addf %add3A_103, %mul3A_5 : vector<56x512xf32>
    %get3A_105 = arith.constant 0 : index
    %get3A_106 = arith.constant 0 : index
    %get3A_107 = vector.load %arg8[%get3A_105, %get3A_106] : memref<512x256xf32, #tpu.memory_space<vmem>>, vector<512x256xf32>
    %dot_general3A = arith.constant dense<0.000000e+00> : vector<56x256xf32>
    %dot_general3A_108 = tpu.matmul %add3A_104, %get3A_107, %dot_general3A {dimension_numbers = #tpu.dot_dimension_numbers<[1], [0], [0], [1], [0, 0, 1, 1], [], []>, transpose_lhs_hint = false} : vector<56x512xf32>, vector<512x256xf32>, vector<56x256xf32> -> vector<56x256xf32>
    %get3A_109 = arith.constant 0 : index
    %get3A_110 = arith.constant 0 : index
    %get3A_111 = vector.load %arg9[%get3A_109, %get3A_110] : memref<1x256xf32, #tpu.memory_space<vmem>>, vector<1x256xf32>
    %add3A_112 = vector.broadcast %get3A_111 : vector<1x256xf32> to vector<56x256xf32>
    %add3A_113 = arith.addf %dot_general3A_108, %add3A_112 : vector<56x256xf32>
    %max3A_114 = arith.constant 0.000000e+00 : f32
    %max3A_115 = vector.broadcast %max3A_114 : f32 to vector<56x256xf32>
    %max3A_116 = arith.maximumf %add3A_113, %max3A_115 : vector<56x256xf32>
    %get3A_117 = arith.constant 0 : index
    %get3A_118 = arith.constant 0 : index
    %get3A_119 = vector.load %arg10[%get3A_117, %get3A_118] : memref<256x512xf32, #tpu.memory_space<vmem>>, vector<256x512xf32>
    %dot_general3A_120 = arith.constant dense<0.000000e+00> : vector<56x512xf32>
    %dot_general3A_121 = tpu.matmul %max3A_116, %get3A_119, %dot_general3A_120 {dimension_numbers = #tpu.dot_dimension_numbers<[1], [0], [0], [1], [0, 0, 1, 1], [], []>, transpose_lhs_hint = false} : vector<56x256xf32>, vector<256x512xf32>, vector<56x512xf32> -> vector<56x512xf32>
    %get3A_122 = arith.constant 0 : index
    %get3A_123 = arith.constant 0 : index
    %get3A_124 = vector.load %arg11[%get3A_122, %get3A_123] : memref<1x512xf32, #tpu.memory_space<vmem>>, vector<1x512xf32>
    %add3A_125 = vector.broadcast %get3A_124 : vector<1x512xf32> to vector<56x512xf32>
    %add3A_126 = arith.addf %dot_general3A_121, %add3A_125 : vector<56x512xf32>
    %add3A_127 = arith.addf %add3A_126, %mul3A_5 : vector<56x512xf32>
    %swap3A = arith.constant 0 : index
    %swap3A_128 = arith.constant 0 : index
    %swap3A_129 = vector.load %arg12[%swap3A, %swap3A_128] : memref<56x512xf32, #tpu.memory_space<vmem>>, vector<56x512xf32>
    tpu.vector_store %arg12[%swap3A, %swap3A_128], %add3A_127 {strides = array<i32>} : memref<56x512xf32, #tpu.memory_space<vmem>>, vector<56x512xf32>,
    %get3A_130 = arith.constant 0 : index
    %get3A_131 = arith.constant 0 : index
    %get3A_132 = arith.constant 0 : index
    %get3A_133 = vector.load %arg4[%get3A_130, %get3A_131, %get3A_132] : memref<1x1x56xi32, #tpu.memory_space<vmem>>, vector<1x1x56xi32>
    %get3A_134 = vector.shape_cast %get3A_133 : vector<1x1x56xi32> to vector<1x56xi32>
    %iota3A = tpu.iota {dimensions = array<i32: 0>} : vector<8x56xi32>
    %eq3A = vector.broadcast %get3A_134 : vector<1x56xi32> to vector<8x56xi32>
    %eq3A_135 = arith.cmpi eq, %iota3A, %eq3A : vector<8x56xi32>
    %convert_element_type3A = arith.extui %eq3A_135 : vector<8x56xi1> to vector<8x56xi32>
    %convert_element_type3A_136 = arith.sitofp %convert_element_type3A : vector<8x56xi32> to vector<8x56xf32>
    %dot_general3A_137 = arith.constant dense<0.000000e+00> : vector<8x512xf32>
    %dot_general3A_138 = tpu.matmul %convert_element_type3A_136, %add3A_127, %dot_general3A_137 {dimension_numbers = #tpu.dot_dimension_numbers<[1], [0], [0], [1], [0, 0, 1, 1], [], []>, transpose_lhs_hint = false} : vector<8x56xf32>, vector<56x512xf32>, vector<8x512xf32> -> vector<8x512xf32>
    %eq3A_139 = arith.constant 0 : i32
    %eq3A_140 = arith.cmpi eq, %arg0, %eq3A_139 : i32
    %convert_element_type3A_141 = arith.extui %eq3A_140 : i1 to i32
    %cond3A = arith.constant 0 : i32
    %cond3A_142 = arith.cmpi ne, %convert_element_type3A_141, %cond3A : i32
    scf.if %cond3A_142 {
      %broadcast_in_dim3A_150 = arith.constant 0.000000e+00 : f32
      %broadcast_in_dim3A_151 = vector.broadcast %broadcast_in_dim3A_150 : f32 to vector<8x512xf32>
      %swap3A_152 = arith.constant 0 : index
      %swap3A_153 = arith.constant 0 : index
      %swap3A_154 = vector.load %arg13[%swap3A_152, %swap3A_153] : memref<8x512xf32, #tpu.memory_space<vmem>>, vector<8x512xf32>
      tpu.vector_store %arg13[%swap3A_152, %swap3A_153], %broadcast_in_dim3A_151 {strides = array<i32>} : memref<8x512xf32, #tpu.memory_space<vmem>>, vector<8x512xf32>,
    } else {
    }
    %get3A_143 = arith.constant 0 : index
    %get3A_144 = arith.constant 0 : index
    %get3A_145 = vector.load %arg13[%get3A_143, %get3A_144] : memref<8x512xf32, #tpu.memory_space<vmem>>, vector<8x512xf32>
    %add3A_146 = arith.addf %get3A_145, %dot_general3A_138 : vector<8x512xf32>
    %swap3A_147 = arith.constant 0 : index
    %swap3A_148 = arith.constant 0 : index
    %swap3A_149 = vector.load %arg13[%swap3A_147, %swap3A_148] : memref<8x512xf32, #tpu.memory_space<vmem>>, vector<8x512xf32>
    tpu.vector_store %arg13[%swap3A_147, %swap3A_148], %add3A_146 {strides = array<i32>} : memref<8x512xf32, #tpu.memory_space<vmem>>, vector<8x512xf32>,
    return
  }
  func.func @transform_0(%arg0: i32) -> (i32, i32) {
    %add3A = arith.constant 48 : i32
    %add3A_0 = arith.addi %add3A, %arg0 : i32
    %c0_i32 = arith.constant 0 : i32
    %c0_i32_1 = arith.constant 0 : i32
    return %add3A_0, %c0_i32 : i32, i32
  }
  func.func @transform_1(%arg0: i32) -> (i32, i32) {
    %add3A = arith.constant 32 : i32
    %add3A_0 = arith.addi %add3A, %arg0 : i32
    %c0_i32 = arith.constant 0 : i32
    %c0_i32_1 = arith.constant 0 : i32
    return %add3A_0, %c0_i32 : i32, i32
  }
  func.func @transform_2(%arg0: i32) -> (i32, i32) {
    %c0_i32 = arith.constant 0 : i32
    %c0_i32_0 = arith.constant 0 : i32
    return %arg0, %c0_i32 : i32, i32
  }
  func.func @transform_3(%arg0: i32) -> (i32, i32, i32) {
    %c0_i32 = arith.constant 0 : i32
    %c0_i32_0 = arith.constant 0 : i32
    %c0_i32_1 = arith.constant 0 : i32
    return %arg0, %c0_i32, %c0_i32_0 : i32, i32, i32
  }
  func.func @transform_4(%arg0: i32) -> (i32, i32) {
    %c0_i32 = arith.constant 0 : i32
    %c0_i32_0 = arith.constant 0 : i32
    %c0_i32_1 = arith.constant 0 : i32
    return %c0_i32, %c0_i32_0 : i32, i32
  }
  func.func @transform_5(%arg0: i32) -> (i32, i32) {
    %c0_i32 = arith.constant 0 : i32
    %c0_i32_0 = arith.constant 0 : i32
    %c0_i32_1 = arith.constant 0 : i32
    return %c0_i32, %c0_i32_0 : i32, i32
  }
  func.func @transform_6(%arg0: i32) -> (i32, i32) {
    %c0_i32 = arith.constant 0 : i32
    %c0_i32_0 = arith.constant 0 : i32
    %c0_i32_1 = arith.constant 0 : i32
    return %c0_i32, %c0_i32_0 : i32, i32
  }
  func.func @transform_7(%arg0: i32) -> (i32, i32) {
    %c0_i32 = arith.constant 0 : i32
    %c0_i32_0 = arith.constant 0 : i32
    %c0_i32_1 = arith.constant 0 : i32
    return %c0_i32, %c0_i32_0 : i32, i32
  }
  func.func @transform_8(%arg0: i32) -> (i32, i32) {
    %c0_i32 = arith.constant 0 : i32
    %c0_i32_0 = arith.constant 0 : i32
    %c0_i32_1 = arith.constant 0 : i32
    return %c0_i32, %c0_i32_0 : i32, i32
  }
  func.func @transform_9(%arg0: i32) -> (i32, i32) {
    %c0_i32 = arith.constant 0 : i32
    %c0_i32_0 = arith.constant 0 : i32
    %c0_i32_1 = arith.constant 0 : i32
    return %c0_i32, %c0_i32_0 : i32, i32
  }
  func.func @transform_10(%arg0: i32) -> (i32, i32) {
    %c0_i32 = arith.constant 0 : i32
    %c0_i32_0 = arith.constant 0 : i32
    %c0_i32_1 = arith.constant 0 : i32
    return %c0_i32, %c0_i32_0 : i32, i32
  }
  func.func @transform_11(%arg0: i32) -> (i32, i32) {
    %c0_i32 = arith.constant 0 : i32
    %c0_i32_0 = arith.constant 0 : i32
    return %arg0, %c0_i32 : i32, i32
  }
  func.func @transform_12(%arg0: i32) -> (i32, i32) {
    %c0_i32 = arith.constant 0 : i32
    %c0_i32_0 = arith.constant 0 : i32
    %c0_i32_1 = arith.constant 0 : i32
    return %c0_i32, %c0_i32_0 : i32, i32
  }
}

module attributes {stable_mosaic.version = 14 : i64} {
  func.func @_cos_body(%arg0: i32, %arg1: memref<448x512xf32, #tpu.memory_space<vmem>>, %arg2: memref<8x512xf32, #tpu.memory_space<vmem>>, %arg3: memref<8x512xf32, #tpu.memory_space<vmem>>, %arg4: memref<448x8xf32, #tpu.memory_space<vmem>>) attributes {dimension_semantics = [#tpu.dimension_semantics<arbitrary>], iteration_bounds = array<i64: 6>, scalar_prefetch = 0 : i64, scratch_operands = 0 : i64, tpu.core_type = #tpu.core_type<tc>, window_params = [{transform_indices = @transform_0, window_bounds = array<i64: 448, 512>}, {pipeline_mode = #tpu.pipeline_mode<synchronous>, transform_indices = @transform_1, window_bounds = array<i64: 8, 512>}, {pipeline_mode = #tpu.pipeline_mode<synchronous>, transform_indices = @transform_2, window_bounds = array<i64: 8, 512>}, {transform_indices = @transform_3, window_bounds = array<i64: 448, 8>}]} {
    %get3A = arith.constant 0 : index
    %get3A_0 = arith.constant 0 : index
    %get3A_1 = vector.load %arg2[%get3A, %get3A_0] : memref<8x512xf32, #tpu.memory_space<vmem>>, vector<8x512xf32>
    %get3A_2 = arith.constant 0 : index
    %get3A_3 = arith.constant 0 : index
    %get3A_4 = vector.load %arg3[%get3A_2, %get3A_3] : memref<8x512xf32, #tpu.memory_space<vmem>>, vector<8x512xf32>
    %add3A = arith.addf %get3A_1, %get3A_4 : vector<8x512xf32>
    %mul3A = arith.constant 2.000000e-03 : f32
    %mul3A_5 = vector.broadcast %mul3A : f32 to vector<8x512xf32>
    %mul3A_6 = arith.mulf %add3A, %mul3A_5 : vector<8x512xf32>
    %get3A_7 = arith.constant 0 : index
    %get3A_8 = arith.constant 0 : index
    %get3A_9 = vector.load %arg1[%get3A_7, %get3A_8] : memref<448x512xf32, #tpu.memory_space<vmem>>, vector<448x512xf32>
    %dot_general3A = arith.constant dense<0.000000e+00> : vector<448x8xf32>
    %dot_general3A_10 = tpu.matmul %get3A_9, %mul3A_6, %dot_general3A {dimension_numbers = #tpu.dot_dimension_numbers<[1], [1], [0], [0], [0, 0, 1, 0], [], []>, transpose_lhs_hint = false} : vector<448x512xf32>, vector<8x512xf32>, vector<448x8xf32> -> vector<448x8xf32>
    %mul3A_11 = arith.mulf %get3A_9, %get3A_9 : vector<448x512xf32>
    %reduce_sum3A = arith.constant dense<0.000000e+00> : vector<448xf32>
    %reduce_sum3A_12 = vector.multi_reduction <add>, %mul3A_11, %reduce_sum3A [1] : vector<448x512xf32> to vector<448xf32>
    %sqrt3A = math.sqrt %reduce_sum3A_12 : vector<448xf32>
    %max3A = arith.constant 9.99999993E-9 : f32
    %max3A_13 = vector.broadcast %max3A : f32 to vector<448xf32>
    %max3A_14 = arith.maximumf %sqrt3A, %max3A_13 : vector<448xf32>
    %mul3A_15 = arith.mulf %mul3A_6, %mul3A_6 : vector<8x512xf32>
    %reduce_sum3A_16 = arith.constant dense<0.000000e+00> : vector<8xf32>
    %reduce_sum3A_17 = vector.multi_reduction <add>, %mul3A_15, %reduce_sum3A_16 [1] : vector<8x512xf32> to vector<8xf32>
    %sqrt3A_18 = math.sqrt %reduce_sum3A_17 : vector<8xf32>
    %max3A_19 = arith.constant 9.99999993E-9 : f32
    %max3A_20 = vector.broadcast %max3A_19 : f32 to vector<8xf32>
    %max3A_21 = arith.maximumf %sqrt3A_18, %max3A_20 : vector<8xf32>
    %broadcast_in_dim3A = vector.shape_cast %max3A_14 : vector<448xf32> to vector<448x1xf32>
    %broadcast_in_dim3A_22 = vector.shape_cast %max3A_21 : vector<8xf32> to vector<1x8xf32>
    %mul3A_23 = vector.broadcast %broadcast_in_dim3A : vector<448x1xf32> to vector<448x8xf32>
    %mul3A_24 = vector.broadcast %broadcast_in_dim3A_22 : vector<1x8xf32> to vector<448x8xf32>
    %mul3A_25 = arith.mulf %mul3A_23, %mul3A_24 : vector<448x8xf32>
    %div3A = arith.divf %dot_general3A_10, %mul3A_25 : vector<448x8xf32>
    %iota3A = tpu.iota {dimensions = array<i32: 1>} : vector<448x8xi32>
    %lt3A = arith.constant 7 : i32
    %lt3A_26 = vector.broadcast %lt3A : i32 to vector<448x8xi32>
    %lt3A_27 = arith.cmpi slt, %iota3A, %lt3A_26 : vector<448x8xi32>
    %jit3A = arith.constant -1.000000e+30 : f32
    %broadcast_in_dim3A_28 = vector.broadcast %jit3A : f32 to vector<448x8xf32>
    %select_n3A = arith.select %lt3A_27, %div3A, %broadcast_in_dim3A_28 : vector<448x8xi1>, vector<448x8xf32>
    %reduce_max3A = arith.constant dense<0xFF800000> : vector<448xf32>
    %reduce_max3A_29 = vector.multi_reduction <maximumf>, %select_n3A, %reduce_max3A [1] : vector<448x8xf32> to vector<448xf32>
    %broadcast_in_dim3A_30 = vector.shape_cast %reduce_max3A_29 : vector<448xf32> to vector<448x1xf32>
    %sub3A = vector.broadcast %broadcast_in_dim3A_30 : vector<448x1xf32> to vector<448x8xf32>
    %sub3A_31 = arith.subf %select_n3A, %sub3A : vector<448x8xf32>
    %exp3A = math.exp %sub3A_31 : vector<448x8xf32>
    %reduce_sum3A_32 = arith.constant dense<0.000000e+00> : vector<448xf32>
    %reduce_sum3A_33 = vector.multi_reduction <add>, %exp3A, %reduce_sum3A_32 [1] : vector<448x8xf32> to vector<448xf32>
    %broadcast_in_dim3A_34 = vector.shape_cast %reduce_sum3A_33 : vector<448xf32> to vector<448x1xf32>
    %div3A_35 = vector.broadcast %broadcast_in_dim3A_34 : vector<448x1xf32> to vector<448x8xf32>
    %div3A_36 = arith.divf %exp3A, %div3A_35 : vector<448x8xf32>
    %swap3A = arith.constant 0 : index
    %swap3A_37 = arith.constant 0 : index
    %swap3A_38 = vector.load %arg4[%swap3A, %swap3A_37] : memref<448x8xf32, #tpu.memory_space<vmem>>, vector<448x8xf32>
    tpu.vector_store %arg4[%swap3A, %swap3A_37], %div3A_36 {strides = array<i32>} : memref<448x8xf32, #tpu.memory_space<vmem>>, vector<448x8xf32>,
    return
  }
  func.func @transform_0(%arg0: i32) -> (i32, i32) {
    %c0_i32 = arith.constant 0 : i32
    %c0_i32_0 = arith.constant 0 : i32
    return %arg0, %c0_i32 : i32, i32
  }
  func.func @transform_1(%arg0: i32) -> (i32, i32) {
    %c0_i32 = arith.constant 0 : i32
    %c0_i32_0 = arith.constant 0 : i32
    %c0_i32_1 = arith.constant 0 : i32
    return %c0_i32, %c0_i32_0 : i32, i32
  }
  func.func @transform_2(%arg0: i32) -> (i32, i32) {
    %c0_i32 = arith.constant 0 : i32
    %c0_i32_0 = arith.constant 0 : i32
    %c0_i32_1 = arith.constant 0 : i32
    return %c0_i32, %c0_i32_0 : i32, i32
  }
  func.func @transform_3(%arg0: i32) -> (i32, i32) {
    %c0_i32 = arith.constant 0 : i32
    %c0_i32_0 = arith.constant 0 : i32
    return %arg0, %c0_i32 : i32, i32
  }
}

module attributes {stable_mosaic.version = 14 : i64} {
  func.func @_cos_body(%arg0: i32, %arg1: memref<448x512xf32, #tpu.memory_space<vmem>>, %arg2: memref<8x512xf32, #tpu.memory_space<vmem>>, %arg3: memref<8x512xf32, #tpu.memory_space<vmem>>, %arg4: memref<448x8xf32, #tpu.memory_space<vmem>>) attributes {dimension_semantics = [#tpu.dimension_semantics<arbitrary>], iteration_bounds = array<i64: 2>, scalar_prefetch = 0 : i64, scratch_operands = 0 : i64, tpu.core_type = #tpu.core_type<tc>, window_params = [{transform_indices = @transform_0, window_bounds = array<i64: 448, 512>}, {pipeline_mode = #tpu.pipeline_mode<synchronous>, transform_indices = @transform_1, window_bounds = array<i64: 8, 512>}, {pipeline_mode = #tpu.pipeline_mode<synchronous>, transform_indices = @transform_2, window_bounds = array<i64: 8, 512>}, {transform_indices = @transform_3, window_bounds = array<i64: 448, 8>}]} {
    %get3A = arith.constant 0 : index
    %get3A_0 = arith.constant 0 : index
    %get3A_1 = vector.load %arg2[%get3A, %get3A_0] : memref<8x512xf32, #tpu.memory_space<vmem>>, vector<8x512xf32>
    %get3A_2 = arith.constant 0 : index
    %get3A_3 = arith.constant 0 : index
    %get3A_4 = vector.load %arg3[%get3A_2, %get3A_3] : memref<8x512xf32, #tpu.memory_space<vmem>>, vector<8x512xf32>
    %add3A = arith.addf %get3A_1, %get3A_4 : vector<8x512xf32>
    %mul3A = arith.constant 2.000000e-03 : f32
    %mul3A_5 = vector.broadcast %mul3A : f32 to vector<8x512xf32>
    %mul3A_6 = arith.mulf %add3A, %mul3A_5 : vector<8x512xf32>
    %get3A_7 = arith.constant 0 : index
    %get3A_8 = arith.constant 0 : index
    %get3A_9 = vector.load %arg1[%get3A_7, %get3A_8] : memref<448x512xf32, #tpu.memory_space<vmem>>, vector<448x512xf32>
    %dot_general3A = arith.constant dense<0.000000e+00> : vector<448x8xf32>
    %dot_general3A_10 = tpu.matmul %get3A_9, %mul3A_6, %dot_general3A {dimension_numbers = #tpu.dot_dimension_numbers<[1], [1], [0], [0], [0, 0, 1, 0], [], []>, transpose_lhs_hint = false} : vector<448x512xf32>, vector<8x512xf32>, vector<448x8xf32> -> vector<448x8xf32>
    %mul3A_11 = arith.mulf %get3A_9, %get3A_9 : vector<448x512xf32>
    %reduce_sum3A = arith.constant dense<0.000000e+00> : vector<448xf32>
    %reduce_sum3A_12 = vector.multi_reduction <add>, %mul3A_11, %reduce_sum3A [1] : vector<448x512xf32> to vector<448xf32>
    %sqrt3A = math.sqrt %reduce_sum3A_12 : vector<448xf32>
    %max3A = arith.constant 9.99999993E-9 : f32
    %max3A_13 = vector.broadcast %max3A : f32 to vector<448xf32>
    %max3A_14 = arith.maximumf %sqrt3A, %max3A_13 : vector<448xf32>
    %mul3A_15 = arith.mulf %mul3A_6, %mul3A_6 : vector<8x512xf32>
    %reduce_sum3A_16 = arith.constant dense<0.000000e+00> : vector<8xf32>
    %reduce_sum3A_17 = vector.multi_reduction <add>, %mul3A_15, %reduce_sum3A_16 [1] : vector<8x512xf32> to vector<8xf32>
    %sqrt3A_18 = math.sqrt %reduce_sum3A_17 : vector<8xf32>
    %max3A_19 = arith.constant 9.99999993E-9 : f32
    %max3A_20 = vector.broadcast %max3A_19 : f32 to vector<8xf32>
    %max3A_21 = arith.maximumf %sqrt3A_18, %max3A_20 : vector<8xf32>
    %broadcast_in_dim3A = vector.shape_cast %max3A_14 : vector<448xf32> to vector<448x1xf32>
    %broadcast_in_dim3A_22 = vector.shape_cast %max3A_21 : vector<8xf32> to vector<1x8xf32>
    %mul3A_23 = vector.broadcast %broadcast_in_dim3A : vector<448x1xf32> to vector<448x8xf32>
    %mul3A_24 = vector.broadcast %broadcast_in_dim3A_22 : vector<1x8xf32> to vector<448x8xf32>
    %mul3A_25 = arith.mulf %mul3A_23, %mul3A_24 : vector<448x8xf32>
    %div3A = arith.divf %dot_general3A_10, %mul3A_25 : vector<448x8xf32>
    %iota3A = tpu.iota {dimensions = array<i32: 1>} : vector<448x8xi32>
    %lt3A = arith.constant 7 : i32
    %lt3A_26 = vector.broadcast %lt3A : i32 to vector<448x8xi32>
    %lt3A_27 = arith.cmpi slt, %iota3A, %lt3A_26 : vector<448x8xi32>
    %jit3A = arith.constant -1.000000e+30 : f32
    %broadcast_in_dim3A_28 = vector.broadcast %jit3A : f32 to vector<448x8xf32>
    %select_n3A = arith.select %lt3A_27, %div3A, %broadcast_in_dim3A_28 : vector<448x8xi1>, vector<448x8xf32>
    %reduce_max3A = arith.constant dense<0xFF800000> : vector<448xf32>
    %reduce_max3A_29 = vector.multi_reduction <maximumf>, %select_n3A, %reduce_max3A [1] : vector<448x8xf32> to vector<448xf32>
    %broadcast_in_dim3A_30 = vector.shape_cast %reduce_max3A_29 : vector<448xf32> to vector<448x1xf32>
    %sub3A = vector.broadcast %broadcast_in_dim3A_30 : vector<448x1xf32> to vector<448x8xf32>
    %sub3A_31 = arith.subf %select_n3A, %sub3A : vector<448x8xf32>
    %exp3A = math.exp %sub3A_31 : vector<448x8xf32>
    %reduce_sum3A_32 = arith.constant dense<0.000000e+00> : vector<448xf32>
    %reduce_sum3A_33 = vector.multi_reduction <add>, %exp3A, %reduce_sum3A_32 [1] : vector<448x8xf32> to vector<448xf32>
    %broadcast_in_dim3A_34 = vector.shape_cast %reduce_sum3A_33 : vector<448xf32> to vector<448x1xf32>
    %div3A_35 = vector.broadcast %broadcast_in_dim3A_34 : vector<448x1xf32> to vector<448x8xf32>
    %div3A_36 = arith.divf %exp3A, %div3A_35 : vector<448x8xf32>
    %swap3A = arith.constant 0 : index
    %swap3A_37 = arith.constant 0 : index
    %swap3A_38 = vector.load %arg4[%swap3A, %swap3A_37] : memref<448x8xf32, #tpu.memory_space<vmem>>, vector<448x8xf32>
    tpu.vector_store %arg4[%swap3A, %swap3A_37], %div3A_36 {strides = array<i32>} : memref<448x8xf32, #tpu.memory_space<vmem>>, vector<448x8xf32>,
    return
  }
  func.func @transform_0(%arg0: i32) -> (i32, i32) {
    %c0_i32 = arith.constant 0 : i32
    %c0_i32_0 = arith.constant 0 : i32
    return %arg0, %c0_i32 : i32, i32
  }
  func.func @transform_1(%arg0: i32) -> (i32, i32) {
    %c0_i32 = arith.constant 0 : i32
    %c0_i32_0 = arith.constant 0 : i32
    %c0_i32_1 = arith.constant 0 : i32
    return %c0_i32, %c0_i32_0 : i32, i32
  }
  func.func @transform_2(%arg0: i32) -> (i32, i32) {
    %c0_i32 = arith.constant 0 : i32
    %c0_i32_0 = arith.constant 0 : i32
    %c0_i32_1 = arith.constant 0 : i32
    return %c0_i32, %c0_i32_0 : i32, i32
  }
  func.func @transform_3(%arg0: i32) -> (i32, i32) {
    %c0_i32 = arith.constant 0 : i32
    %c0_i32_0 = arith.constant 0 : i32
    return %arg0, %c0_i32 : i32, i32
  }
}

</mosaic_0001>

<sc_bundles>
// kernel: kernel.11.cloned.1.call-start
scs
__scs_entry_jumppad:
0x0: {  	(pc) =	sbr.rel $0x88, $3  }
0x1: {  	(tag) =	ssettag $0x0;
	lr =	simm.s32 $0x1  }
0x2: {  	[smem:$0x3F95] =	sst lr;
	_ =	strace $0xD0000000  }
0x3: {  	_ = 	snop  }
0x4: {  	_ = 	snop  }
0x5: {  	_ = 	snop  }
0x6: {  	_ = 	snop  }
0x7: {  	_ = 	snop  }
__scs_overlays_trampoline_lowered:
0x8: {  	[smem:$0x3FA4] =	sst s0  }
0x9: {  	[smem:$0x3FA5] =	sst s1  }
0xa: {  	[smem:$0x3FA6] =	sst s2  }
0xb: {  	[smem:$0x3FA7] =	sst s3  }
0xc: {  	[smem:$0x3FA8] =	sst s4  }
0xd: {  	[smem:$0x3FA9] =	sst s5  }
0xe: {  	[smem:$0x3FAA] =	sst s6  }
0xf: {  	[smem:$0x3FAB] =	sst s7  }
0x10: {  	[smem:$0x3FAC] =	sst s8  }
0x11: {  	[smem:$0x3FAD] =	sst s9;
	s0 =	simm.s32 @!p0 $0x0  }
0x12: {  	s1 =	sld [smem:$0x3F93];
	s0 =	simm.s32 @p0 $0x1  }
0x13: {  	[smem:$0x3FAE] =	sst s0;
	s0 =	simm.s32 @!p1 $0x0  }
0x14: {  	s2 =	sld [smem:$0x3F92];
	s0 =	simm.s32 @p1 $0x1  }
0x15: {  	[smem:$0x3FAF] =	sst s0;
	s0 =	simm.s32 @!p2 $0x0  }
0x16: {  	s3 =	sld [smem:$0x3FDB];
	s0 =	simm.s32 @p2 $0x1  }
0x17: {  	s4 =	simm.s32 $0x1BF5;
	[smem:$0x3FB1] =	sst s0  }
0x18: {  	s0 =	sld [smem:$0x3F94];
	_ =	swait.ge [sflag:s4], $0x0  }
0x19: {  	s7 =	sld [smem:$0x3F95]  }
0x1a: {  	s8 =	sadd.s32 $0xFFFFE003, lr  }
0x1b: {  	s9 =	sadd.s32 $0xFFFFFEF7, lr;
	s5 =	simm.s32 $0xFFFFFFFF;
	p2 =	slt.u32 s8, $0xFFFFF086  }
0x1c: {  	p1 =	slt.u32 s9, $0xF7A;
	s5 =	simm.s32 @!p2 $0x0  }
0x1d: {  	s5 =	simm.s32 @p1 $0x1;
	p0 =	seq.s32 s7, s2  }
0x1e: {  	s7 =	smul.u32 @!p0 $0xF7A, s2;
	p2 =	seq.s32 @!p0 s5, $0x0  }
0x1f: {  	s9 =	smul.u32 $0xF7A, s1;
	s8 =	simm.s32 @!p0 $0x1BF5;
	p2 =	por !p2, p0  }
0x20: {  	[sflag:s8] =	ssyncset.s32 @!p0 $0xFFFFF086;
	s6 =	sadd.s32 @!p0 s3, s7;
	s7 =	simm.s32 @!p0 $0x108  }
0x21: {  	s3 =	sadd.s32 s3, s9;
	s6 =	sadd.s32 @!p0 $0x88, s6;
	s7 =	simm.s32 @p2 $0x1082  }
0x22: {  	[simem:s7], [sflag:s8] =	dma.local @!p0 [hbm:s6], $0xF7A  }
0x23: {  	s9 =	sor.u32 $0xD0000000, s2;
	s6 =	simm.s32 $0x108;
	_ =	swait.ge @!p0 [sflag:s8], $0x0  }
0x24: {  	s3 =	sadd.s32 $0x88, s3;
	s6 =	simm.s32 @!p1 $0x1082;
	[sflag:s4] =	ssyncset.s32 $0xFFFFF086  }
0x25: {  	[simem:s6], [sflag:s4] =	dma.local [hbm:s3], $0xF7A  }
0x26: {  	[smem:$0x3F95] =	sst s1;
	(tag) =	ssettag s2;
	_ =	strace s9  }
0x27: {  	s1 =	sld [smem:$0x3FA5]  }
0x28: {  	s2 =	sld [smem:$0x3FA6]  }
0x29: {  	s4 =	sld [smem:$0x3FA8]  }
0x2a: {  	p0 =	seq.s32 s5, $0x0;
	s5 =	sld [smem:$0x3FA9]  }
0x2b: {  	s6 =	sld [smem:$0x3FAA]  }
0x2c: {  	s7 =	sld [smem:$0x3FAB]  }
0x2d: {  	s3 =	simm.s32 $0x108;
	s8 =	sld [smem:$0x3FAC]  }
0x2e: {  	s3 =	simm.s32 @!p0 $0x1082;
	s9 =	sld [smem:$0x3FAD]  }
0x2f: {  	lr =	sadd.s32 s0, s3;
	s0 =	sld [smem:$0x3FA4]  }
0x30: {  	s3 =	sld [smem:$0x3FA7]  }
0x31: {  	[smem:$0x3FB0] =	sst s10  }
0x32: {  	s10 =	sld [smem:$0x3FAE];
	_ =	sdelay $0x3  }
0x33: {  	p0 =	seq.s32 s10, $0x1;
	s10 =	sld [smem:$0x3FB0];
	_ =	sdelay $0x3  }
0x34: {  	[smem:$0x3FB0] =	sst s10  }
0x35: {  	s10 =	sld [smem:$0x3FAF];
	_ =	sdelay $0x3  }
0x36: {  	p1 =	seq.s32 s10, $0x1;
	s10 =	sld [smem:$0x3FB0];
	_ =	sdelay $0x3  }
0x37: {  	[smem:$0x3FB0] =	sst s10  }
0x38: {  	s10 =	sld [smem:$0x3FB1]  }
0x39: {  	_ = 	snop;
	(pc) =	sbr.ind lr, $3  }
0x3a: {  	_ = 	snop  }
0x3b: {  	_ = 	snop  }
0x3c: {  	p2 =	seq.s32 s10, $0x1;
	s10 =	sld [smem:$0x3FB0]  }
0x3d: {  	_ =	shalt  }
0x3e: {  	_ =	shalt  }
0x3f: {  	_ =	shalt  }
0x40: {  	_ =	shalt  }
0x41: {  	_ =	shalt  }
0x42: {  	_ =	shalt  }
0x43: {  	_ =	shalt  }
0x44: {  	_ =	shalt  }
0x45: {  	_ =	shalt  }
0x46: {  	_ =	shalt  }
0x47: {  	_ =	shalt  }
0x48: {  	_ =	shalt  }
0x49: {  	_ =	shalt  }
0x4a: {  	_ =	shalt  }
0x4b: {  	_ =	shalt  }
0x4c: {  	_ =	shalt  }
0x4d: {  	_ =	shalt  }
0x4e: {  	_ =	shalt  }
0x4f: {  	_ =	shalt  }
0x50: {  	_ =	shalt  }
0x51: {  	_ =	shalt  }
0x52: {  	_ =	shalt  }
0x53: {  	_ =	shalt  }
0x54: {  	_ =	shalt  }
0x55: {  	_ =	shalt  }
0x56: {  	_ =	shalt  }
0x57: {  	_ =	shalt  }
0x58: {  	_ =	shalt  }
0x59: {  	_ =	shalt  }
0x5a: {  	_ =	shalt  }
0x5b: {  	_ =	shalt  }
0x5c: {  	_ =	shalt  }
0x5d: {  	_ =	shalt  }
0x5e: {  	_ =	shalt  }
0x5f: {  	_ =	shalt  }
0x60: {  	_ =	shalt  }
0x61: {  	_ =	shalt  }
0x62: {  	_ =	shalt  }
0x63: {  	_ =	shalt  }
0x64: {  	_ =	shalt  }
0x65: {  	_ =	shalt  }
0x66: {  	_ =	shalt  }
0x67: {  	_ =	shalt  }
0x68: {  	_ =	shalt  }
0x69: {  	_ =	shalt  }
0x6a: {  	_ =	shalt  }
0x6b: {  	_ =	shalt  }
0x6c: {  	_ =	shalt  }
0x6d: {  	_ =	shalt  }
0x6e: {  	_ =	shalt  }
0x6f: {  	_ =	shalt  }
0x70: {  	_ =	shalt  }
0x71: {  	_ =	shalt  }
0x72: {  	_ =	shalt  }
0x73: {  	_ =	shalt  }
0x74: {  	_ =	shalt  }
0x75: {  	_ =	shalt  }
0x76: {  	_ =	shalt  }
0x77: {  	_ =	shalt  }
0x78: {  	_ =	shalt  }
0x79: {  	_ =	shalt  }
0x7a: {  	_ =	shalt  }
0x7b: {  	_ =	shalt  }
0x7c: {  	_ =	shalt  }
0x7d: {  	_ =	shalt  }
0x7e: {  	_ =	shalt  }
0x7f: {  	_ =	shalt  }
0x80: {  	_ =	shalt  }
0x81: {  	_ =	shalt  }
0x82: {  	_ =	shalt  }
0x83: {  	_ =	shalt  }
0x84: {  	_ =	shalt  }
0x85: {  	_ =	shalt  }
0x86: {  	_ =	shalt  }
0x87: {  	_ =	shalt  }
.Lfunc_end0:
.L_simem_size_0:
called_computation.1_lowered:
.L_overlay_start_0:
0x88: {  	s2 =	sld [smem:$0x3FD9]  }
0x89: {  	s3 =	sld [smem:$0x3FFE];
	_ =	sdelay $0x1  }
0x8a: {  	s1 =	srdreg.scid  }
0x8b: {  	s0 =	sand.u32 $0x1, s1  }
0x8c: {  	s17 =	sshll.u32 s0, $0xA;
	s2 =	sadd.s32 s3, s2  }
0x8d: {  	s2 =	sadd.s32 s2, s17  }
0x8e: {  	[smem:$0x3FBC] =	sst s2  }
0x8f: {  	_ = 	snop  }
0x90: {  	(tm) =	ssettm $0x1  }
0x91: {  	s18 =	sld [smem:$0x3FFB];
	_ =	sdelay $0x3  }
0x92: {  	_ =	strace s18  }
0x93: {  	s2 =	sld [smem:$0x3FFC];
	_ =	sdelay $0x3  }
0x94: {  	_ =	strace s2  }
0x95: {  	s2 =	sld [smem:$0x3FFD];
	_ =	sdelay $0x3  }
0x96: {  	_ =	strace s2  }
0x97: {  	_ =	strace $0x8FFFFFFF  }
0x98: {  	s19 =	sld [smem:$0x3FDB];
	_ =	sdelay $0x1  }
0x99: {  	s20 =	simm.s32 $_scs_section_size  }
0x9a: {  	s4 =	simm.s32 $_size__tile_overlayer_lowered;
	s5 =	simm.s32 $_tile_overlayer_lowered  }
0x9b: {  	s6 =	simm.s32 $0x1BFF;
	s21 =	sshll.u32 s5, $0x1;
	s3 =	sadd.s32 s20, s19  }
0x9c: {  	s22 =	simm.s32 $0x0;
	s4 =	sshll.u32 s4, $0x1;
	s5 =	sadd.s32 s21, s3  }
0x9d: {  	[timem:s22], [sflag:s6] =	dma.local [hbm:s5], s4  }
0x9e: {  	_ =	swait.ge [sflag:s6], s4  }
0x9f: {  	s4 =	ssub.s32 $0x0, s4;
	[sflag:s6] =	ssyncset.done $0x0  }
0xa0: {  	[sflag:s6] =	ssyncadd.s32 s4;
	_ =	sdelay $0x1  }
0xa1: {  	s23 =	simm.s32 $0x1B8B  }
0xa2: {  	_ =	swait.ge [sflag:s23], $0x1  }
0xa3: {  	[sflag:s23] =	ssyncset.done $0x0  }
0xa4: {  	[sflag:s23] =	ssyncadd.s32 $0xFFFFFFFF  }
0xa5: {  	s4 =	sld [smem:$0x0]  }
0xa6: {  	s5 =	sand.u32 $0xFFFFFFFE, s1  }
0xa7: {  	p0 =	sne.s32 s1, s5  }
0xa8: {  	s5 =	sshll.u32 @p0 s5, $0xE  }
0xa9: {  	s5 =	sadd.s32 @p0 $0x11B8D, s5;
	s6 =	sshll.u32 @p0 s4, $0x11  }
0xaa: {  	s5 =	sor.u32 @p0 s6, s5  }
0xab: {  	[sflag:s5] =	ssyncadd.remote.s32 @p0 $0x1;
	_ =	sdelay $0x1  }
0xac: {  	s5 =	simm.s32 @p0 $0x1B8D  }
0xad: {  	_ =	swait.eq @p0 [sflag:s5], $0x1  }
0xae: {  	[sflag:s5] =	ssyncadd.s32 @p0 $0xFFFFFFFF  }
0xaf: {  	s6 =	sshll.u32 @!p0 s1, $0xE  }
0xb0: {  	s6 =	sor.u32 @!p0 $0x4000, s6;
	s5 =	simm.s32 @!p0 $0x1B8D  }
0xb1: {  	s4 =	sshll.u32 @!p0 s4, $0x11;
	s6 =	sadd.s32 @!p0 $0x11B8D, s6;
	_ =	swait.eq @!p0 [sflag:s5], $0x1  }
0xb2: {  	s4 =	sor.u32 @!p0 s4, s6;
	[sflag:s5] =	ssyncadd.s32 @!p0 $0xFFFFFFFF  }
0xb3: {  	s25 =	simm.s32 $0x1B8E;
	s24 =	sld [smem:$0x3FFE];
	[sflag:s4] =	ssyncadd.remote.s32 @!p0 $0x1  }
0xb4: {  	s26 =	simm.s32 $execute0_lowered;
	[smem:$0x3FD2] =	sst s25  }
0xb5: {  	s5 =	sshll.u32 s26, $0x1;
	_ =	strace $0x80000049;
	[dreg:$0x1] =	wrdreg $0xFFFFFFFF  }
0xb6: {  	s28 =	simm.s32 $_size_execute0_lowered;
	s3 =	sadd.s32 s3, s5;
	[dreg:$0x0] =	wrdreg $0x0  }
0xb7: {  	s5 =	sshll.u32 s28, $0x1;
	[dreg:$0x2] =	wrdreg s3  }
0xb8: {  	[dreg:$0x3] =	wrdreg s5  }
0xb9: {  	[dreg:$0x4] =	wrdreg $0xC0  }
0xba: {  	_ =	task [dreg:s22], $0x5FFFF  }
0xbb: {  	[dreg:$0x1] =	wrdreg $0xFFFFFFFF  }
0xbc: {  	[dreg:$0x0] =	wrdreg $0x60  }
0xbd: {  	[dreg:$0x2] =	wrdreg s24  }
0xbe: {  	[dreg:$0x3] =	wrdreg $0xA  }
0xbf: {  	_ =	task.clear_ibuf [dreg:s22], $0x4FFFF;
	_ =	strace $0x90000049  }
0xc0: {  	s29 =	simm.s32 $0xA;
	_ =	strace $0x8000004B  }
0xc1: {  	_ =	swait.ge [sflag:s29], $0x1  }
0xc2: {  	[sflag:s29] =	ssyncadd.s32 $0xFFFFFFFF  }
0xc3: {  	_ =	strace $0x9000004B  }
0xc4: {  	_ =	sfence  }
0xc5: {  	s30 =	sld [smem:$0x0];
	_ =	sdelay $0x2  }
0xc6: {  	s31 =	sshll.u32 s1, $0xD;
	s1 =	sshrl.u32 s1, $0x2  }
0xc7: {  	s4 =	sand.u32 $0x4000, s31;
	s1 =	sadd.s32 s1, s30  }
0xc8: {  	s0 =	sor.u32 s4, s0;
	s1 =	sshll.u32 s1, $0x11  }
0xc9: {  	s0 =	sor.u32 s1, s0  }
0xca: {  	s0 =	sadd.s32 $0x8F2B, s0  }
0xcb: {  	[sflag:s0] =	ssyncadd.remote.s32 $0x1  }
0xcc: {  	_ =	sfence.sel $0xFFFF  }
0xcd: {  	[dreg:$0x0] =	wrdreg $0xFFFFFFFF;
	(pc) =	sbr.abs _section_cstart, $3  }
0xce: {  	[dreg:$0x1] =	wrdreg $0xFFFFFFFF  }
0xcf: {  	_ =	task.clear_ibuf [dreg:s22], $0x2FFFF;
	_ =	strace $0x9FFFFFFF  }
0xd0: {  	(tm) =	ssettm $0x7FFFFFFF  }
0xd1: {  	_ =	shalt  }
tec
execute0_lowered:
.L_overlay_start_1:
0x0: {  	(tag) =	ssettag $0x1  }
0x1: {  	s0 =	srdreg.scid;
	s5 =	stileid.u32  }
0x2: {  	s1 =	rddreg [dreg:$0x0];
	s2 =	simm.s32 $0x0;
	s8 =	simm.s32 $0x1800  }
0x3: {  	s15 =	simm.s32 $0x5000;
	s22 =	simm.s32 $0x8800;
	s23 =	simm.s32 $0x9000  }
0x4: {  	s24 =	simm.s32 $0x9800;
	s28 =	simm.s32 $0xB000;
	s29 =	simm.s32 $0xB800  }
0x5: {  	s30 =	simm.s32 $0xC000;
	s31 =	simm.s32 $0xC800;
	s9 =	simm.s32 $0x1  }
0x6: {  	s10 =	simm.s32 $0x2;
	s11 =	simm.s32 $0x3;
	s12 =	simm.s32 $0x4  }
0x7: {  	s13 =	simm.s32 $0x5;
	s14 =	simm.s32 $0x6;
	s16 =	simm.s32 $0x7  }
0x8: {  	s17 =	simm.s32 $0x8;
	s19 =	simm.s32 $0x0;
	s0 =	sand.u32 $0x1, s0  }
0x9: {  	s3 =	sshll.u32 s5, $0x1;
	[smem:$0x7FF] =	sst s2;
	s5 =	smul.u32 $0x2A000, s5  }
0xa: {  	s3 =	sor.u32 s0, s3;
	s6 =	ssub.s32 $0x2, s0;
	s0 =	smul.u32 $0x15000, s0  }
0xb: {  	_ =	strace $0x8000004A;
	s4 =	smul.u32 $0x300, s3;
	s7 =	sshrl.u32 s6, $0x1  }
0xc: {  	s3 =	sadd.s32 $0x3400, s1;
	s25 =	ssub.s32 s6, s7;
	s7 =	simm.s32 $0xF000  }
.Ltmp0:
0xd: {  	s4 =	sadd.s32 s4, s1;
	s1 =	sadd.s32 s5, s1;
	(pc) =	sbr.rel .LBB2_1-.Ltmp0, $4  }
0xe: {  	s26 =	smax.u32 s25, $0x1;
	s25 =	simm.s32 $0xA000;
	s5 =	simm.s32 $0xE800  }
0xf: {  	v2 =	vlaneseq.u32;
	s4 =	sadd.s32 $0x87B600, s4;
	[dreg:$0x3] =	wrdreg s26;
	s0 =	sadd.s32 s0, s1  }
0x10: {  	vm0 =	vmmov $0xffff;
	v1 =	vshrl.u32 v2, $0x3;
	s26 =	simm.s32 $0xA800;
	s1 =	simm.s32 $0xD000;
	[dreg:$0x2] =	wrdreg s4  }
0x11: {  	v0 =	vand.u32 $0x7, v2;
	v2 =	vor.u32 $0x8, v2;
	v1 =	vmul.u32 $0x8, v1;
	s6 =	sadd.s32 $0x881600, s0;
	s0 =	simm.s32 $0xD800;
	s4 =	simm.s32 $0xE000  }
.LBB2_7:
0x12: {  	_ =	swait.ge [sflag:s12], $0x3800  }
0x13: {  	[sflag:s12] =	ssyncset.done $0x0  }
0x14: {  	[sflag:s12] =	ssyncadd.s32 $0xFFFFC800  }
0x15: {  	[hbm4b:s20+s2] =	stream.linear.scatter [tilespmem:s30], [sflag:$0x8], $0x3800, $0x38;
	[tilespmem:$0xF800] =	vst v63  }
0x16: {  	_ =	swait.ge [sflag:s13], $0x3800  }
0x17: {  	[sflag:s13] =	ssyncset.done $0x0  }
0x18: {  	[sflag:s13] =	ssyncadd.s32 $0xFFFFC800  }
0x19: {  	_ =	swait.ge [sflag:s14], $0x3800  }
0x1a: {  	[sflag:s14] =	ssyncset.done $0x0  }
0x1b: {  	[sflag:s14] =	ssyncadd.s32 $0xFFFFC800  }
0x1c: {  	_ =	swait.ge [sflag:s16], $0x3800  }
0x1d: {  	[sflag:s16] =	ssyncset.done $0x0  }
0x1e: {  	[sflag:s16] =	ssyncadd.s32 $0xFFFFC800  }
0x1f: {  	_ =	swait.ge [sflag:s17], $0x3800  }
0x20: {  	s19 =	rddreg [dreg:$0x4]  }
0x21: {  	s18 =	rddreg [dreg:$0x3];
	s19 =	sadd.s32 $0x1, s19  }
0x22: {  	p0 =	sne.s32 s19, s18  }
.Ltmp1:
0x23: {  	_ = 	snop;
	(pc) =	sbr.rel @!p0 .LBB2_8-.Ltmp1, $3  }
0x24: {  	_ =	sdelay $0x1  }
0x25: {  	[sflag:s17] =	ssyncset.done $0x0  }
0x26: {  	[sflag:s17] =	ssyncadd.s32 $0xFFFFC800  }
.LBB2_1:
0x27: {  	[dreg:$0x4] =	wrdreg s19  }
0x28: {  	s18 =	rddreg [dreg:$0x2];
	s21 =	simm.s32 $0x9  }
0x29: {  	[tilespmem:s2], [sflag:$0x9] =	stream.linear.gather [hbm4b:s18+s2], $0x1800, $0x38;
	[tilespmem:$0xF800] =	vst v63  }
0x2a: {  	_ =	swait.ge [sflag:s21], $0x1800  }
0x2b: {  	[sflag:s21] =	ssyncset.done $0x0  }
0x2c: {  	[sflag:s21] =	ssyncadd.s32 $0xFFFFE800  }
0x2d: {  	v3 =	vld [tilespmem:$0x0];
	_ =	sdelay $0x4  }
0x2e: {  	v4 =	vshll.u32 v3, $0x1  }
0x2f: {  	v3 =	vand.u32 $0x7, v3;
	v4 =	vand.u32 $0xFFFFFFF0, v4  }
0x30: {  	v3 =	vor.u32 v3, v4  }
0x31: {  	v4 =	vperm.xlane v3, v0;
	_ =	sdelay $0x1  }
0x32: {  	v3 =	vperm.xlane v3, v2;
	v4 =	vadd.s32 v1, v4;
	_ =	sdelay $0x1  }
0x33: {  	v3 =	vadd.s32 v1, v3;
	_ =	sdelay $0x2  }
0x34: {  	[tilespmem:s8], [sflag:$0x1] =	stream.indirect_vreg.gather [hbm4b:s3+s2], $0x80, v4, vm0, $0xb8;
	[tilespmem:$0xF800] =	vst v63  }
0x35: {  	s19 =	simm.s32 $0x2000  }
0x36: {  	[tilespmem:s19], [sflag:$0x1] =	stream.indirect_vreg.gather [hbm4b:s3+s2], $0x80, v3, vm0, $0xb8;
	[tilespmem:$0xF800] =	vst v63  }
0x37: {  	v3 =	vld [tilespmem:$0x10];
	_ =	sdelay $0x4  }
0x38: {  	v49 =	vshll.u32 v3, $0x1  }
0x39: {  	v3 =	vand.u32 $0x7, v3;
	v4 =	vand.u32 $0xFFFFFFF0, v49  }
0x3a: {  	v3 =	vor.u32 v3, v4  }
0x3b: {  	v4 =	vperm.xlane v3, v0;
	_ =	sdelay $0x1  }
0x3c: {  	v3 =	vperm.xlane v3, v2;
	v4 =	vadd.s32 v1, v4;
	_ =	sdelay $0x1  }
0x3d: {  	v3 =	vadd.s32 v1, v3;
	_ =	sdelay $0x1  }
0x3e: {  	s20 =	simm.s32 $0x2800  }
0x3f: {  	[tilespmem:s20], [sflag:$0x1] =	stream.indirect_vreg.gather [hbm4b:s3+s2], $0x80, v4, vm0, $0xb8;
	[tilespmem:$0xF800] =	vst v63  }
0x40: {  	s21 =	simm.s32 $0x3000  }
0x41: {  	[tilespmem:s21], [sflag:$0x1] =	stream.indirect_vreg.gather [hbm4b:s3+s2], $0x80, v3, vm0, $0xb8;
	[tilespmem:$0xF800] =	vst v63  }
0x42: {  	v3 =	vld [tilespmem:$0x20];
	_ =	sdelay $0x4  }
0x43: {  	v50 =	vshll.u32 v3, $0x1  }
0x44: {  	v3 =	vand.u32 $0x7, v3;
	v4 =	vand.u32 $0xFFFFFFF0, v50  }
0x45: {  	v3 =	vor.u32 v3, v4  }
0x46: {  	v4 =	vperm.xlane v3, v0;
	_ =	sdelay $0x1  }
0x47: {  	v3 =	vperm.xlane v3, v2;
	v4 =	vadd.s32 v1, v4;
	_ =	sdelay $0x1  }
0x48: {  	v3 =	vadd.s32 v1, v3;
	_ =	sdelay $0x1  }
0x49: {  	s19 =	simm.s32 $0x3800  }
0x4a: {  	[tilespmem:s19], [sflag:$0x1] =	stream.indirect_vreg.gather [hbm4b:s3+s2], $0x80, v4, vm0, $0xb8;
	[tilespmem:$0xF800] =	vst v63  }
0x4b: {  	s20 =	simm.s32 $0x4000  }
0x4c: {  	[tilespmem:s20], [sflag:$0x1] =	stream.indirect_vreg.gather [hbm4b:s3+s2], $0x80, v3, vm0, $0xb8;
	[tilespmem:$0xF800] =	vst v63  }
0x4d: {  	v3 =	vld.msk [tilespmem:$0x30], $0xff;
	_ =	sdelay $0x4  }
0x4e: {  	v51 =	vshll.u32 v3, $0x1  }
0x4f: {  	v3 =	vand.u32 $0x7, v3;
	v4 =	vand.u32 $0xFFFFFFF0, v51  }
0x50: {  	v3 =	vor.u32 v3, v4  }
0x51: {  	v3 =	vperm.xlane v3, v0;
	_ =	sdelay $0x1  }
0x52: {  	v3 =	vadd.s32 v1, v3;
	_ =	sdelay $0x3  }
0x53: {  	s21 =	simm.s32 $0x4800  }
0x54: {  	[tilespmem:s21], [sflag:$0x1] =	stream.indirect_vreg.gather [hbm4b:s3+s2], $0x80, v3, vm0, $0xb8;
	[tilespmem:$0xF800] =	vst v63  }
0x55: {  	v3 =	vld [tilespmem:$0x80];
	_ =	sdelay $0x4  }
0x56: {  	v52 =	vshll.u32 v3, $0x1  }
0x57: {  	v3 =	vand.u32 $0x7, v3;
	v4 =	vand.u32 $0xFFFFFFF0, v52  }
0x58: {  	v3 =	vor.u32 v3, v4  }
0x59: {  	v4 =	vperm.xlane v3, v0;
	_ =	sdelay $0x1  }
0x5a: {  	v3 =	vperm.xlane v3, v2;
	v4 =	vadd.s32 v1, v4;
	_ =	sdelay $0x1  }
0x5b: {  	v3 =	vadd.s32 v1, v3;
	_ =	sdelay $0x2  }
0x5c: {  	[tilespmem:s15], [sflag:$0x2] =	stream.indirect_vreg.gather [hbm4b:s3+s2], $0x80, v4, vm0, $0xb8;
	[tilespmem:$0xF800] =	vst v63  }
0x5d: {  	s19 =	simm.s32 $0x5800  }
0x5e: {  	[tilespmem:s19], [sflag:$0x2] =	stream.indirect_vreg.gather [hbm4b:s3+s2], $0x80, v3, vm0, $0xb8;
	[tilespmem:$0xF800] =	vst v63  }
0x5f: {  	v3 =	vld [tilespmem:$0x90];
	_ =	sdelay $0x4  }
0x60: {  	v53 =	vshll.u32 v3, $0x1  }
0x61: {  	v3 =	vand.u32 $0x7, v3;
	v4 =	vand.u32 $0xFFFFFFF0, v53  }
0x62: {  	v3 =	vor.u32 v3, v4  }
0x63: {  	v4 =	vperm.xlane v3, v0;
	_ =	sdelay $0x1  }
0x64: {  	v3 =	vperm.xlane v3, v2;
	v4 =	vadd.s32 v1, v4;
	_ =	sdelay $0x1  }
0x65: {  	v3 =	vadd.s32 v1, v3;
	_ =	sdelay $0x1  }
0x66: {  	s20 =	simm.s32 $0x6000  }
0x67: {  	[tilespmem:s20], [sflag:$0x2] =	stream.indirect_vreg.gather [hbm4b:s3+s2], $0x80, v4, vm0, $0xb8;
	[tilespmem:$0xF800] =	vst v63  }
0x68: {  	s21 =	simm.s32 $0x6800  }
0x69: {  	[tilespmem:s21], [sflag:$0x2] =	stream.indirect_vreg.gather [hbm4b:s3+s2], $0x80, v3, vm0, $0xb8;
	[tilespmem:$0xF800] =	vst v63  }
0x6a: {  	v3 =	vld [tilespmem:$0xA0];
	_ =	sdelay $0x4  }
0x6b: {  	v54 =	vshll.u32 v3, $0x1  }
0x6c: {  	v3 =	vand.u32 $0x7, v3;
	v4 =	vand.u32 $0xFFFFFFF0, v54  }
0x6d: {  	v3 =	vor.u32 v3, v4  }
0x6e: {  	v4 =	vperm.xlane v3, v0;
	_ =	sdelay $0x1  }
0x6f: {  	v3 =	vperm.xlane v3, v2;
	v4 =	vadd.s32 v1, v4;
	_ =	sdelay $0x1  }
0x70: {  	v3 =	vadd.s32 v1, v3;
	_ =	sdelay $0x1  }
0x71: {  	s19 =	simm.s32 $0x7000  }
0x72: {  	[tilespmem:s19], [sflag:$0x2] =	stream.indirect_vreg.gather [hbm4b:s3+s2], $0x80, v4, vm0, $0xb8;
	[tilespmem:$0xF800] =	vst v63  }
0x73: {  	s20 =	simm.s32 $0x7800  }
0x74: {  	[tilespmem:s20], [sflag:$0x2] =	stream.indirect_vreg.gather [hbm4b:s3+s2], $0x80, v3, vm0, $0xb8;
	[tilespmem:$0xF800] =	vst v63  }
0x75: {  	v3 =	vld.msk [tilespmem:$0xB0], $0xff;
	_ =	sdelay $0x4  }
0x76: {  	v55 =	vshll.u32 v3, $0x1  }
0x77: {  	v3 =	vand.u32 $0x7, v3;
	v4 =	vand.u32 $0xFFFFFFF0, v55  }
0x78: {  	v3 =	vor.u32 v3, v4  }
0x79: {  	v3 =	vperm.xlane v3, v0;
	_ =	sdelay $0x1  }
0x7a: {  	v3 =	vadd.s32 v1, v3;
	_ =	sdelay $0x3  }
0x7b: {  	s21 =	simm.s32 $0x8000  }
0x7c: {  	[tilespmem:s21], [sflag:$0x2] =	stream.indirect_vreg.gather [hbm4b:s3+s2], $0x80, v3, vm0, $0xb8;
	[tilespmem:$0xF800] =	vst v63  }
0x7d: {  	v3 =	vld [tilespmem:$0x100];
	_ =	sdelay $0x4  }
0x7e: {  	v56 =	vshll.u32 v3, $0x1  }
0x7f: {  	v3 =	vand.u32 $0x7, v3;
	v4 =	vand.u32 $0xFFFFFFF0, v56  }
0x80: {  	v3 =	vor.u32 v3, v4  }
0x81: {  	v4 =	vperm.xlane v3, v0;
	_ =	sdelay $0x1  }
0x82: {  	v3 =	vperm.xlane v3, v2;
	v4 =	vadd.s32 v1, v4;
	_ =	sdelay $0x1  }
0x83: {  	v3 =	vadd.s32 v1, v3;
	_ =	sdelay $0x2  }
0x84: {  	[tilespmem:s22], [sflag:$0x3] =	stream.indirect_vreg.gather [hbm4b:s3+s2], $0x80, v4, vm0, $0xb8;
	[tilespmem:$0xF800] =	vst v63  }
0x85: {  	_ = 	snop  }
0x86: {  	[tilespmem:s23], [sflag:$0x3] =	stream.indirect_vreg.gather [hbm4b:s3+s2], $0x80, v3, vm0, $0xb8;
	[tilespmem:$0xF800] =	vst v63  }
0x87: {  	v3 =	vld [tilespmem:$0x110];
	_ =	sdelay $0x4  }
0x88: {  	v57 =	vshll.u32 v3, $0x1  }
0x89: {  	v3 =	vand.u32 $0x7, v3;
	v4 =	vand.u32 $0xFFFFFFF0, v57  }
0x8a: {  	v3 =	vor.u32 v3, v4  }
0x8b: {  	v4 =	vperm.xlane v3, v0;
	_ =	sdelay $0x1  }
0x8c: {  	v3 =	vperm.xlane v3, v2;
	v4 =	vadd.s32 v1, v4;
	_ =	sdelay $0x1  }
0x8d: {  	v3 =	vadd.s32 v1, v3;
	_ =	sdelay $0x2  }
0x8e: {  	[tilespmem:s24], [sflag:$0x3] =	stream.indirect_vreg.gather [hbm4b:s3+s2], $0x80, v4, vm0, $0xb8;
	[tilespmem:$0xF800] =	vst v63  }
0x8f: {  	_ = 	snop  }
0x90: {  	[tilespmem:s25], [sflag:$0x3] =	stream.indirect_vreg.gather [hbm4b:s3+s2], $0x80, v3, vm0, $0xb8;
	[tilespmem:$0xF800] =	vst v63  }
0x91: {  	v3 =	vld [tilespmem:$0x120];
	_ =	sdelay $0x4  }
0x92: {  	v58 =	vshll.u32 v3, $0x1  }
0x93: {  	v3 =	vand.u32 $0x7, v3;
	v4 =	vand.u32 $0xFFFFFFF0, v58  }
0x94: {  	v3 =	vor.u32 v3, v4  }
0x95: {  	v4 =	vperm.xlane v3, v0;
	_ =	sdelay $0x1  }
0x96: {  	v3 =	vperm.xlane v3, v2;
	v4 =	vadd.s32 v1, v4;
	_ =	sdelay $0x1  }
0x97: {  	v3 =	vadd.s32 v1, v3;
	_ =	sdelay $0x2  }
0x98: {  	[tilespmem:s26], [sflag:$0x3] =	stream.indirect_vreg.gather [hbm4b:s3+s2], $0x80, v4, vm0, $0xb8;
	[tilespmem:$0xF800] =	vst v63  }
0x99: {  	_ = 	snop  }
0x9a: {  	[tilespmem:s28], [sflag:$0x3] =	stream.indirect_vreg.gather [hbm4b:s3+s2], $0x80, v3, vm0, $0xb8;
	[tilespmem:$0xF800] =	vst v63  }
0x9b: {  	v3 =	vld.msk [tilespmem:$0x130], $0xff;
	_ =	sdelay $0x4  }
0x9c: {  	v59 =	vshll.u32 v3, $0x1  }
0x9d: {  	v3 =	vand.u32 $0x7, v3;
	v4 =	vand.u32 $0xFFFFFFF0, v59  }
0x9e: {  	v3 =	vor.u32 v3, v4  }
0x9f: {  	v3 =	vperm.xlane v3, v0;
	_ =	sdelay $0x1  }
0xa0: {  	v3 =	vadd.s32 v1, v3;
	_ =	sdelay $0x4  }
0xa1: {  	[tilespmem:s29], [sflag:$0x3] =	stream.indirect_vreg.gather [hbm4b:s3+s2], $0x80, v3, vm0, $0xb8;
	[tilespmem:$0xF800] =	vst v63  }
0xa2: {  	v3 =	vld [tilespmem:$0x180];
	_ =	sdelay $0x4  }
0xa3: {  	v60 =	vshll.u32 v3, $0x1  }
0xa4: {  	v3 =	vand.u32 $0x7, v3;
	v4 =	vand.u32 $0xFFFFFFF0, v60  }
0xa5: {  	v3 =	vor.u32 v3, v4  }
0xa6: {  	v4 =	vperm.xlane v3, v0;
	_ =	sdelay $0x1  }
0xa7: {  	v3 =	vperm.xlane v3, v2;
	v4 =	vadd.s32 v1, v4;
	_ =	sdelay $0x1  }
0xa8: {  	v3 =	vadd.s32 v1, v3;
	_ =	sdelay $0x2  }
0xa9: {  	[tilespmem:s30], [sflag:$0x4] =	stream.indirect_vreg.gather [hbm4b:s3+s2], $0x80, v4, vm0, $0xb8;
	[tilespmem:$0xF800] =	vst v63  }
0xaa: {  	_ = 	snop  }
0xab: {  	[tilespmem:s31], [sflag:$0x4] =	stream.indirect_vreg.gather [hbm4b:s3+s2], $0x80, v3, vm0, $0xb8;
	[tilespmem:$0xF800] =	vst v63  }
0xac: {  	v3 =	vld [tilespmem:$0x190];
	_ =	sdelay $0x4  }
0xad: {  	v61 =	vshll.u32 v3, $0x1  }
0xae: {  	v3 =	vand.u32 $0x7, v3;
	v4 =	vand.u32 $0xFFFFFFF0, v61  }
0xaf: {  	v3 =	vor.u32 v3, v4  }
0xb0: {  	v4 =	vperm.xlane v3, v0;
	_ =	sdelay $0x1  }
0xb1: {  	v3 =	vperm.xlane v3, v2;
	v4 =	vadd.s32 v1, v4;
	_ =	sdelay $0x1  }
0xb2: {  	v3 =	vadd.s32 v1, v3;
	_ =	sdelay $0x2  }
0xb3: {  	[tilespmem:s1], [sflag:$0x4] =	stream.indirect_vreg.gather [hbm4b:s3+s2], $0x80, v4, vm0, $0xb8;
	[tilespmem:$0xF800] =	vst v63  }
0xb4: {  	_ = 	snop  }
0xb5: {  	[tilespmem:s0], [sflag:$0x4] =	stream.indirect_vreg.gather [hbm4b:s3+s2], $0x80, v3, vm0, $0xb8;
	[tilespmem:$0xF800] =	vst v63  }
0xb6: {  	v3 =	vld [tilespmem:$0x1A0];
	_ =	sdelay $0x4  }
0xb7: {  	v62 =	vshll.u32 v3, $0x1  }
0xb8: {  	v3 =	vand.u32 $0x7, v3;
	v4 =	vand.u32 $0xFFFFFFF0, v62  }
0xb9: {  	v3 =	vor.u32 v3, v4  }
0xba: {  	v4 =	vperm.xlane v3, v0;
	_ =	sdelay $0x1  }
0xbb: {  	v3 =	vperm.xlane v3, v2;
	v4 =	vadd.s32 v1, v4;
	_ =	sdelay $0x1  }
0xbc: {  	v3 =	vadd.s32 v1, v3;
	_ =	sdelay $0x2  }
0xbd: {  	[tilespmem:s4], [sflag:$0x4] =	stream.indirect_vreg.gather [hbm4b:s3+s2], $0x80, v4, vm0, $0xb8;
	[tilespmem:$0xF800] =	vst v63  }
0xbe: {  	_ = 	snop  }
0xbf: {  	[tilespmem:s5], [sflag:$0x4] =	stream.indirect_vreg.gather [hbm4b:s3+s2], $0x80, v3, vm0, $0xb8;
	[tilespmem:$0xF800] =	vst v63  }
0xc0: {  	v3 =	vld.msk [tilespmem:$0x1B0], $0xff;
	_ =	sdelay $0x4  }
0xc1: {  	v63 =	vshll.u32 v3, $0x1  }
0xc2: {  	v3 =	vand.u32 $0x7, v3;
	v4 =	vand.u32 $0xFFFFFFF0, v63  }
0xc3: {  	v3 =	vor.u32 v3, v4  }
0xc4: {  	v3 =	vperm.xlane v3, v0;
	_ =	sdelay $0x1  }
0xc5: {  	v3 =	vadd.s32 v1, v3;
	_ =	sdelay $0x3  }
0xc6: {  	s18 =	simm.s32 $0x3B0;
	s19 =	simm.s32 $0x0  }
0xc7: {  	[tilespmem:s7], [sflag:$0x4] =	stream.indirect_vreg.gather [hbm4b:s3+s2], $0x80, v3, vm0, $0xb8;
	[tilespmem:$0xF800] =	vst v63  }
.LBB2_2:
0xc8: {  	p0 =	seq.s32 s19, $0x13400  }
.Ltmp2:
0xc9: {  	_ = 	snop;
	(pc) =	sbr.rel @!p0 .LBB2_3-.Ltmp2, $4  }
0xca: {  	_ =	swait.ge [sflag:s9], $0x3800  }
0xcb: {  	s20 =	sadd.s32 s19, s6;
	[sflag:s9] =	ssyncset.done $0x0  }
0xcc: {  	s21 =	sadd.s32 $0x700, s20;
	[sflag:s9] =	ssyncadd.s32 $0xFFFFC800  }
0xcd: {  	[hbm4b:s20+s2] =	stream.linear.scatter [tilespmem:s8], [sflag:$0x5], $0x3800, $0x38;
	[tilespmem:$0xF800] =	vst v63  }
.Ltmp3:
0xce: {  	(pc) =	sbr.rel .LBB2_5-.Ltmp3, $4  }
0xcf: {  	_ =	swait.ge [sflag:s10], $0x3800  }
0xd0: {  	[sflag:s10] =	ssyncset.done $0x0  }
0xd1: {  	[sflag:s10] =	ssyncadd.s32 $0xFFFFC800  }
0xd2: {  	[hbm4b:s21+s2] =	stream.linear.scatter [tilespmem:s15], [sflag:$0x6], $0x3800, $0x38;
	[tilespmem:$0xF800] =	vst v63  }
.LBB2_3:
0xd3: {  	_ =	swait.ge [sflag:s13], $0x3800  }
0xd4: {  	[sflag:s13] =	ssyncset.done $0x0  }
0xd5: {  	[sflag:s13] =	ssyncadd.s32 $0xFFFFC800  }
0xd6: {  	v3 =	vld [tilespmem:s18+$0xFFFFFE50];
	_ =	sdelay $0x4  }
0xd7: {  	v4 =	vshll.u32 v3, $0x1  }
0xd8: {  	v3 =	vand.u32 $0x7, v3;
	v4 =	vand.u32 $0xFFFFFFF0, v4  }
0xd9: {  	v3 =	vor.u32 v3, v4  }
0xda: {  	v4 =	vperm.xlane v3, v0;
	_ =	sdelay $0x1  }
0xdb: {  	v3 =	vperm.xlane v3, v2;
	v4 =	vadd.s32 v1, v4;
	_ =	sdelay $0x1  }
0xdc: {  	v3 =	vadd.s32 v1, v3;
	_ =	sdelay $0x2  }
0xdd: {  	[tilespmem:s8], [sflag:$0x1] =	stream.indirect_vreg.gather [hbm4b:s3+s2], $0x80, v4, vm0, $0xb8;
	[tilespmem:$0xF800] =	vst v63  }
0xde: {  	s23 =	simm.s32 $0x2000  }
0xdf: {  	[tilespmem:s23], [sflag:$0x1] =	stream.indirect_vreg.gather [hbm4b:s3+s2], $0x80, v3, vm0, $0xb8;
	[tilespmem:$0xF800] =	vst v63  }
0xe0: {  	v3 =	vld [tilespmem:s18+$0xFFFFFE60];
	_ =	sdelay $0x4  }
0xe1: {  	v57 =	vshll.u32 v3, $0x1  }
0xe2: {  	v3 =	vand.u32 $0x7, v3;
	v4 =	vand.u32 $0xFFFFFFF0, v57  }
0xe3: {  	v3 =	vor.u32 v3, v4  }
0xe4: {  	v4 =	vperm.xlane v3, v0;
	_ =	sdelay $0x1  }
0xe5: {  	v3 =	vperm.xlane v3, v2;
	v4 =	vadd.s32 v1, v4;
	_ =	sdelay $0x1  }
0xe6: {  	v3 =	vadd.s32 v1, v3;
	_ =	sdelay $0x1  }
0xe7: {  	s23 =	simm.s32 $0x2800  }
0xe8: {  	[tilespmem:s23], [sflag:$0x1] =	stream.indirect_vreg.gather [hbm4b:s3+s2], $0x80, v4, vm0, $0xb8;
	[tilespmem:$0xF800] =	vst v63  }
0xe9: {  	s23 =	simm.s32 $0x3000  }
0xea: {  	[tilespmem:s23], [sflag:$0x1] =	stream.indirect_vreg.gather [hbm4b:s3+s2], $0x80, v3, vm0, $0xb8;
	[tilespmem:$0xF800] =	vst v63  }
0xeb: {  	v3 =	vld [tilespmem:s18+$0xFFFFFE70];
	_ =	sdelay $0x4  }
0xec: {  	v58 =	vshll.u32 v3, $0x1  }
0xed: {  	v3 =	vand.u32 $0x7, v3;
	v4 =	vand.u32 $0xFFFFFFF0, v58  }
0xee: {  	v3 =	vor.u32 v3, v4  }
0xef: {  	v4 =	vperm.xlane v3, v0;
	_ =	sdelay $0x1  }
0xf0: {  	v3 =	vperm.xlane v3, v2;
	v4 =	vadd.s32 v1, v4;
	_ =	sdelay $0x1  }
0xf1: {  	v3 =	vadd.s32 v1, v3;
	_ =	sdelay $0x1  }
0xf2: {  	s23 =	simm.s32 $0x3800  }
0xf3: {  	[tilespmem:s23], [sflag:$0x1] =	stream.indirect_vreg.gather [hbm4b:s3+s2], $0x80, v4, vm0, $0xb8;
	[tilespmem:$0xF800] =	vst v63  }
0xf4: {  	s23 =	simm.s32 $0x4000  }
0xf5: {  	[tilespmem:s23], [sflag:$0x1] =	stream.indirect_vreg.gather [hbm4b:s3+s2], $0x80, v3, vm0, $0xb8;
	[tilespmem:$0xF800] =	vst v63  }
0xf6: {  	v3 =	vld.msk [tilespmem:s18+$0xFFFFFE80], $0xff;
	_ =	sdelay $0x4  }
0xf7: {  	v59 =	vshll.u32 v3, $0x1  }
0xf8: {  	v3 =	vand.u32 $0x7, v3;
	v4 =	vand.u32 $0xFFFFFFF0, v59  }
0xf9: {  	v3 =	vor.u32 v3, v4  }
0xfa: {  	v3 =	vperm.xlane v3, v0;
	_ =	sdelay $0x1  }
0xfb: {  	v3 =	vadd.s32 v1, v3;
	_ =	sdelay $0x3  }
0xfc: {  	s23 =	simm.s32 $0x4800  }
0xfd: {  	[tilespmem:s23], [sflag:$0x1] =	stream.indirect_vreg.gather [hbm4b:s3+s2], $0x80, v3, vm0, $0xb8;
	[tilespmem:$0xF800] =	vst v63  }
0xfe: {  	_ =	swait.ge [sflag:s10], $0x3800  }
0xff: {  	[sflag:s10] =	ssyncset.done $0x0  }
0x100: {  	[sflag:s10] =	ssyncadd.s32 $0xFFFFC800  }
0x101: {  	[hbm4b:s21+s2] =	stream.linear.scatter [tilespmem:s15], [sflag:$0x6], $0x3800, $0x38;
	[tilespmem:$0xF800] =	vst v63  }
0x102: {  	_ =	swait.ge [sflag:s14], $0x3800  }
0x103: {  	[sflag:s14] =	ssyncset.done $0x0  }
0x104: {  	[sflag:s14] =	ssyncadd.s32 $0xFFFFC800  }
0x105: {  	v3 =	vld [tilespmem:s18+$0xFFFFFED0];
	_ =	sdelay $0x4  }
0x106: {  	v60 =	vshll.u32 v3, $0x1  }
0x107: {  	v3 =	vand.u32 $0x7, v3;
	v4 =	vand.u32 $0xFFFFFFF0, v60  }
0x108: {  	v3 =	vor.u32 v3, v4  }
0x109: {  	v4 =	vperm.xlane v3, v0;
	_ =	sdelay $0x1  }
0x10a: {  	v3 =	vperm.xlane v3, v2;
	v4 =	vadd.s32 v1, v4;
	_ =	sdelay $0x1  }
0x10b: {  	v3 =	vadd.s32 v1, v3;
	_ =	sdelay $0x2  }
0x10c: {  	[tilespmem:s15], [sflag:$0x2] =	stream.indirect_vreg.gather [hbm4b:s3+s2], $0x80, v4, vm0, $0xb8;
	[tilespmem:$0xF800] =	vst v63  }
0x10d: {  	s21 =	simm.s32 $0x5800  }
0x10e: {  	[tilespmem:s21], [sflag:$0x2] =	stream.indirect_vreg.gather [hbm4b:s3+s2], $0x80, v3, vm0, $0xb8;
	[tilespmem:$0xF800] =	vst v63  }
0x10f: {  	v3 =	vld [tilespmem:s18+$0xFFFFFEE0];
	_ =	sdelay $0x4  }
0x110: {  	v61 =	vshll.u32 v3, $0x1  }
0x111: {  	v3 =	vand.u32 $0x7, v3;
	v4 =	vand.u32 $0xFFFFFFF0, v61  }
0x112: {  	v3 =	vor.u32 v3, v4  }
0x113: {  	v4 =	vperm.xlane v3, v0;
	_ =	sdelay $0x1  }
0x114: {  	v3 =	vperm.xlane v3, v2;
	v4 =	vadd.s32 v1, v4;
	_ =	sdelay $0x1  }
0x115: {  	v3 =	vadd.s32 v1, v3;
	_ =	sdelay $0x1  }
0x116: {  	s21 =	simm.s32 $0x6000  }
0x117: {  	[tilespmem:s21], [sflag:$0x2] =	stream.indirect_vreg.gather [hbm4b:s3+s2], $0x80, v4, vm0, $0xb8;
	[tilespmem:$0xF800] =	vst v63  }
0x118: {  	s21 =	simm.s32 $0x6800  }
0x119: {  	[tilespmem:s21], [sflag:$0x2] =	stream.indirect_vreg.gather [hbm4b:s3+s2], $0x80, v3, vm0, $0xb8;
	[tilespmem:$0xF800] =	vst v63  }
0x11a: {  	v3 =	vld [tilespmem:s18+$0xFFFFFEF0];
	_ =	sdelay $0x4  }
0x11b: {  	v62 =	vshll.u32 v3, $0x1  }
0x11c: {  	v3 =	vand.u32 $0x7, v3;
	v4 =	vand.u32 $0xFFFFFFF0, v62  }
0x11d: {  	v3 =	vor.u32 v3, v4  }
0x11e: {  	v4 =	vperm.xlane v3, v0;
	_ =	sdelay $0x1  }
0x11f: {  	v3 =	vperm.xlane v3, v2;
	v4 =	vadd.s32 v1, v4;
	_ =	sdelay $0x1  }
0x120: {  	v3 =	vadd.s32 v1, v3;
	_ =	sdelay $0x1  }
0x121: {  	s21 =	simm.s32 $0x7000  }
0x122: {  	[tilespmem:s21], [sflag:$0x2] =	stream.indirect_vreg.gather [hbm4b:s3+s2], $0x80, v4, vm0, $0xb8;
	[tilespmem:$0xF800] =	vst v63  }
0x123: {  	s21 =	simm.s32 $0x7800  }
0x124: {  	[tilespmem:s21], [sflag:$0x2] =	stream.indirect_vreg.gather [hbm4b:s3+s2], $0x80, v3, vm0, $0xb8;
	[tilespmem:$0xF800] =	vst v63  }
0x125: {  	v3 =	vld.msk [tilespmem:s18+$0xFFFFFF00], $0xff;
	_ =	sdelay $0x4  }
0x126: {  	v63 =	vshll.u32 v3, $0x1  }
0x127: {  	v3 =	vand.u32 $0x7, v3;
	v4 =	vand.u32 $0xFFFFFFF0, v63  }
0x128: {  	v3 =	vor.u32 v3, v4  }
0x129: {  	v3 =	vperm.xlane v3, v0;
	_ =	sdelay $0x1  }
0x12a: {  	v3 =	vadd.s32 v1, v3;
	_ =	sdelay $0x3  }
0x12b: {  	s23 =	simm.s32 $0x9000;
	s21 =	simm.s32 $0x8000  }
0x12c: {  	[tilespmem:s21], [sflag:$0x2] =	stream.indirect_vreg.gather [hbm4b:s3+s2], $0x80, v3, vm0, $0xb8;
	[tilespmem:$0xF800] =	vst v63  }
.LBB2_5:
.Ltmp4:
0x12d: {  	(pc) =	sbr.rel @p0 .LBB2_7-.Ltmp4, $4  }
0x12e: {  	_ =	swait.ge [sflag:s11], $0x3800  }
0x12f: {  	[sflag:s11] =	ssyncset.done $0x0  }
0x130: {  	s21 =	sadd.s32 $0xE00, s20;
	s20 =	sadd.s32 $0x1500, s20;
	[sflag:s11] =	ssyncadd.s32 $0xFFFFC800  }
0x131: {  	[hbm4b:s21+s2] =	stream.linear.scatter [tilespmem:s22], [sflag:$0x7], $0x3800, $0x38;
	[tilespmem:$0xF800] =	vst v63  }
0x132: {  	_ =	swait.ge [sflag:s16], $0x3800  }
0x133: {  	[sflag:s16] =	ssyncset.done $0x0  }
0x134: {  	[sflag:s16] =	ssyncadd.s32 $0xFFFFC800  }
0x135: {  	v3 =	vld [tilespmem:s18+$0xFFFFFF50];
	_ =	sdelay $0x4  }
0x136: {  	v4 =	vshll.u32 v3, $0x1  }
0x137: {  	v3 =	vand.u32 $0x7, v3;
	v4 =	vand.u32 $0xFFFFFFF0, v4  }
0x138: {  	v3 =	vor.u32 v3, v4  }
0x139: {  	v4 =	vperm.xlane v3, v0;
	_ =	sdelay $0x1  }
0x13a: {  	v3 =	vperm.xlane v3, v2;
	v4 =	vadd.s32 v1, v4;
	_ =	sdelay $0x1  }
0x13b: {  	v3 =	vadd.s32 v1, v3;
	_ =	sdelay $0x2  }
0x13c: {  	[tilespmem:s22], [sflag:$0x3] =	stream.indirect_vreg.gather [hbm4b:s3+s2], $0x80, v4, vm0, $0xb8;
	[tilespmem:$0xF800] =	vst v63  }
0x13d: {  	_ = 	snop  }
0x13e: {  	[tilespmem:s23], [sflag:$0x3] =	stream.indirect_vreg.gather [hbm4b:s3+s2], $0x80, v3, vm0, $0xb8;
	[tilespmem:$0xF800] =	vst v63  }
0x13f: {  	v3 =	vld [tilespmem:s18+$0xFFFFFF60];
	_ =	sdelay $0x4  }
0x140: {  	v57 =	vshll.u32 v3, $0x1  }
0x141: {  	v3 =	vand.u32 $0x7, v3;
	v4 =	vand.u32 $0xFFFFFFF0, v57  }
0x142: {  	v3 =	vor.u32 v3, v4  }
0x143: {  	v4 =	vperm.xlane v3, v0;
	_ =	sdelay $0x1  }
0x144: {  	v3 =	vperm.xlane v3, v2;
	v4 =	vadd.s32 v1, v4;
	_ =	sdelay $0x1  }
0x145: {  	v3 =	vadd.s32 v1, v3;
	_ =	sdelay $0x2  }
0x146: {  	[tilespmem:s24], [sflag:$0x3] =	stream.indirect_vreg.gather [hbm4b:s3+s2], $0x80, v4, vm0, $0xb8;
	[tilespmem:$0xF800] =	vst v63  }
0x147: {  	_ = 	snop  }
0x148: {  	[tilespmem:s25], [sflag:$0x3] =	stream.indirect_vreg.gather [hbm4b:s3+s2], $0x80, v3, vm0, $0xb8;
	[tilespmem:$0xF800] =	vst v63  }
0x149: {  	v3 =	vld [tilespmem:s18+$0xFFFFFF70];
	_ =	sdelay $0x4  }
0x14a: {  	v58 =	vshll.u32 v3, $0x1  }
0x14b: {  	v3 =	vand.u32 $0x7, v3;
	v4 =	vand.u32 $0xFFFFFFF0, v58  }
0x14c: {  	v3 =	vor.u32 v3, v4  }
0x14d: {  	v4 =	vperm.xlane v3, v0;
	_ =	sdelay $0x1  }
0x14e: {  	v3 =	vperm.xlane v3, v2;
	v4 =	vadd.s32 v1, v4;
	_ =	sdelay $0x1  }
0x14f: {  	v3 =	vadd.s32 v1, v3;
	_ =	sdelay $0x2  }
0x150: {  	[tilespmem:s26], [sflag:$0x3] =	stream.indirect_vreg.gather [hbm4b:s3+s2], $0x80, v4, vm0, $0xb8;
	[tilespmem:$0xF800] =	vst v63  }
0x151: {  	_ = 	snop  }
0x152: {  	[tilespmem:s28], [sflag:$0x3] =	stream.indirect_vreg.gather [hbm4b:s3+s2], $0x80, v3, vm0, $0xb8;
	[tilespmem:$0xF800] =	vst v63  }
0x153: {  	v3 =	vld.msk [tilespmem:s18+$0xFFFFFF80], $0xff;
	_ =	sdelay $0x4  }
0x154: {  	v59 =	vshll.u32 v3, $0x1  }
0x155: {  	v3 =	vand.u32 $0x7, v3;
	v4 =	vand.u32 $0xFFFFFFF0, v59  }
0x156: {  	v3 =	vor.u32 v3, v4  }
0x157: {  	v3 =	vperm.xlane v3, v0;
	_ =	sdelay $0x1  }
0x158: {  	v3 =	vadd.s32 v1, v3;
	_ =	sdelay $0x4  }
0x159: {  	[tilespmem:s29], [sflag:$0x3] =	stream.indirect_vreg.gather [hbm4b:s3+s2], $0x80, v3, vm0, $0xb8;
	[tilespmem:$0xF800] =	vst v63  }
0x15a: {  	_ =	swait.ge [sflag:s12], $0x3800  }
0x15b: {  	[sflag:s12] =	ssyncset.done $0x0  }
0x15c: {  	[sflag:s12] =	ssyncadd.s32 $0xFFFFC800  }
0x15d: {  	[hbm4b:s20+s2] =	stream.linear.scatter [tilespmem:s30], [sflag:$0x8], $0x3800, $0x38;
	[tilespmem:$0xF800] =	vst v63  }
0x15e: {  	_ =	swait.ge [sflag:s17], $0x3800  }
0x15f: {  	[sflag:s17] =	ssyncset.done $0x0  }
0x160: {  	[sflag:s17] =	ssyncadd.s32 $0xFFFFC800  }
0x161: {  	v3 =	vld [tilespmem:s18+$0xFFFFFFD0];
	_ =	sdelay $0x4  }
0x162: {  	v60 =	vshll.u32 v3, $0x1  }
0x163: {  	v3 =	vand.u32 $0x7, v3;
	v4 =	vand.u32 $0xFFFFFFF0, v60  }
0x164: {  	v3 =	vor.u32 v3, v4  }
0x165: {  	v4 =	vperm.xlane v3, v0;
	_ =	sdelay $0x1  }
0x166: {  	v3 =	vperm.xlane v3, v2;
	v4 =	vadd.s32 v1, v4;
	_ =	sdelay $0x1  }
0x167: {  	v3 =	vadd.s32 v1, v3;
	_ =	sdelay $0x2  }
0x168: {  	[tilespmem:s30], [sflag:$0x4] =	stream.indirect_vreg.gather [hbm4b:s3+s2], $0x80, v4, vm0, $0xb8;
	[tilespmem:$0xF800] =	vst v63  }
0x169: {  	_ = 	snop  }
0x16a: {  	[tilespmem:s31], [sflag:$0x4] =	stream.indirect_vreg.gather [hbm4b:s3+s2], $0x80, v3, vm0, $0xb8;
	[tilespmem:$0xF800] =	vst v63  }
0x16b: {  	v3 =	vld [tilespmem:s18+$0xFFFFFFE0];
	_ =	sdelay $0x4  }
0x16c: {  	v61 =	vshll.u32 v3, $0x1  }
0x16d: {  	v3 =	vand.u32 $0x7, v3;
	v4 =	vand.u32 $0xFFFFFFF0, v61  }
0x16e: {  	v3 =	vor.u32 v3, v4  }
0x16f: {  	v4 =	vperm.xlane v3, v0;
	_ =	sdelay $0x1  }
0x170: {  	v3 =	vperm.xlane v3, v2;
	v4 =	vadd.s32 v1, v4;
	_ =	sdelay $0x1  }
0x171: {  	v3 =	vadd.s32 v1, v3;
	_ =	sdelay $0x2  }
0x172: {  	[tilespmem:s1], [sflag:$0x4] =	stream.indirect_vreg.gather [hbm4b:s3+s2], $0x80, v4, vm0, $0xb8;
	[tilespmem:$0xF800] =	vst v63  }
0x173: {  	_ = 	snop  }
0x174: {  	[tilespmem:s0], [sflag:$0x4] =	stream.indirect_vreg.gather [hbm4b:s3+s2], $0x80, v3, vm0, $0xb8;
	[tilespmem:$0xF800] =	vst v63  }
0x175: {  	v3 =	vld [tilespmem:s18+$0xFFFFFFF0];
	_ =	sdelay $0x4  }
0x176: {  	v62 =	vshll.u32 v3, $0x1  }
0x177: {  	v3 =	vand.u32 $0x7, v3;
	v4 =	vand.u32 $0xFFFFFFF0, v62  }
0x178: {  	v3 =	vor.u32 v3, v4  }
0x179: {  	v4 =	vperm.xlane v3, v0;
	_ =	sdelay $0x1  }
0x17a: {  	v3 =	vperm.xlane v3, v2;
	v4 =	vadd.s32 v1, v4;
	_ =	sdelay $0x1  }
0x17b: {  	v3 =	vadd.s32 v1, v3;
	_ =	sdelay $0x2  }
0x17c: {  	[tilespmem:s4], [sflag:$0x4] =	stream.indirect_vreg.gather [hbm4b:s3+s2], $0x80, v4, vm0, $0xb8;
	[tilespmem:$0xF800] =	vst v63  }
0x17d: {  	_ = 	snop  }
0x17e: {  	[tilespmem:s5], [sflag:$0x4] =	stream.indirect_vreg.gather [hbm4b:s3+s2], $0x80, v3, vm0, $0xb8;
	[tilespmem:$0xF800] =	vst v63  }
0x17f: {  	v3 =	vld.msk [tilespmem:s18+$0x0], $0xff;
	_ =	sdelay $0x4  }
0x180: {  	v63 =	vshll.u32 v3, $0x1  }
0x181: {  	v3 =	vand.u32 $0x7, v3;
	v4 =	vand.u32 $0xFFFFFFF0, v63  }
0x182: {  	v3 =	vor.u32 v3, v4  }
0x183: {  	v3 =	vperm.xlane v3, v0;
	_ =	sdelay $0x1  }
0x184: {  	v3 =	vadd.s32 v1, v3  }
.Ltmp5:
0x185: {  	_ = 	snop;
	(pc) =	sbr.rel .LBB2_2-.Ltmp5, $3  }
0x186: {  	_ =	sdelay $0x1  }
0x187: {  	s19 =	sadd.s32 $0x1C00, s19;
	s18 =	sadd.s32 $0x200, s18  }
0x188: {  	[tilespmem:s7], [sflag:$0x4] =	stream.indirect_vreg.gather [hbm4b:s3+s2], $0x80, v3, vm0, $0xb8;
	[tilespmem:$0xF800] =	vst v63  }
.LBB2_8:
0x189: {  	_ =	sfence.sel $0x180000  }
0x18a: {  	[bflag:$0x0] =	sbarrier.arrive $0xFFFF  }
0x18b: {  	_ =	strace $0x9000004A  }
0x18c: {  	s0 =	stileid.u32;
	[bflag:$0x2] =	sbarrier.arrive $0xFFFF  }
0x18d: {  	p0 =	sne.s32 s0, $0x0;
	s0 =	rddreg [dreg:$0x1]  }
0x18e: {  	s0 =	sadd.s32 @!p0 $0x100000, s0  }
0x18f: {  	[sflag:s0] =	ssyncadd.tile.s32 @!p0 $0x1;
	_ =	shalt  }
.Lfunc_end2:
_tile_overlayer_lowered:
.L_overlay_start_2:
0x190: {  	(tag) =	ssettag $0x2  }
0x191: {  	s0 =	rddreg [dreg:$0x0];
	s2 =	stileid.u32  }
0x192: {  	s1 =	rddreg [dreg:$0x1];
	p0 =	sne.s32 s2, $0x0  }
0x193: {  	s3 =	rddreg [dreg:$0x2];
	[bflag:$0x3] =	sbarrier.arrive $0xFFFF;
	s2 =	simm.s32 @!p0 $0x1C09  }
0x194: {  	[timem:s3], [sflag:s2] =	dma.local @!p0 [hbm:s0], s1  }
0x195: {  	s0 =	simm.s32 @!p0 $0x9  }
0x196: {  	_ =	swait.ge @!p0 [sflag:s0], s1  }
0x197: {  	s1 =	ssub.s32 @!p0 $0x0, s1;
	[sflag:s0] =	ssyncset.done @!p0 $0x0  }
0x198: {  	[sflag:s0] =	ssyncadd.s32 @!p0 s1  }
0x199: {  	[bflag:$0x3] =	sbarrier.arrive $0xFFFF  }
0x19a: {  	_ =	shalt  }

// kernel: kernel.8.cloned.1.call-start
scs
__scs_entry_jumppad:
0x0: {  	(pc) =	sbr.rel $0x88, $3  }
0x1: {  	(tag) =	ssettag $0x0;
	lr =	simm.s32 $0x1  }
0x2: {  	[smem:$0x3F95] =	sst lr;
	_ =	strace $0xD0000000  }
0x3: {  	_ = 	snop  }
0x4: {  	_ = 	snop  }
0x5: {  	_ = 	snop  }
0x6: {  	_ = 	snop  }
0x7: {  	_ = 	snop  }
__scs_overlays_trampoline_lowered:
0x8: {  	[smem:$0x3FA4] =	sst s0  }
0x9: {  	[smem:$0x3FA5] =	sst s1  }
0xa: {  	[smem:$0x3FA6] =	sst s2  }
0xb: {  	[smem:$0x3FA7] =	sst s3  }
0xc: {  	[smem:$0x3FA8] =	sst s4  }
0xd: {  	[smem:$0x3FA9] =	sst s5  }
0xe: {  	[smem:$0x3FAA] =	sst s6  }
0xf: {  	[smem:$0x3FAB] =	sst s7  }
0x10: {  	[smem:$0x3FAC] =	sst s8  }
0x11: {  	[smem:$0x3FAD] =	sst s9;
	s0 =	simm.s32 @!p0 $0x0  }
0x12: {  	s1 =	sld [smem:$0x3F93];
	s0 =	simm.s32 @p0 $0x1  }
0x13: {  	[smem:$0x3FAE] =	sst s0;
	s0 =	simm.s32 @!p1 $0x0  }
0x14: {  	s2 =	sld [smem:$0x3F92];
	s0 =	simm.s32 @p1 $0x1  }
0x15: {  	[smem:$0x3FAF] =	sst s0;
	s0 =	simm.s32 @!p2 $0x0  }
0x16: {  	s3 =	sld [smem:$0x3FDB];
	s0 =	simm.s32 @p2 $0x1  }
0x17: {  	s4 =	simm.s32 $0x1BF5;
	[smem:$0x3FB1] =	sst s0  }
0x18: {  	s0 =	sld [smem:$0x3F94];
	_ =	swait.ge [sflag:s4], $0x0  }
0x19: {  	s7 =	sld [smem:$0x3F95]  }
0x1a: {  	s8 =	sadd.s32 $0xFFFFE003, lr  }
0x1b: {  	s9 =	sadd.s32 $0xFFFFFEF7, lr;
	s5 =	simm.s32 $0xFFFFFFFF;
	p2 =	slt.u32 s8, $0xFFFFF086  }
0x1c: {  	p1 =	slt.u32 s9, $0xF7A;
	s5 =	simm.s32 @!p2 $0x0  }
0x1d: {  	s5 =	simm.s32 @p1 $0x1;
	p0 =	seq.s32 s7, s2  }
0x1e: {  	s7 =	smul.u32 @!p0 $0xF7A, s2;
	p2 =	seq.s32 @!p0 s5, $0x0  }
0x1f: {  	s9 =	smul.u32 $0xF7A, s1;
	s8 =	simm.s32 @!p0 $0x1BF5;
	p2 =	por !p2, p0  }
0x20: {  	[sflag:s8] =	ssyncset.s32 @!p0 $0xFFFFF086;
	s6 =	sadd.s32 @!p0 s3, s7;
	s7 =	simm.s32 @!p0 $0x108  }
0x21: {  	s3 =	sadd.s32 s3, s9;
	s6 =	sadd.s32 @!p0 $0x88, s6;
	s7 =	simm.s32 @p2 $0x1082  }
0x22: {  	[simem:s7], [sflag:s8] =	dma.local @!p0 [hbm:s6], $0xF7A  }
0x23: {  	s9 =	sor.u32 $0xD0000000, s2;
	s6 =	simm.s32 $0x108;
	_ =	swait.ge @!p0 [sflag:s8], $0x0  }
0x24: {  	s3 =	sadd.s32 $0x88, s3;
	s6 =	simm.s32 @!p1 $0x1082;
	[sflag:s4] =	ssyncset.s32 $0xFFFFF086  }
0x25: {  	[simem:s6], [sflag:s4] =	dma.local [hbm:s3], $0xF7A  }
0x26: {  	[smem:$0x3F95] =	sst s1;
	(tag) =	ssettag s2;
	_ =	strace s9  }
0x27: {  	s1 =	sld [smem:$0x3FA5]  }
0x28: {  	s2 =	sld [smem:$0x3FA6]  }
0x29: {  	s4 =	sld [smem:$0x3FA8]  }
0x2a: {  	p0 =	seq.s32 s5, $0x0;
	s5 =	sld [smem:$0x3FA9]  }
0x2b: {  	s6 =	sld [smem:$0x3FAA]  }
0x2c: {  	s7 =	sld [smem:$0x3FAB]  }
0x2d: {  	s3 =	simm.s32 $0x108;
	s8 =	sld [smem:$0x3FAC]  }
0x2e: {  	s3 =	simm.s32 @!p0 $0x1082;
	s9 =	sld [smem:$0x3FAD]  }
0x2f: {  	lr =	sadd.s32 s0, s3;
	s0 =	sld [smem:$0x3FA4]  }
0x30: {  	s3 =	sld [smem:$0x3FA7]  }
0x31: {  	[smem:$0x3FB0] =	sst s10  }
0x32: {  	s10 =	sld [smem:$0x3FAE];
	_ =	sdelay $0x3  }
0x33: {  	p0 =	seq.s32 s10, $0x1;
	s10 =	sld [smem:$0x3FB0];
	_ =	sdelay $0x3  }
0x34: {  	[smem:$0x3FB0] =	sst s10  }
0x35: {  	s10 =	sld [smem:$0x3FAF];
	_ =	sdelay $0x3  }
0x36: {  	p1 =	seq.s32 s10, $0x1;
	s10 =	sld [smem:$0x3FB0];
	_ =	sdelay $0x3  }
0x37: {  	[smem:$0x3FB0] =	sst s10  }
0x38: {  	s10 =	sld [smem:$0x3FB1]  }
0x39: {  	_ = 	snop;
	(pc) =	sbr.ind lr, $3  }
0x3a: {  	_ = 	snop  }
0x3b: {  	_ = 	snop  }
0x3c: {  	p2 =	seq.s32 s10, $0x1;
	s10 =	sld [smem:$0x3FB0]  }
0x3d: {  	_ =	shalt  }
0x3e: {  	_ =	shalt  }
0x3f: {  	_ =	shalt  }
0x40: {  	_ =	shalt  }
0x41: {  	_ =	shalt  }
0x42: {  	_ =	shalt  }
0x43: {  	_ =	shalt  }
0x44: {  	_ =	shalt  }
0x45: {  	_ =	shalt  }
0x46: {  	_ =	shalt  }
0x47: {  	_ =	shalt  }
0x48: {  	_ =	shalt  }
0x49: {  	_ =	shalt  }
0x4a: {  	_ =	shalt  }
0x4b: {  	_ =	shalt  }
0x4c: {  	_ =	shalt  }
0x4d: {  	_ =	shalt  }
0x4e: {  	_ =	shalt  }
0x4f: {  	_ =	shalt  }
0x50: {  	_ =	shalt  }
0x51: {  	_ =	shalt  }
0x52: {  	_ =	shalt  }
0x53: {  	_ =	shalt  }
0x54: {  	_ =	shalt  }
0x55: {  	_ =	shalt  }
0x56: {  	_ =	shalt  }
0x57: {  	_ =	shalt  }
0x58: {  	_ =	shalt  }
0x59: {  	_ =	shalt  }
0x5a: {  	_ =	shalt  }
0x5b: {  	_ =	shalt  }
0x5c: {  	_ =	shalt  }
0x5d: {  	_ =	shalt  }
0x5e: {  	_ =	shalt  }
0x5f: {  	_ =	shalt  }
0x60: {  	_ =	shalt  }
0x61: {  	_ =	shalt  }
0x62: {  	_ =	shalt  }
0x63: {  	_ =	shalt  }
0x64: {  	_ =	shalt  }
0x65: {  	_ =	shalt  }
0x66: {  	_ =	shalt  }
0x67: {  	_ =	shalt  }
0x68: {  	_ =	shalt  }
0x69: {  	_ =	shalt  }
0x6a: {  	_ =	shalt  }
0x6b: {  	_ =	shalt  }
0x6c: {  	_ =	shalt  }
0x6d: {  	_ =	shalt  }
0x6e: {  	_ =	shalt  }
0x6f: {  	_ =	shalt  }
0x70: {  	_ =	shalt  }
0x71: {  	_ =	shalt  }
0x72: {  	_ =	shalt  }
0x73: {  	_ =	shalt  }
0x74: {  	_ =	shalt  }
0x75: {  	_ =	shalt  }
0x76: {  	_ =	shalt  }
0x77: {  	_ =	shalt  }
0x78: {  	_ =	shalt  }
0x79: {  	_ =	shalt  }
0x7a: {  	_ =	shalt  }
0x7b: {  	_ =	shalt  }
0x7c: {  	_ =	shalt  }
0x7d: {  	_ =	shalt  }
0x7e: {  	_ =	shalt  }
0x7f: {  	_ =	shalt  }
0x80: {  	_ =	shalt  }
0x81: {  	_ =	shalt  }
0x82: {  	_ =	shalt  }
0x83: {  	_ =	shalt  }
0x84: {  	_ =	shalt  }
0x85: {  	_ =	shalt  }
0x86: {  	_ =	shalt  }
0x87: {  	_ =	shalt  }
.Lfunc_end0:
.L_simem_size_0:
called_computation_lowered:
.L_overlay_start_0:
0x88: {  	s2 =	sld [smem:$0x3FD9]  }
0x89: {  	s3 =	sld [smem:$0x3FFE];
	_ =	sdelay $0x1  }
0x8a: {  	s1 =	srdreg.scid  }
0x8b: {  	s0 =	sand.u32 $0x1, s1  }
0x8c: {  	s17 =	sshll.u32 s0, $0xA;
	s2 =	sadd.s32 s3, s2  }
0x8d: {  	s2 =	sadd.s32 s2, s17  }
0x8e: {  	[smem:$0x3FBC] =	sst s2  }
0x8f: {  	_ = 	snop  }
0x90: {  	s2 =	sld [smem:$0x3FC9]  }
0x91: {  	s18 =	sld [smem:$0x3FD0];
	(tm) =	ssettm $0x1  }
0x92: {  	s4 =	sld [smem:$0x3FFB];
	_ =	sdelay $0x3  }
0x93: {  	_ =	strace s4  }
0x94: {  	s4 =	sld [smem:$0x3FFC];
	_ =	sdelay $0x3  }
0x95: {  	_ =	strace s4  }
0x96: {  	s4 =	sld [smem:$0x3FFD];
	_ =	sdelay $0x3  }
0x97: {  	_ =	strace s4  }
0x98: {  	_ =	strace $0x8FFFFFFF  }
0x99: {  	s19 =	sld [smem:$0x3FDB];
	_ =	sdelay $0x1  }
0x9a: {  	s5 =	simm.s32 $_scs_section_size  }
0x9b: {  	s6 =	simm.s32 $_size__tile_overlayer_lowered;
	s7 =	simm.s32 $_tile_overlayer_lowered  }
0x9c: {  	s22 =	simm.s32 $0x1BFF;
	s21 =	sshll.u32 s7, $0x1;
	s4 =	sadd.s32 s5, s19  }
0x9d: {  	s8 =	simm.s32 $0x0;
	s20 =	sshll.u32 s6, $0x1;
	s6 =	sadd.s32 s21, s4  }
0x9e: {  	[timem:s8], [sflag:s22] =	dma.local [hbm:s6], s20  }
0x9f: {  	_ =	swait.ge [sflag:s22], s20  }
0xa0: {  	s5 =	ssub.s32 $0x0, s20;
	[sflag:s22] =	ssyncset.done $0x0  }
0xa1: {  	[sflag:s22] =	ssyncadd.s32 s5;
	_ =	sdelay $0x1  }
0xa2: {  	s23 =	simm.s32 $0x1B8B  }
0xa3: {  	_ =	swait.ge [sflag:s23], $0x1  }
0xa4: {  	[sflag:s23] =	ssyncset.done $0x0  }
0xa5: {  	s25 =	simm.s32 $0x1B8E;
	s24 =	sld [smem:$0x3FFE];
	[sflag:s23] =	ssyncadd.s32 $0xFFFFFFFF  }
0xa6: {  	s26 =	simm.s32 $execute0_lowered;
	[smem:$0x3FD2] =	sst s25  }
0xa7: {  	s6 =	sshll.u32 s26, $0x1;
	_ =	strace $0x80000046;
	[dreg:$0x1] =	wrdreg $0xFFFFFFFF  }
0xa8: {  	s28 =	simm.s32 $_size_execute0_lowered;
	s4 =	sadd.s32 s4, s6;
	[dreg:$0x0] =	wrdreg $0x0  }
0xa9: {  	s6 =	sshll.u32 s28, $0x1;
	[dreg:$0x2] =	wrdreg s4  }
0xaa: {  	[dreg:$0x3] =	wrdreg s6  }
0xab: {  	[dreg:$0x4] =	wrdreg $0xC0  }
0xac: {  	_ =	task [dreg:s8], $0x5FFFF  }
0xad: {  	[dreg:$0x1] =	wrdreg $0xFFFFFFFF  }
0xae: {  	[dreg:$0x0] =	wrdreg $0x60  }
0xaf: {  	[dreg:$0x2] =	wrdreg s24  }
0xb0: {  	[dreg:$0x3] =	wrdreg s2  }
0xb1: {  	[dreg:$0x4] =	wrdreg s18  }
0xb2: {  	[dreg:$0x5] =	wrdreg $0x9  }
0xb3: {  	_ =	task.clear_ibuf [dreg:s8], $0x6FFFF;
	_ =	strace $0x90000046  }
0xb4: {  	s29 =	simm.s32 $0x9;
	_ =	strace $0x80000048  }
0xb5: {  	_ =	swait.ge [sflag:s29], $0x1  }
0xb6: {  	[sflag:s29] =	ssyncadd.s32 $0xFFFFFFFF  }
0xb7: {  	_ =	strace $0x90000048  }
0xb8: {  	_ =	sfence  }
0xb9: {  	s30 =	sld [smem:$0x0];
	_ =	sdelay $0x2  }
0xba: {  	s31 =	sshll.u32 s1, $0xD;
	s1 =	sshrl.u32 s1, $0x2  }
0xbb: {  	s3 =	sand.u32 $0x4000, s31;
	s1 =	sadd.s32 s1, s30  }
0xbc: {  	s0 =	sor.u32 s3, s0;
	s1 =	sshll.u32 s1, $0x11  }
0xbd: {  	s0 =	sor.u32 s1, s0  }
0xbe: {  	s0 =	sadd.s32 $0x8F2B, s0  }
0xbf: {  	[sflag:s0] =	ssyncadd.remote.s32 $0x1  }
0xc0: {  	_ =	sfence.sel $0xFFFF  }
0xc1: {  	[dreg:$0x0] =	wrdreg $0xFFFFFFFF;
	(pc) =	sbr.abs _section_cstart, $3  }
0xc2: {  	[dreg:$0x1] =	wrdreg $0xFFFFFFFF  }
0xc3: {  	_ =	task.clear_ibuf [dreg:s8], $0x2FFFF;
	_ =	strace $0x9FFFFFFF  }
0xc4: {  	(tm) =	ssettm $0x7FFFFFFF  }
0xc5: {  	_ =	shalt  }
tec
execute0_lowered:
.L_overlay_start_1:
0x0: {  	(tag) =	ssettag $0x1  }
0x1: {  	s0 =	rddreg [dreg:$0x0]  }
0x2: {  	s11 =	rddreg [dreg:$0x1]  }
0x3: {  	s1 =	srdreg.scid;
	s7 =	stileid.u32  }
0x4: {  	s2 =	rddreg [dreg:$0x2];
	s3 =	simm.s32 $0x0;
	s14 =	simm.s32 $0x4800  }
0x5: {  	s21 =	simm.s32 $0x8000;
	s29 =	simm.s32 $0xB800;
	s30 =	simm.s32 $0xC000  }
0x6: {  	s31 =	simm.s32 $0xC800;
	s13 =	simm.s32 $0xE000;
	s12 =	simm.s32 $0x11000  }
0x7: {  	s15 =	simm.s32 $0x12000;
	s16 =	simm.s32 $0x1;
	s17 =	simm.s32 $0x2  }
0x8: {  	s18 =	simm.s32 $0x3;
	s19 =	simm.s32 $0x4;
	s20 =	simm.s32 $0x5  }
0x9: {  	s22 =	simm.s32 $0x6;
	s1 =	sand.u32 $0x1, s1;
	s4 =	sshll.u32 s7, $0x1  }
0xa: {  	[smem:$0x7FF] =	sst s3;
	s7 =	smul.u32 $0x7E000, s7;
	s24 =	sadd.s32 $0x100, s11  }
0xb: {  	s5 =	sor.u32 s1, s4;
	s8 =	ssub.s32 $0x2, s1;
	s1 =	smul.u32 $0x3F000, s1  }
0xc: {  	_ =	strace $0x80000047;
	s4 =	sadd.s32 $0x3400, s0;
	s6 =	smul.u32 $0x900, s5  }
0xd: {  	[dreg:$0x6] =	wrdreg s24;
	s24 =	simm.s32 $0x8;
	s10 =	smul.u32 $0x1C00, s5  }
0xe: {  	s9 =	sshrl.u32 s8, $0x1;
	s23 =	smul.u32 $0xE000, s5;
	s5 =	sshll.u32 s5, $0x5  }
0xf: {  	s7 =	sadd.s32 s7, s0;
	s8 =	ssub.s32 s8, s9;
	s2 =	sadd.s32 s2, s5  }
0x10: {  	s1 =	sadd.s32 s1, s7;
	s5 =	simm.s32 $0xE800;
	s9 =	simm.s32 $0x10000  }
0x11: {  	s6 =	sadd.s32 s6, s0;
	s0 =	sadd.s32 $0x63600, s0;
	[dreg:$0x5] =	wrdreg s2  }
0x12: {  	s25 =	sshrl.u32 s23, $0x3;
	s28 =	smax.u32 s8, $0x1;
	s11 =	sadd.s32 $0x9B600, s1  }
0x13: {  	s1 =	simm.s32 $0xD000;
	s8 =	simm.s32 $0xF800;
	s2 =	simm.s32 $0x11800  }
.Ltmp0:
0x14: {  	s23 =	simm.s32 $0x7;
	s6 =	sadd.s32 $0x51600, s6;
	(pc) =	sbr.rel .LBB2_1-.Ltmp0, $4  }
0x15: {  	s26 =	sadd.s32 s0, s10;
	s0 =	sadd.s32 s0, s25;
	[dreg:$0x9] =	wrdreg s28  }
0x16: {  	v2 =	vlaneseq.u32;
	s10 =	simm.s32 $0x10800;
	s25 =	simm.s32 $0x0;
	[dreg:$0x4] =	wrdreg s6  }
0x17: {  	vm0 =	vmmov $0xffff;
	v1 =	vshrl.u32 v2, $0x3;
	[dreg:$0x7] =	wrdreg s26;
	s0 =	sadd.s32 $0xE00, s0;
	s26 =	simm.s32 $0xA  }
0x18: {  	v0 =	vand.u32 $0x7, v2;
	v2 =	vor.u32 $0x8, v2;
	v1 =	vmul.u32 $0x8, v1;
	s6 =	simm.s32 $0xF000;
	[dreg:$0x8] =	wrdreg s0;
	s0 =	simm.s32 $0xD800  }
.LBB2_7:
0x19: {  	_ =	swait.ge [sflag:s19], $0x3800  }
0x1a: {  	[sflag:s19] =	ssyncset.done $0x0  }
0x1b: {  	[sflag:s19] =	ssyncadd.s32 $0xFFFFC800  }
0x1c: {  	[hbm4b:s28+s3] =	stream.linear.scatter [tilespmem:s6], [sflag:$0x8], $0x3800, $0x38;
	[tilespmem:$0x19900] =	vst v63  }
0x1d: {  	_ =	swait.ge [sflag:s20], $0x3800  }
0x1e: {  	[sflag:s20] =	ssyncset.done $0x0  }
0x1f: {  	[sflag:s20] =	ssyncadd.s32 $0xFFFFC800  }
0x20: {  	_ =	swait.ge [sflag:s22], $0x3800  }
0x21: {  	[sflag:s22] =	ssyncset.done $0x0  }
0x22: {  	[sflag:s22] =	ssyncadd.s32 $0xFFFFC800  }
0x23: {  	_ =	swait.ge [sflag:s23], $0x3800  }
0x24: {  	[sflag:s23] =	ssyncset.done $0x0  }
0x25: {  	[sflag:s23] =	ssyncadd.s32 $0xFFFFC800  }
0x26: {  	_ =	swait.ge [sflag:s24], $0x3800  }
0x27: {  	[sflag:s24] =	ssyncset.done $0x0  }
0x28: {  	[sflag:s24] =	ssyncadd.s32 $0xFFFFC800  }
0x29: {  	v3 =	vld [tilespmem:$0x12800];
	_ =	sdelay $0x4  }
0x2a: {  	v4 =	vshll.u32 v3, $0x2  }
0x2b: {  	v3 =	vand.u32 $0x7, v3;
	v4 =	vand.u32 $0xFFFFFFE0, v4  }
0x2c: {  	v3 =	vor.u32 v3, v4  }
0x2d: {  	v4 =	vperm.xlane v3, v0;
	_ =	sdelay $0x1  }
0x2e: {  	v4 =	vadd.s32 v1, v4;
	_ =	sdelay $0x1  }
0x2f: {  	v3 =	vperm.xlane v3, v2;
	_ =	sdelay $0x1  }
0x30: {  	s25 =	simm.s32 $0x12900;
	s7 =	rddreg [dreg:$0x1];
	v3 =	vadd.s32 v1, v3  }
0x31: {  	[tilespmem:s25], [sflag:$0x9] =	stream.indirect_vreg.gather [hbm4b:s7+s3], $0x80, v4, vm0, $0xb8;
	[tilespmem:$0x19900] =	vst v63  }
0x32: {  	s26 =	simm.s32 $0x13100;
	s25 =	rddreg [dreg:$0x6]  }
0x33: {  	[tilespmem:s26], [sflag:$0x9] =	stream.indirect_vreg.gather [hbm4b:s25+s3], $0x80, v4, vm0, $0xb8;
	[tilespmem:$0x19900] =	vst v63  }
0x34: {  	s28 =	simm.s32 $0x13900  }
0x35: {  	[tilespmem:s28], [sflag:$0x9] =	stream.indirect_vreg.gather [hbm4b:s7+s3], $0x80, v3, vm0, $0xb8;
	[tilespmem:$0x19900] =	vst v63  }
0x36: {  	s28 =	simm.s32 $0x14100  }
0x37: {  	[tilespmem:s28], [sflag:$0x9] =	stream.indirect_vreg.gather [hbm4b:s25+s3], $0x80, v3, vm0, $0xb8;
	[tilespmem:$0x19900] =	vst v63  }
0x38: {  	v3 =	vld [tilespmem:$0x12810];
	_ =	sdelay $0x4  }
0x39: {  	v57 =	vshll.u32 v3, $0x2  }
0x3a: {  	v3 =	vand.u32 $0x7, v3;
	v4 =	vand.u32 $0xFFFFFFE0, v57  }
0x3b: {  	v3 =	vor.u32 v3, v4  }
0x3c: {  	v4 =	vperm.xlane v3, v0;
	_ =	sdelay $0x1  }
0x3d: {  	v4 =	vadd.s32 v1, v4;
	_ =	sdelay $0x1  }
0x3e: {  	v3 =	vperm.xlane v3, v2;
	_ =	sdelay $0x1  }
0x3f: {  	s28 =	simm.s32 $0x14900;
	v3 =	vadd.s32 v1, v3  }
0x40: {  	[tilespmem:s28], [sflag:$0x9] =	stream.indirect_vreg.gather [hbm4b:s7+s3], $0x80, v4, vm0, $0xb8;
	[tilespmem:$0x19900] =	vst v63  }
0x41: {  	s28 =	simm.s32 $0x15100  }
0x42: {  	[tilespmem:s28], [sflag:$0x9] =	stream.indirect_vreg.gather [hbm4b:s25+s3], $0x80, v4, vm0, $0xb8;
	[tilespmem:$0x19900] =	vst v63  }
0x43: {  	s28 =	simm.s32 $0x15900  }
0x44: {  	[tilespmem:s28], [sflag:$0x9] =	stream.indirect_vreg.gather [hbm4b:s7+s3], $0x80, v3, vm0, $0xb8;
	[tilespmem:$0x19900] =	vst v63  }
0x45: {  	s28 =	simm.s32 $0x16100  }
0x46: {  	[tilespmem:s28], [sflag:$0x9] =	stream.indirect_vreg.gather [hbm4b:s25+s3], $0x80, v3, vm0, $0xb8;
	[tilespmem:$0x19900] =	vst v63  }
0x47: {  	v3 =	vld [tilespmem:$0x12820];
	_ =	sdelay $0x4  }
0x48: {  	v58 =	vshll.u32 v3, $0x2  }
0x49: {  	v3 =	vand.u32 $0x7, v3;
	v4 =	vand.u32 $0xFFFFFFE0, v58  }
0x4a: {  	v3 =	vor.u32 v3, v4  }
0x4b: {  	v4 =	vperm.xlane v3, v0;
	_ =	sdelay $0x1  }
0x4c: {  	v4 =	vadd.s32 v1, v4;
	_ =	sdelay $0x1  }
0x4d: {  	v3 =	vperm.xlane v3, v2;
	_ =	sdelay $0x1  }
0x4e: {  	s28 =	simm.s32 $0x16900;
	v3 =	vadd.s32 v1, v3  }
0x4f: {  	[tilespmem:s28], [sflag:$0x9] =	stream.indirect_vreg.gather [hbm4b:s7+s3], $0x80, v4, vm0, $0xb8;
	[tilespmem:$0x19900] =	vst v63  }
0x50: {  	s28 =	simm.s32 $0x17100  }
0x51: {  	[tilespmem:s28], [sflag:$0x9] =	stream.indirect_vreg.gather [hbm4b:s25+s3], $0x80, v4, vm0, $0xb8;
	[tilespmem:$0x19900] =	vst v63  }
0x52: {  	s28 =	simm.s32 $0x17900  }
0x53: {  	[tilespmem:s28], [sflag:$0x9] =	stream.indirect_vreg.gather [hbm4b:s7+s3], $0x80, v3, vm0, $0xb8;
	[tilespmem:$0x19900] =	vst v63  }
0x54: {  	s28 =	simm.s32 $0x18100  }
0x55: {  	[tilespmem:s28], [sflag:$0x9] =	stream.indirect_vreg.gather [hbm4b:s25+s3], $0x80, v3, vm0, $0xb8;
	[tilespmem:$0x19900] =	vst v63  }
0x56: {  	v3 =	vld.msk [tilespmem:$0x12830], $0xff;
	_ =	sdelay $0x4  }
0x57: {  	v59 =	vshll.u32 v3, $0x2  }
0x58: {  	v3 =	vand.u32 $0x7, v3;
	v4 =	vand.u32 $0xFFFFFFE0, v59  }
0x59: {  	v3 =	vor.u32 v3, v4  }
0x5a: {  	v3 =	vperm.xlane v3, v0;
	_ =	sdelay $0x1  }
0x5b: {  	v3 =	vadd.s32 v1, v3;
	_ =	sdelay $0x3  }
0x5c: {  	s28 =	simm.s32 $0x18900  }
0x5d: {  	[tilespmem:s28], [sflag:$0x9] =	stream.indirect_vreg.gather [hbm4b:s7+s3], $0x80, v3, vm0, $0xb8;
	[tilespmem:$0x19900] =	vst v63  }
0x5e: {  	s31 =	simm.s32 $0x9;
	s28 =	simm.s32 $0x19100  }
0x5f: {  	[tilespmem:s28], [sflag:$0x9] =	stream.indirect_vreg.gather [hbm4b:s25+s3], $0x80, v3, vm0, $0xb8;
	[tilespmem:$0x19900] =	vst v63  }
0x60: {  	_ =	swait.ge [sflag:s31], $0x7000  }
0x61: {  	[sflag:s31] =	ssyncset.done $0x0  }
0x62: {  	s28 =	simm.s32 $0x12900;
	s26 =	rddreg [dreg:$0x7];
	[sflag:s31] =	ssyncadd.s32 $0xFFFF9000  }
0x63: {  	[hbm4b:s26+s3] =	stream.linear.scatter [tilespmem:s28], [sflag:$0xA], $0x7000, $0x38;
	[tilespmem:$0x19900] =	vst v63  }
0x64: {  	s26 =	simm.s32 $0xA  }
0x65: {  	_ =	swait.ge [sflag:s26], $0x7000  }
0x66: {  	[sflag:s26] =	ssyncset.done $0x0  }
0x67: {  	[sflag:s26] =	ssyncadd.s32 $0xFFFF9000  }
0x68: {  	v3 =	vld [tilespmem:$0x12880];
	_ =	sdelay $0x4  }
0x69: {  	v60 =	vshll.u32 v3, $0x2  }
0x6a: {  	v3 =	vand.u32 $0x7, v3;
	v4 =	vand.u32 $0xFFFFFFE0, v60  }
0x6b: {  	v3 =	vor.u32 v3, v4  }
0x6c: {  	v4 =	vperm.xlane v3, v0;
	_ =	sdelay $0x1  }
0x6d: {  	v4 =	vadd.s32 v1, v4;
	_ =	sdelay $0x1  }
0x6e: {  	v3 =	vperm.xlane v3, v2;
	_ =	sdelay $0x1  }
0x6f: {  	v3 =	vadd.s32 v1, v3  }
0x70: {  	[tilespmem:s28], [sflag:$0x9] =	stream.indirect_vreg.gather [hbm4b:s7+s3], $0x80, v4, vm0, $0xb8;
	[tilespmem:$0x19900] =	vst v63  }
0x71: {  	s28 =	simm.s32 $0x13100  }
0x72: {  	[tilespmem:s28], [sflag:$0x9] =	stream.indirect_vreg.gather [hbm4b:s25+s3], $0x80, v4, vm0, $0xb8;
	[tilespmem:$0x19900] =	vst v63  }
0x73: {  	s28 =	simm.s32 $0x13900  }
0x74: {  	[tilespmem:s28], [sflag:$0x9] =	stream.indirect_vreg.gather [hbm4b:s7+s3], $0x80, v3, vm0, $0xb8;
	[tilespmem:$0x19900] =	vst v63  }
0x75: {  	s28 =	simm.s32 $0x14100  }
0x76: {  	[tilespmem:s28], [sflag:$0x9] =	stream.indirect_vreg.gather [hbm4b:s25+s3], $0x80, v3, vm0, $0xb8;
	[tilespmem:$0x19900] =	vst v63  }
0x77: {  	v3 =	vld [tilespmem:$0x12890];
	_ =	sdelay $0x4  }
0x78: {  	v61 =	vshll.u32 v3, $0x2  }
0x79: {  	v3 =	vand.u32 $0x7, v3;
	v4 =	vand.u32 $0xFFFFFFE0, v61  }
0x7a: {  	v3 =	vor.u32 v3, v4  }
0x7b: {  	v4 =	vperm.xlane v3, v0;
	_ =	sdelay $0x1  }
0x7c: {  	v4 =	vadd.s32 v1, v4;
	_ =	sdelay $0x1  }
0x7d: {  	v3 =	vperm.xlane v3, v2;
	_ =	sdelay $0x1  }
0x7e: {  	s28 =	simm.s32 $0x14900;
	v3 =	vadd.s32 v1, v3  }
0x7f: {  	[tilespmem:s28], [sflag:$0x9] =	stream.indirect_vreg.gather [hbm4b:s7+s3], $0x80, v4, vm0, $0xb8;
	[tilespmem:$0x19900] =	vst v63  }
0x80: {  	s28 =	simm.s32 $0x15100  }
0x81: {  	[tilespmem:s28], [sflag:$0x9] =	stream.indirect_vreg.gather [hbm4b:s25+s3], $0x80, v4, vm0, $0xb8;
	[tilespmem:$0x19900] =	vst v63  }
0x82: {  	s28 =	simm.s32 $0x15900  }
0x83: {  	[tilespmem:s28], [sflag:$0x9] =	stream.indirect_vreg.gather [hbm4b:s7+s3], $0x80, v3, vm0, $0xb8;
	[tilespmem:$0x19900] =	vst v63  }
0x84: {  	s28 =	simm.s32 $0x16100  }
0x85: {  	[tilespmem:s28], [sflag:$0x9] =	stream.indirect_vreg.gather [hbm4b:s25+s3], $0x80, v3, vm0, $0xb8;
	[tilespmem:$0x19900] =	vst v63  }
0x86: {  	v3 =	vld [tilespmem:$0x128A0];
	_ =	sdelay $0x4  }
0x87: {  	v62 =	vshll.u32 v3, $0x2  }
0x88: {  	v3 =	vand.u32 $0x7, v3;
	v4 =	vand.u32 $0xFFFFFFE0, v62  }
0x89: {  	v3 =	vor.u32 v3, v4  }
0x8a: {  	v4 =	vperm.xlane v3, v0;
	_ =	sdelay $0x1  }
0x8b: {  	v4 =	vadd.s32 v1, v4;
	_ =	sdelay $0x1  }
0x8c: {  	v3 =	vperm.xlane v3, v2;
	_ =	sdelay $0x1  }
0x8d: {  	s28 =	simm.s32 $0x16900;
	v3 =	vadd.s32 v1, v3  }
0x8e: {  	[tilespmem:s28], [sflag:$0x9] =	stream.indirect_vreg.gather [hbm4b:s7+s3], $0x80, v4, vm0, $0xb8;
	[tilespmem:$0x19900] =	vst v63  }
0x8f: {  	s28 =	simm.s32 $0x17100  }
0x90: {  	[tilespmem:s28], [sflag:$0x9] =	stream.indirect_vreg.gather [hbm4b:s25+s3], $0x80, v4, vm0, $0xb8;
	[tilespmem:$0x19900] =	vst v63  }
0x91: {  	s28 =	simm.s32 $0x17900  }
0x92: {  	[tilespmem:s28], [sflag:$0x9] =	stream.indirect_vreg.gather [hbm4b:s7+s3], $0x80, v3, vm0, $0xb8;
	[tilespmem:$0x19900] =	vst v63  }
0x93: {  	s28 =	simm.s32 $0x18100  }
0x94: {  	[tilespmem:s28], [sflag:$0x9] =	stream.indirect_vreg.gather [hbm4b:s25+s3], $0x80, v3, vm0, $0xb8;
	[tilespmem:$0x19900] =	vst v63  }
0x95: {  	v3 =	vld.msk [tilespmem:$0x128B0], $0xff;
	_ =	sdelay $0x4  }
0x96: {  	v63 =	vshll.u32 v3, $0x2  }
0x97: {  	v3 =	vand.u32 $0x7, v3;
	v4 =	vand.u32 $0xFFFFFFE0, v63  }
0x98: {  	v3 =	vor.u32 v3, v4  }
0x99: {  	v3 =	vperm.xlane v3, v0;
	_ =	sdelay $0x1  }
0x9a: {  	v3 =	vadd.s32 v1, v3;
	_ =	sdelay $0x3  }
0x9b: {  	s28 =	simm.s32 $0x18900  }
0x9c: {  	[tilespmem:s28], [sflag:$0x9] =	stream.indirect_vreg.gather [hbm4b:s7+s3], $0x80, v3, vm0, $0xb8;
	[tilespmem:$0x19900] =	vst v63  }
0x9d: {  	s28 =	simm.s32 $0x19100  }
0x9e: {  	[tilespmem:s28], [sflag:$0x9] =	stream.indirect_vreg.gather [hbm4b:s25+s3], $0x80, v3, vm0, $0xb8;
	[tilespmem:$0x19900] =	vst v63  }
0x9f: {  	_ =	swait.ge [sflag:s31], $0x7000  }
0xa0: {  	[sflag:s31] =	ssyncset.done $0x0  }
0xa1: {  	s28 =	simm.s32 $0x12900;
	s25 =	rddreg [dreg:$0x8];
	[sflag:s31] =	ssyncadd.s32 $0xFFFF9000  }
0xa2: {  	[hbm4b:s25+s3] =	stream.linear.scatter [tilespmem:s28], [sflag:$0xA], $0x7000, $0x38;
	[tilespmem:$0x19900] =	vst v63  }
0xa3: {  	_ =	swait.ge [sflag:s26], $0x7000  }
0xa4: {  	s7 =	rddreg [dreg:$0xa]  }
0xa5: {  	s28 =	rddreg [dreg:$0x9];
	s25 =	sadd.s32 $0x1, s7  }
0xa6: {  	p0 =	sne.s32 s25, s28  }
.Ltmp1:
0xa7: {  	_ = 	snop;
	(pc) =	sbr.rel @!p0 .LBB2_8-.Ltmp1, $3  }
0xa8: {  	_ =	sdelay $0x1  }
0xa9: {  	[sflag:s26] =	ssyncset.done $0x0  }
0xaa: {  	s31 =	simm.s32 $0xC800;
	[sflag:s26] =	ssyncadd.s32 $0xFFFF9000  }
.LBB2_1:
0xab: {  	[dreg:$0xa] =	wrdreg s25  }
0xac: {  	s7 =	rddreg [dreg:$0x4]  }
0xad: {  	[tilespmem:s3], [sflag:$0xA] =	stream.linear.gather [hbm4b:s7+s3], $0x4800, $0x38;
	[tilespmem:$0x19900] =	vst v63  }
0xae: {  	_ =	swait.ge [sflag:s26], $0x4800  }
0xaf: {  	[sflag:s26] =	ssyncset.done $0x0  }
0xb0: {  	s28 =	simm.s32 $0x12800;
	s25 =	rddreg [dreg:$0x5];
	[sflag:s26] =	ssyncadd.s32 $0xFFFFB800  }
0xb1: {  	[tilespmem:s28], [sflag:$0xA] =	stream.linear.gather [hbm4b:s25+s3], $0x100, $0x38;
	[tilespmem:$0x19900] =	vst v63  }
0xb2: {  	_ =	swait.ge [sflag:s26], $0x100  }
0xb3: {  	[sflag:s26] =	ssyncset.done $0x0  }
0xb4: {  	[sflag:s26] =	ssyncadd.s32 $0xFFFFFF00  }
0xb5: {  	v3 =	vld [tilespmem:$0x0];
	_ =	sdelay $0x4  }
0xb6: {  	v4 =	vshll.u32 v3, $0x1  }
0xb7: {  	v3 =	vand.u32 $0x7, v3;
	v4 =	vand.u32 $0xFFFFFFF0, v4  }
0xb8: {  	v3 =	vor.u32 v3, v4  }
0xb9: {  	v4 =	vperm.xlane v3, v0;
	_ =	sdelay $0x1  }
0xba: {  	v3 =	vperm.xlane v3, v2;
	v4 =	vadd.s32 v1, v4;
	_ =	sdelay $0x1  }
0xbb: {  	v3 =	vadd.s32 v1, v3;
	_ =	sdelay $0x2  }
0xbc: {  	[tilespmem:s14], [sflag:$0x1] =	stream.indirect_vreg.gather [hbm4b:s4+s3], $0x80, v4, vm0, $0xb8;
	[tilespmem:$0x19900] =	vst v63  }
0xbd: {  	s25 =	simm.s32 $0x5000  }
0xbe: {  	[tilespmem:s25], [sflag:$0x1] =	stream.indirect_vreg.gather [hbm4b:s4+s3], $0x80, v3, vm0, $0xb8;
	[tilespmem:$0x19900] =	vst v63  }
0xbf: {  	v3 =	vld [tilespmem:$0x10];
	_ =	sdelay $0x4  }
0xc0: {  	v49 =	vshll.u32 v3, $0x1  }
0xc1: {  	v3 =	vand.u32 $0x7, v3;
	v4 =	vand.u32 $0xFFFFFFF0, v49  }
0xc2: {  	v3 =	vor.u32 v3, v4  }
0xc3: {  	v4 =	vperm.xlane v3, v0;
	_ =	sdelay $0x1  }
0xc4: {  	v3 =	vperm.xlane v3, v2;
	v4 =	vadd.s32 v1, v4;
	_ =	sdelay $0x1  }
0xc5: {  	v3 =	vadd.s32 v1, v3;
	_ =	sdelay $0x1  }
0xc6: {  	s26 =	simm.s32 $0x5800  }
0xc7: {  	[tilespmem:s26], [sflag:$0x1] =	stream.indirect_vreg.gather [hbm4b:s4+s3], $0x80, v4, vm0, $0xb8;
	[tilespmem:$0x19900] =	vst v63  }
0xc8: {  	s28 =	simm.s32 $0x6000  }
0xc9: {  	[tilespmem:s28], [sflag:$0x1] =	stream.indirect_vreg.gather [hbm4b:s4+s3], $0x80, v3, vm0, $0xb8;
	[tilespmem:$0x19900] =	vst v63  }
0xca: {  	v3 =	vld [tilespmem:$0x20];
	_ =	sdelay $0x4  }
0xcb: {  	v50 =	vshll.u32 v3, $0x1  }
0xcc: {  	v3 =	vand.u32 $0x7, v3;
	v4 =	vand.u32 $0xFFFFFFF0, v50  }
0xcd: {  	v3 =	vor.u32 v3, v4  }
0xce: {  	v4 =	vperm.xlane v3, v0;
	_ =	sdelay $0x1  }
0xcf: {  	v3 =	vperm.xlane v3, v2;
	v4 =	vadd.s32 v1, v4;
	_ =	sdelay $0x1  }
0xd0: {  	v3 =	vadd.s32 v1, v3;
	_ =	sdelay $0x1  }
0xd1: {  	s25 =	simm.s32 $0x6800  }
0xd2: {  	[tilespmem:s25], [sflag:$0x1] =	stream.indirect_vreg.gather [hbm4b:s4+s3], $0x80, v4, vm0, $0xb8;
	[tilespmem:$0x19900] =	vst v63  }
0xd3: {  	s26 =	simm.s32 $0x7000  }
0xd4: {  	[tilespmem:s26], [sflag:$0x1] =	stream.indirect_vreg.gather [hbm4b:s4+s3], $0x80, v3, vm0, $0xb8;
	[tilespmem:$0x19900] =	vst v63  }
0xd5: {  	v3 =	vld.msk [tilespmem:$0x30], $0xff;
	_ =	sdelay $0x4  }
0xd6: {  	v51 =	vshll.u32 v3, $0x1  }
0xd7: {  	v3 =	vand.u32 $0x7, v3;
	v4 =	vand.u32 $0xFFFFFFF0, v51  }
0xd8: {  	v3 =	vor.u32 v3, v4  }
0xd9: {  	v3 =	vperm.xlane v3, v0;
	_ =	sdelay $0x1  }
0xda: {  	v3 =	vadd.s32 v1, v3;
	_ =	sdelay $0x3  }
0xdb: {  	s28 =	simm.s32 $0x7800  }
0xdc: {  	[tilespmem:s28], [sflag:$0x1] =	stream.indirect_vreg.gather [hbm4b:s4+s3], $0x80, v3, vm0, $0xb8;
	[tilespmem:$0x19900] =	vst v63  }
0xdd: {  	v3 =	vld [tilespmem:$0x80];
	_ =	sdelay $0x4  }
0xde: {  	v52 =	vshll.u32 v3, $0x1  }
0xdf: {  	v3 =	vand.u32 $0x7, v3;
	v4 =	vand.u32 $0xFFFFFFF0, v52  }
0xe0: {  	v3 =	vor.u32 v3, v4  }
0xe1: {  	v4 =	vperm.xlane v3, v0;
	_ =	sdelay $0x1  }
0xe2: {  	v3 =	vperm.xlane v3, v2;
	v4 =	vadd.s32 v1, v4;
	_ =	sdelay $0x1  }
0xe3: {  	v3 =	vadd.s32 v1, v3;
	_ =	sdelay $0x2  }
0xe4: {  	[tilespmem:s21], [sflag:$0x2] =	stream.indirect_vreg.gather [hbm4b:s4+s3], $0x80, v4, vm0, $0xb8;
	[tilespmem:$0x19900] =	vst v63  }
0xe5: {  	s25 =	simm.s32 $0x8800  }
0xe6: {  	[tilespmem:s25], [sflag:$0x2] =	stream.indirect_vreg.gather [hbm4b:s4+s3], $0x80, v3, vm0, $0xb8;
	[tilespmem:$0x19900] =	vst v63  }
0xe7: {  	v3 =	vld [tilespmem:$0x90];
	_ =	sdelay $0x4  }
0xe8: {  	v53 =	vshll.u32 v3, $0x1  }
0xe9: {  	v3 =	vand.u32 $0x7, v3;
	v4 =	vand.u32 $0xFFFFFFF0, v53  }
0xea: {  	v3 =	vor.u32 v3, v4  }
0xeb: {  	v4 =	vperm.xlane v3, v0;
	_ =	sdelay $0x1  }
0xec: {  	v3 =	vperm.xlane v3, v2;
	v4 =	vadd.s32 v1, v4;
	_ =	sdelay $0x1  }
0xed: {  	v3 =	vadd.s32 v1, v3;
	_ =	sdelay $0x1  }
0xee: {  	s26 =	simm.s32 $0x9000  }
0xef: {  	[tilespmem:s26], [sflag:$0x2] =	stream.indirect_vreg.gather [hbm4b:s4+s3], $0x80, v4, vm0, $0xb8;
	[tilespmem:$0x19900] =	vst v63  }
0xf0: {  	s28 =	simm.s32 $0x9800  }
0xf1: {  	[tilespmem:s28], [sflag:$0x2] =	stream.indirect_vreg.gather [hbm4b:s4+s3], $0x80, v3, vm0, $0xb8;
	[tilespmem:$0x19900] =	vst v63  }
0xf2: {  	v3 =	vld [tilespmem:$0xA0];
	_ =	sdelay $0x4  }
0xf3: {  	v54 =	vshll.u32 v3, $0x1  }
0xf4: {  	v3 =	vand.u32 $0x7, v3;
	v4 =	vand.u32 $0xFFFFFFF0, v54  }
0xf5: {  	v3 =	vor.u32 v3, v4  }
0xf6: {  	v4 =	vperm.xlane v3, v0;
	_ =	sdelay $0x1  }
0xf7: {  	v3 =	vperm.xlane v3, v2;
	v4 =	vadd.s32 v1, v4;
	_ =	sdelay $0x1  }
0xf8: {  	v3 =	vadd.s32 v1, v3;
	_ =	sdelay $0x1  }
0xf9: {  	s25 =	simm.s32 $0xA000  }
0xfa: {  	[tilespmem:s25], [sflag:$0x2] =	stream.indirect_vreg.gather [hbm4b:s4+s3], $0x80, v4, vm0, $0xb8;
	[tilespmem:$0x19900] =	vst v63  }
0xfb: {  	s26 =	simm.s32 $0xA800  }
0xfc: {  	[tilespmem:s26], [sflag:$0x2] =	stream.indirect_vreg.gather [hbm4b:s4+s3], $0x80, v3, vm0, $0xb8;
	[tilespmem:$0x19900] =	vst v63  }
0xfd: {  	v3 =	vld.msk [tilespmem:$0xB0], $0xff;
	_ =	sdelay $0x4  }
0xfe: {  	v55 =	vshll.u32 v3, $0x1  }
0xff: {  	v3 =	vand.u32 $0x7, v3;
	v4 =	vand.u32 $0xFFFFFFF0, v55  }
0x100: {  	v3 =	vor.u32 v3, v4  }
0x101: {  	v3 =	vperm.xlane v3, v0;
	_ =	sdelay $0x1  }
0x102: {  	v3 =	vadd.s32 v1, v3;
	_ =	sdelay $0x3  }
0x103: {  	s28 =	simm.s32 $0xB000  }
0x104: {  	[tilespmem:s28], [sflag:$0x2] =	stream.indirect_vreg.gather [hbm4b:s4+s3], $0x80, v3, vm0, $0xb8;
	[tilespmem:$0x19900] =	vst v63  }
0x105: {  	v3 =	vld [tilespmem:$0x100];
	_ =	sdelay $0x4  }
0x106: {  	v56 =	vshll.u32 v3, $0x1  }
0x107: {  	v3 =	vand.u32 $0x7, v3;
	v4 =	vand.u32 $0xFFFFFFF0, v56  }
0x108: {  	v3 =	vor.u32 v3, v4  }
0x109: {  	v4 =	vperm.xlane v3, v0;
	_ =	sdelay $0x1  }
0x10a: {  	v3 =	vperm.xlane v3, v2;
	v4 =	vadd.s32 v1, v4;
	_ =	sdelay $0x1  }
0x10b: {  	v3 =	vadd.s32 v1, v3;
	_ =	sdelay $0x2  }
0x10c: {  	[tilespmem:s29], [sflag:$0x3] =	stream.indirect_vreg.gather [hbm4b:s4+s3], $0x80, v4, vm0, $0xb8;
	[tilespmem:$0x19900] =	vst v63  }
0x10d: {  	_ = 	snop  }
0x10e: {  	[tilespmem:s30], [sflag:$0x3] =	stream.indirect_vreg.gather [hbm4b:s4+s3], $0x80, v3, vm0, $0xb8;
	[tilespmem:$0x19900] =	vst v63  }
0x10f: {  	v3 =	vld [tilespmem:$0x110];
	_ =	sdelay $0x4  }
0x110: {  	v57 =	vshll.u32 v3, $0x1  }
0x111: {  	v3 =	vand.u32 $0x7, v3;
	v4 =	vand.u32 $0xFFFFFFF0, v57  }
0x112: {  	v3 =	vor.u32 v3, v4  }
0x113: {  	v4 =	vperm.xlane v3, v0;
	_ =	sdelay $0x1  }
0x114: {  	v3 =	vperm.xlane v3, v2;
	v4 =	vadd.s32 v1, v4;
	_ =	sdelay $0x1  }
0x115: {  	v3 =	vadd.s32 v1, v3;
	_ =	sdelay $0x2  }
0x116: {  	[tilespmem:s31], [sflag:$0x3] =	stream.indirect_vreg.gather [hbm4b:s4+s3], $0x80, v4, vm0, $0xb8;
	[tilespmem:$0x19900] =	vst v63  }
0x117: {  	_ = 	snop  }
0x118: {  	[tilespmem:s1], [sflag:$0x3] =	stream.indirect_vreg.gather [hbm4b:s4+s3], $0x80, v3, vm0, $0xb8;
	[tilespmem:$0x19900] =	vst v63  }
0x119: {  	v3 =	vld [tilespmem:$0x120];
	_ =	sdelay $0x4  }
0x11a: {  	v58 =	vshll.u32 v3, $0x1  }
0x11b: {  	v3 =	vand.u32 $0x7, v3;
	v4 =	vand.u32 $0xFFFFFFF0, v58  }
0x11c: {  	v3 =	vor.u32 v3, v4  }
0x11d: {  	v4 =	vperm.xlane v3, v0;
	_ =	sdelay $0x1  }
0x11e: {  	v3 =	vperm.xlane v3, v2;
	v4 =	vadd.s32 v1, v4;
	_ =	sdelay $0x1  }
0x11f: {  	v3 =	vadd.s32 v1, v3;
	_ =	sdelay $0x2  }
0x120: {  	[tilespmem:s0], [sflag:$0x3] =	stream.indirect_vreg.gather [hbm4b:s4+s3], $0x80, v4, vm0, $0xb8;
	[tilespmem:$0x19900] =	vst v63  }
0x121: {  	_ = 	snop  }
0x122: {  	[tilespmem:s13], [sflag:$0x3] =	stream.indirect_vreg.gather [hbm4b:s4+s3], $0x80, v3, vm0, $0xb8;
	[tilespmem:$0x19900] =	vst v63  }
0x123: {  	v3 =	vld.msk [tilespmem:$0x130], $0xff;
	_ =	sdelay $0x4  }
0x124: {  	v59 =	vshll.u32 v3, $0x1  }
0x125: {  	v3 =	vand.u32 $0x7, v3;
	v4 =	vand.u32 $0xFFFFFFF0, v59  }
0x126: {  	v3 =	vor.u32 v3, v4  }
0x127: {  	v3 =	vperm.xlane v3, v0;
	_ =	sdelay $0x1  }
0x128: {  	v3 =	vadd.s32 v1, v3;
	_ =	sdelay $0x4  }
0x129: {  	[tilespmem:s5], [sflag:$0x3] =	stream.indirect_vreg.gather [hbm4b:s4+s3], $0x80, v3, vm0, $0xb8;
	[tilespmem:$0x19900] =	vst v63  }
0x12a: {  	v3 =	vld [tilespmem:$0x180];
	_ =	sdelay $0x4  }
0x12b: {  	v60 =	vshll.u32 v3, $0x1  }
0x12c: {  	v3 =	vand.u32 $0x7, v3;
	v4 =	vand.u32 $0xFFFFFFF0, v60  }
0x12d: {  	v3 =	vor.u32 v3, v4  }
0x12e: {  	v4 =	vperm.xlane v3, v0;
	_ =	sdelay $0x1  }
0x12f: {  	v3 =	vperm.xlane v3, v2;
	v4 =	vadd.s32 v1, v4;
	_ =	sdelay $0x1  }
0x130: {  	v3 =	vadd.s32 v1, v3;
	_ =	sdelay $0x2  }
0x131: {  	[tilespmem:s6], [sflag:$0x4] =	stream.indirect_vreg.gather [hbm4b:s4+s3], $0x80, v4, vm0, $0xb8;
	[tilespmem:$0x19900] =	vst v63  }
0x132: {  	_ = 	snop  }
0x133: {  	[tilespmem:s8], [sflag:$0x4] =	stream.indirect_vreg.gather [hbm4b:s4+s3], $0x80, v3, vm0, $0xb8;
	[tilespmem:$0x19900] =	vst v63  }
0x134: {  	v3 =	vld [tilespmem:$0x190];
	_ =	sdelay $0x4  }
0x135: {  	v61 =	vshll.u32 v3, $0x1  }
0x136: {  	v3 =	vand.u32 $0x7, v3;
	v4 =	vand.u32 $0xFFFFFFF0, v61  }
0x137: {  	v3 =	vor.u32 v3, v4  }
0x138: {  	v4 =	vperm.xlane v3, v0;
	_ =	sdelay $0x1  }
0x139: {  	v3 =	vperm.xlane v3, v2;
	v4 =	vadd.s32 v1, v4;
	_ =	sdelay $0x1  }
0x13a: {  	v3 =	vadd.s32 v1, v3;
	_ =	sdelay $0x2  }
0x13b: {  	[tilespmem:s9], [sflag:$0x4] =	stream.indirect_vreg.gather [hbm4b:s4+s3], $0x80, v4, vm0, $0xb8;
	[tilespmem:$0x19900] =	vst v63  }
0x13c: {  	_ = 	snop  }
0x13d: {  	[tilespmem:s10], [sflag:$0x4] =	stream.indirect_vreg.gather [hbm4b:s4+s3], $0x80, v3, vm0, $0xb8;
	[tilespmem:$0x19900] =	vst v63  }
0x13e: {  	v3 =	vld [tilespmem:$0x1A0];
	_ =	sdelay $0x4  }
0x13f: {  	v62 =	vshll.u32 v3, $0x1  }
0x140: {  	v3 =	vand.u32 $0x7, v3;
	v4 =	vand.u32 $0xFFFFFFF0, v62  }
0x141: {  	v3 =	vor.u32 v3, v4  }
0x142: {  	v4 =	vperm.xlane v3, v0;
	_ =	sdelay $0x1  }
0x143: {  	v3 =	vperm.xlane v3, v2;
	v4 =	vadd.s32 v1, v4;
	_ =	sdelay $0x1  }
0x144: {  	v3 =	vadd.s32 v1, v3;
	_ =	sdelay $0x2  }
0x145: {  	[tilespmem:s12], [sflag:$0x4] =	stream.indirect_vreg.gather [hbm4b:s4+s3], $0x80, v4, vm0, $0xb8;
	[tilespmem:$0x19900] =	vst v63  }
0x146: {  	_ = 	snop  }
0x147: {  	[tilespmem:s2], [sflag:$0x4] =	stream.indirect_vreg.gather [hbm4b:s4+s3], $0x80, v3, vm0, $0xb8;
	[tilespmem:$0x19900] =	vst v63  }
0x148: {  	v3 =	vld.msk [tilespmem:$0x1B0], $0xff;
	_ =	sdelay $0x4  }
0x149: {  	v63 =	vshll.u32 v3, $0x1  }
0x14a: {  	v3 =	vand.u32 $0x7, v3;
	v4 =	vand.u32 $0xFFFFFFF0, v63  }
0x14b: {  	v3 =	vor.u32 v3, v4  }
0x14c: {  	v3 =	vperm.xlane v3, v0;
	_ =	sdelay $0x1  }
0x14d: {  	v3 =	vadd.s32 v1, v3;
	_ =	sdelay $0x3  }
0x14e: {  	s25 =	simm.s32 $0x3B0;
	s26 =	simm.s32 $0x0  }
0x14f: {  	[tilespmem:s15], [sflag:$0x4] =	stream.indirect_vreg.gather [hbm4b:s4+s3], $0x80, v3, vm0, $0xb8;
	[tilespmem:$0x19900] =	vst v63  }
.LBB2_2:
0x150: {  	p0 =	seq.s32 s26, $0x3D400  }
.Ltmp2:
0x151: {  	_ = 	snop;
	(pc) =	sbr.rel @!p0 .LBB2_3-.Ltmp2, $4  }
0x152: {  	_ =	swait.ge [sflag:s16], $0x3800  }
0x153: {  	s28 =	sadd.s32 s26, s11;
	[sflag:s16] =	ssyncset.done $0x0  }
0x154: {  	s7 =	sadd.s32 $0x700, s28;
	[sflag:s16] =	ssyncadd.s32 $0xFFFFC800  }
0x155: {  	[hbm4b:s28+s3] =	stream.linear.scatter [tilespmem:s14], [sflag:$0x5], $0x3800, $0x38;
	[tilespmem:$0x19900] =	vst v63  }
.Ltmp3:
0x156: {  	(pc) =	sbr.rel .LBB2_5-.Ltmp3, $4  }
0x157: {  	_ =	swait.ge [sflag:s17], $0x3800  }
0x158: {  	[sflag:s17] =	ssyncset.done $0x0  }
0x159: {  	[sflag:s17] =	ssyncadd.s32 $0xFFFFC800  }
0x15a: {  	[hbm4b:s7+s3] =	stream.linear.scatter [tilespmem:s21], [sflag:$0x6], $0x3800, $0x38;
	[tilespmem:$0x19900] =	vst v63  }
.LBB2_3:
0x15b: {  	_ =	swait.ge [sflag:s20], $0x3800  }
0x15c: {  	[sflag:s20] =	ssyncset.done $0x0  }
0x15d: {  	[sflag:s20] =	ssyncadd.s32 $0xFFFFC800  }
0x15e: {  	v3 =	vld [tilespmem:s25+$0xFFFFFE50];
	_ =	sdelay $0x4  }
0x15f: {  	v4 =	vshll.u32 v3, $0x1  }
0x160: {  	v3 =	vand.u32 $0x7, v3;
	v4 =	vand.u32 $0xFFFFFFF0, v4  }
0x161: {  	v3 =	vor.u32 v3, v4  }
0x162: {  	v4 =	vperm.xlane v3, v0;
	_ =	sdelay $0x1  }
0x163: {  	v3 =	vperm.xlane v3, v2;
	v4 =	vadd.s32 v1, v4;
	_ =	sdelay $0x1  }
0x164: {  	v3 =	vadd.s32 v1, v3;
	_ =	sdelay $0x2  }
0x165: {  	[tilespmem:s14], [sflag:$0x1] =	stream.indirect_vreg.gather [hbm4b:s4+s3], $0x80, v4, vm0, $0xb8;
	[tilespmem:$0x19900] =	vst v63  }
0x166: {  	s30 =	simm.s32 $0x5000  }
0x167: {  	[tilespmem:s30], [sflag:$0x1] =	stream.indirect_vreg.gather [hbm4b:s4+s3], $0x80, v3, vm0, $0xb8;
	[tilespmem:$0x19900] =	vst v63  }
0x168: {  	v3 =	vld [tilespmem:s25+$0xFFFFFE60];
	_ =	sdelay $0x4  }
0x169: {  	v57 =	vshll.u32 v3, $0x1  }
0x16a: {  	v3 =	vand.u32 $0x7, v3;
	v4 =	vand.u32 $0xFFFFFFF0, v57  }
0x16b: {  	v3 =	vor.u32 v3, v4  }
0x16c: {  	v4 =	vperm.xlane v3, v0;
	_ =	sdelay $0x1  }
0x16d: {  	v3 =	vperm.xlane v3, v2;
	v4 =	vadd.s32 v1, v4;
	_ =	sdelay $0x1  }
0x16e: {  	v3 =	vadd.s32 v1, v3;
	_ =	sdelay $0x1  }
0x16f: {  	s30 =	simm.s32 $0x5800  }
0x170: {  	[tilespmem:s30], [sflag:$0x1] =	stream.indirect_vreg.gather [hbm4b:s4+s3], $0x80, v4, vm0, $0xb8;
	[tilespmem:$0x19900] =	vst v63  }
0x171: {  	s30 =	simm.s32 $0x6000  }
0x172: {  	[tilespmem:s30], [sflag:$0x1] =	stream.indirect_vreg.gather [hbm4b:s4+s3], $0x80, v3, vm0, $0xb8;
	[tilespmem:$0x19900] =	vst v63  }
0x173: {  	v3 =	vld [tilespmem:s25+$0xFFFFFE70];
	_ =	sdelay $0x4  }
0x174: {  	v58 =	vshll.u32 v3, $0x1  }
0x175: {  	v3 =	vand.u32 $0x7, v3;
	v4 =	vand.u32 $0xFFFFFFF0, v58  }
0x176: {  	v3 =	vor.u32 v3, v4  }
0x177: {  	v4 =	vperm.xlane v3, v0;
	_ =	sdelay $0x1  }
0x178: {  	v3 =	vperm.xlane v3, v2;
	v4 =	vadd.s32 v1, v4;
	_ =	sdelay $0x1  }
0x179: {  	v3 =	vadd.s32 v1, v3;
	_ =	sdelay $0x1  }
0x17a: {  	s30 =	simm.s32 $0x6800  }
0x17b: {  	[tilespmem:s30], [sflag:$0x1] =	stream.indirect_vreg.gather [hbm4b:s4+s3], $0x80, v4, vm0, $0xb8;
	[tilespmem:$0x19900] =	vst v63  }
0x17c: {  	s30 =	simm.s32 $0x7000  }
0x17d: {  	[tilespmem:s30], [sflag:$0x1] =	stream.indirect_vreg.gather [hbm4b:s4+s3], $0x80, v3, vm0, $0xb8;
	[tilespmem:$0x19900] =	vst v63  }
0x17e: {  	v3 =	vld.msk [tilespmem:s25+$0xFFFFFE80], $0xff;
	_ =	sdelay $0x4  }
0x17f: {  	v59 =	vshll.u32 v3, $0x1  }
0x180: {  	v3 =	vand.u32 $0x7, v3;
	v4 =	vand.u32 $0xFFFFFFF0, v59  }
0x181: {  	v3 =	vor.u32 v3, v4  }
0x182: {  	v3 =	vperm.xlane v3, v0;
	_ =	sdelay $0x1  }
0x183: {  	v3 =	vadd.s32 v1, v3;
	_ =	sdelay $0x3  }
0x184: {  	s30 =	simm.s32 $0x7800  }
0x185: {  	[tilespmem:s30], [sflag:$0x1] =	stream.indirect_vreg.gather [hbm4b:s4+s3], $0x80, v3, vm0, $0xb8;
	[tilespmem:$0x19900] =	vst v63  }
0x186: {  	_ =	swait.ge [sflag:s17], $0x3800  }
0x187: {  	[sflag:s17] =	ssyncset.done $0x0  }
0x188: {  	[sflag:s17] =	ssyncadd.s32 $0xFFFFC800  }
0x189: {  	[hbm4b:s7+s3] =	stream.linear.scatter [tilespmem:s21], [sflag:$0x6], $0x3800, $0x38;
	[tilespmem:$0x19900] =	vst v63  }
0x18a: {  	_ =	swait.ge [sflag:s22], $0x3800  }
0x18b: {  	[sflag:s22] =	ssyncset.done $0x0  }
0x18c: {  	[sflag:s22] =	ssyncadd.s32 $0xFFFFC800  }
0x18d: {  	v3 =	vld [tilespmem:s25+$0xFFFFFED0];
	_ =	sdelay $0x4  }
0x18e: {  	v60 =	vshll.u32 v3, $0x1  }
0x18f: {  	v3 =	vand.u32 $0x7, v3;
	v4 =	vand.u32 $0xFFFFFFF0, v60  }
0x190: {  	v3 =	vor.u32 v3, v4  }
0x191: {  	v4 =	vperm.xlane v3, v0;
	_ =	sdelay $0x1  }
0x192: {  	v3 =	vperm.xlane v3, v2;
	v4 =	vadd.s32 v1, v4;
	_ =	sdelay $0x1  }
0x193: {  	v3 =	vadd.s32 v1, v3;
	_ =	sdelay $0x2  }
0x194: {  	[tilespmem:s21], [sflag:$0x2] =	stream.indirect_vreg.gather [hbm4b:s4+s3], $0x80, v4, vm0, $0xb8;
	[tilespmem:$0x19900] =	vst v63  }
0x195: {  	s7 =	simm.s32 $0x8800  }
0x196: {  	[tilespmem:s7], [sflag:$0x2] =	stream.indirect_vreg.gather [hbm4b:s4+s3], $0x80, v3, vm0, $0xb8;
	[tilespmem:$0x19900] =	vst v63  }
0x197: {  	v3 =	vld [tilespmem:s25+$0xFFFFFEE0];
	_ =	sdelay $0x4  }
0x198: {  	v61 =	vshll.u32 v3, $0x1  }
0x199: {  	v3 =	vand.u32 $0x7, v3;
	v4 =	vand.u32 $0xFFFFFFF0, v61  }
0x19a: {  	v3 =	vor.u32 v3, v4  }
0x19b: {  	v4 =	vperm.xlane v3, v0;
	_ =	sdelay $0x1  }
0x19c: {  	v3 =	vperm.xlane v3, v2;
	v4 =	vadd.s32 v1, v4;
	_ =	sdelay $0x1  }
0x19d: {  	v3 =	vadd.s32 v1, v3;
	_ =	sdelay $0x1  }
0x19e: {  	s7 =	simm.s32 $0x9000  }
0x19f: {  	[tilespmem:s7], [sflag:$0x2] =	stream.indirect_vreg.gather [hbm4b:s4+s3], $0x80, v4, vm0, $0xb8;
	[tilespmem:$0x19900] =	vst v63  }
0x1a0: {  	s7 =	simm.s32 $0x9800  }
0x1a1: {  	[tilespmem:s7], [sflag:$0x2] =	stream.indirect_vreg.gather [hbm4b:s4+s3], $0x80, v3, vm0, $0xb8;
	[tilespmem:$0x19900] =	vst v63  }
0x1a2: {  	v3 =	vld [tilespmem:s25+$0xFFFFFEF0];
	_ =	sdelay $0x4  }
0x1a3: {  	v62 =	vshll.u32 v3, $0x1  }
0x1a4: {  	v3 =	vand.u32 $0x7, v3;
	v4 =	vand.u32 $0xFFFFFFF0, v62  }
0x1a5: {  	v3 =	vor.u32 v3, v4  }
0x1a6: {  	v4 =	vperm.xlane v3, v0;
	_ =	sdelay $0x1  }
0x1a7: {  	v3 =	vperm.xlane v3, v2;
	v4 =	vadd.s32 v1, v4;
	_ =	sdelay $0x1  }
0x1a8: {  	v3 =	vadd.s32 v1, v3;
	_ =	sdelay $0x1  }
0x1a9: {  	s7 =	simm.s32 $0xA000  }
0x1aa: {  	[tilespmem:s7], [sflag:$0x2] =	stream.indirect_vreg.gather [hbm4b:s4+s3], $0x80, v4, vm0, $0xb8;
	[tilespmem:$0x19900] =	vst v63  }
0x1ab: {  	s7 =	simm.s32 $0xA800  }
0x1ac: {  	[tilespmem:s7], [sflag:$0x2] =	stream.indirect_vreg.gather [hbm4b:s4+s3], $0x80, v3, vm0, $0xb8;
	[tilespmem:$0x19900] =	vst v63  }
0x1ad: {  	v3 =	vld.msk [tilespmem:s25+$0xFFFFFF00], $0xff;
	_ =	sdelay $0x4  }
0x1ae: {  	v63 =	vshll.u32 v3, $0x1  }
0x1af: {  	v3 =	vand.u32 $0x7, v3;
	v4 =	vand.u32 $0xFFFFFFF0, v63  }
0x1b0: {  	v3 =	vor.u32 v3, v4  }
0x1b1: {  	v3 =	vperm.xlane v3, v0;
	_ =	sdelay $0x1  }
0x1b2: {  	v3 =	vadd.s32 v1, v3;
	_ =	sdelay $0x3  }
0x1b3: {  	s30 =	simm.s32 $0xC000;
	s7 =	simm.s32 $0xB000  }
0x1b4: {  	[tilespmem:s7], [sflag:$0x2] =	stream.indirect_vreg.gather [hbm4b:s4+s3], $0x80, v3, vm0, $0xb8;
	[tilespmem:$0x19900] =	vst v63  }
.LBB2_5:
.Ltmp4:
0x1b5: {  	(pc) =	sbr.rel @p0 .LBB2_7-.Ltmp4, $4  }
0x1b6: {  	_ =	swait.ge [sflag:s18], $0x3800  }
0x1b7: {  	[sflag:s18] =	ssyncset.done $0x0  }
0x1b8: {  	s7 =	sadd.s32 $0xE00, s28;
	s28 =	sadd.s32 $0x1500, s28;
	[sflag:s18] =	ssyncadd.s32 $0xFFFFC800  }
0x1b9: {  	[hbm4b:s7+s3] =	stream.linear.scatter [tilespmem:s29], [sflag:$0x7], $0x3800, $0x38;
	[tilespmem:$0x19900] =	vst v63  }
0x1ba: {  	_ =	swait.ge [sflag:s23], $0x3800  }
0x1bb: {  	[sflag:s23] =	ssyncset.done $0x0  }
0x1bc: {  	[sflag:s23] =	ssyncadd.s32 $0xFFFFC800  }
0x1bd: {  	v3 =	vld [tilespmem:s25+$0xFFFFFF50];
	_ =	sdelay $0x4  }
0x1be: {  	v4 =	vshll.u32 v3, $0x1  }
0x1bf: {  	v3 =	vand.u32 $0x7, v3;
	v4 =	vand.u32 $0xFFFFFFF0, v4  }
0x1c0: {  	v3 =	vor.u32 v3, v4  }
0x1c1: {  	v4 =	vperm.xlane v3, v0;
	_ =	sdelay $0x1  }
0x1c2: {  	v3 =	vperm.xlane v3, v2;
	v4 =	vadd.s32 v1, v4;
	_ =	sdelay $0x1  }
0x1c3: {  	v3 =	vadd.s32 v1, v3;
	_ =	sdelay $0x2  }
0x1c4: {  	[tilespmem:s29], [sflag:$0x3] =	stream.indirect_vreg.gather [hbm4b:s4+s3], $0x80, v4, vm0, $0xb8;
	[tilespmem:$0x19900] =	vst v63  }
0x1c5: {  	_ = 	snop  }
0x1c6: {  	[tilespmem:s30], [sflag:$0x3] =	stream.indirect_vreg.gather [hbm4b:s4+s3], $0x80, v3, vm0, $0xb8;
	[tilespmem:$0x19900] =	vst v63  }
0x1c7: {  	v3 =	vld [tilespmem:s25+$0xFFFFFF60];
	_ =	sdelay $0x4  }
0x1c8: {  	v57 =	vshll.u32 v3, $0x1  }
0x1c9: {  	v3 =	vand.u32 $0x7, v3;
	v4 =	vand.u32 $0xFFFFFFF0, v57  }
0x1ca: {  	v3 =	vor.u32 v3, v4  }
0x1cb: {  	v4 =	vperm.xlane v3, v0;
	_ =	sdelay $0x1  }
0x1cc: {  	v3 =	vperm.xlane v3, v2;
	v4 =	vadd.s32 v1, v4;
	_ =	sdelay $0x1  }
0x1cd: {  	v3 =	vadd.s32 v1, v3;
	_ =	sdelay $0x2  }
0x1ce: {  	[tilespmem:s31], [sflag:$0x3] =	stream.indirect_vreg.gather [hbm4b:s4+s3], $0x80, v4, vm0, $0xb8;
	[tilespmem:$0x19900] =	vst v63  }
0x1cf: {  	_ = 	snop  }
0x1d0: {  	[tilespmem:s1], [sflag:$0x3] =	stream.indirect_vreg.gather [hbm4b:s4+s3], $0x80, v3, vm0, $0xb8;
	[tilespmem:$0x19900] =	vst v63  }
0x1d1: {  	v3 =	vld [tilespmem:s25+$0xFFFFFF70];
	_ =	sdelay $0x4  }
0x1d2: {  	v58 =	vshll.u32 v3, $0x1  }
0x1d3: {  	v3 =	vand.u32 $0x7, v3;
	v4 =	vand.u32 $0xFFFFFFF0, v58  }
0x1d4: {  	v3 =	vor.u32 v3, v4  }
0x1d5: {  	v4 =	vperm.xlane v3, v0;
	_ =	sdelay $0x1  }
0x1d6: {  	v3 =	vperm.xlane v3, v2;
	v4 =	vadd.s32 v1, v4;
	_ =	sdelay $0x1  }
0x1d7: {  	v3 =	vadd.s32 v1, v3;
	_ =	sdelay $0x2  }
0x1d8: {  	[tilespmem:s0], [sflag:$0x3] =	stream.indirect_vreg.gather [hbm4b:s4+s3], $0x80, v4, vm0, $0xb8;
	[tilespmem:$0x19900] =	vst v63  }
0x1d9: {  	_ = 	snop  }
0x1da: {  	[tilespmem:s13], [sflag:$0x3] =	stream.indirect_vreg.gather [hbm4b:s4+s3], $0x80, v3, vm0, $0xb8;
	[tilespmem:$0x19900] =	vst v63  }
0x1db: {  	v3 =	vld.msk [tilespmem:s25+$0xFFFFFF80], $0xff;
	_ =	sdelay $0x4  }
0x1dc: {  	v59 =	vshll.u32 v3, $0x1  }
0x1dd: {  	v3 =	vand.u32 $0x7, v3;
	v4 =	vand.u32 $0xFFFFFFF0, v59  }
0x1de: {  	v3 =	vor.u32 v3, v4  }
0x1df: {  	v3 =	vperm.xlane v3, v0;
	_ =	sdelay $0x1  }
0x1e0: {  	v3 =	vadd.s32 v1, v3;
	_ =	sdelay $0x4  }
0x1e1: {  	[tilespmem:s5], [sflag:$0x3] =	stream.indirect_vreg.gather [hbm4b:s4+s3], $0x80, v3, vm0, $0xb8;
	[tilespmem:$0x19900] =	vst v63  }
0x1e2: {  	_ =	swait.ge [sflag:s19], $0x3800  }
0x1e3: {  	[sflag:s19] =	ssyncset.done $0x0  }
0x1e4: {  	[sflag:s19] =	ssyncadd.s32 $0xFFFFC800  }
0x1e5: {  	[hbm4b:s28+s3] =	stream.linear.scatter [tilespmem:s6], [sflag:$0x8], $0x3800, $0x38;
	[tilespmem:$0x19900] =	vst v63  }
0x1e6: {  	_ =	swait.ge [sflag:s24], $0x3800  }
0x1e7: {  	[sflag:s24] =	ssyncset.done $0x0  }
0x1e8: {  	[sflag:s24] =	ssyncadd.s32 $0xFFFFC800  }
0x1e9: {  	v3 =	vld [tilespmem:s25+$0xFFFFFFD0];
	_ =	sdelay $0x4  }
0x1ea: {  	v60 =	vshll.u32 v3, $0x1  }
0x1eb: {  	v3 =	vand.u32 $0x7, v3;
	v4 =	vand.u32 $0xFFFFFFF0, v60  }
0x1ec: {  	v3 =	vor.u32 v3, v4  }
0x1ed: {  	v4 =	vperm.xlane v3, v0;
	_ =	sdelay $0x1  }
0x1ee: {  	v3 =	vperm.xlane v3, v2;
	v4 =	vadd.s32 v1, v4;
	_ =	sdelay $0x1  }
0x1ef: {  	v3 =	vadd.s32 v1, v3;
	_ =	sdelay $0x2  }
0x1f0: {  	[tilespmem:s6], [sflag:$0x4] =	stream.indirect_vreg.gather [hbm4b:s4+s3], $0x80, v4, vm0, $0xb8;
	[tilespmem:$0x19900] =	vst v63  }
0x1f1: {  	_ = 	snop  }
0x1f2: {  	[tilespmem:s8], [sflag:$0x4] =	stream.indirect_vreg.gather [hbm4b:s4+s3], $0x80, v3, vm0, $0xb8;
	[tilespmem:$0x19900] =	vst v63  }
0x1f3: {  	v3 =	vld [tilespmem:s25+$0xFFFFFFE0];
	_ =	sdelay $0x4  }
0x1f4: {  	v61 =	vshll.u32 v3, $0x1  }
0x1f5: {  	v3 =	vand.u32 $0x7, v3;
	v4 =	vand.u32 $0xFFFFFFF0, v61  }
0x1f6: {  	v3 =	vor.u32 v3, v4  }
0x1f7: {  	v4 =	vperm.xlane v3, v0;
	_ =	sdelay $0x1  }
0x1f8: {  	v3 =	vperm.xlane v3, v2;
	v4 =	vadd.s32 v1, v4;
	_ =	sdelay $0x1  }
0x1f9: {  	v3 =	vadd.s32 v1, v3;
	_ =	sdelay $0x2  }
0x1fa: {  	[tilespmem:s9], [sflag:$0x4] =	stream.indirect_vreg.gather [hbm4b:s4+s3], $0x80, v4, vm0, $0xb8;
	[tilespmem:$0x19900] =	vst v63  }
0x1fb: {  	_ = 	snop  }
0x1fc: {  	[tilespmem:s10], [sflag:$0x4] =	stream.indirect_vreg.gather [hbm4b:s4+s3], $0x80, v3, vm0, $0xb8;
	[tilespmem:$0x19900] =	vst v63  }
0x1fd: {  	v3 =	vld [tilespmem:s25+$0xFFFFFFF0];
	_ =	sdelay $0x4  }
0x1fe: {  	v62 =	vshll.u32 v3, $0x1  }
0x1ff: {  	v3 =	vand.u32 $0x7, v3;
	v4 =	vand.u32 $0xFFFFFFF0, v62  }
0x200: {  	v3 =	vor.u32 v3, v4  }
0x201: {  	v4 =	vperm.xlane v3, v0;
	_ =	sdelay $0x1  }
0x202: {  	v3 =	vperm.xlane v3, v2;
	v4 =	vadd.s32 v1, v4;
	_ =	sdelay $0x1  }
0x203: {  	v3 =	vadd.s32 v1, v3;
	_ =	sdelay $0x2  }
0x204: {  	[tilespmem:s12], [sflag:$0x4] =	stream.indirect_vreg.gather [hbm4b:s4+s3], $0x80, v4, vm0, $0xb8;
	[tilespmem:$0x19900] =	vst v63  }
0x205: {  	_ = 	snop  }
0x206: {  	[tilespmem:s2], [sflag:$0x4] =	stream.indirect_vreg.gather [hbm4b:s4+s3], $0x80, v3, vm0, $0xb8;
	[tilespmem:$0x19900] =	vst v63  }
0x207: {  	v3 =	vld.msk [tilespmem:s25+$0x0], $0xff;
	_ =	sdelay $0x4  }
0x208: {  	v63 =	vshll.u32 v3, $0x1  }
0x209: {  	v3 =	vand.u32 $0x7, v3;
	v4 =	vand.u32 $0xFFFFFFF0, v63  }
0x20a: {  	v3 =	vor.u32 v3, v4  }
0x20b: {  	v3 =	vperm.xlane v3, v0;
	_ =	sdelay $0x1  }
0x20c: {  	v3 =	vadd.s32 v1, v3  }
.Ltmp5:
0x20d: {  	_ = 	snop;
	(pc) =	sbr.rel .LBB2_2-.Ltmp5, $3  }
0x20e: {  	_ =	sdelay $0x1  }
0x20f: {  	s26 =	sadd.s32 $0x1C00, s26;
	s25 =	sadd.s32 $0x200, s25  }
0x210: {  	[tilespmem:s15], [sflag:$0x4] =	stream.indirect_vreg.gather [hbm4b:s4+s3], $0x80, v3, vm0, $0xb8;
	[tilespmem:$0x19900] =	vst v63  }
.LBB2_8:
0x211: {  	_ =	sfence.sel $0x180000  }
0x212: {  	[bflag:$0x0] =	sbarrier.arrive $0xFFFF  }
0x213: {  	_ =	strace $0x90000047  }
0x214: {  	s0 =	stileid.u32;
	[bflag:$0x2] =	sbarrier.arrive $0xFFFF  }
0x215: {  	p0 =	sne.s32 s0, $0x0;
	s0 =	rddreg [dreg:$0x3]  }
0x216: {  	s0 =	sadd.s32 @!p0 $0x100000, s0  }
0x217: {  	[sflag:s0] =	ssyncadd.tile.s32 @!p0 $0x1;
	_ =	shalt  }
.Lfunc_end2:
_tile_overlayer_lowered:
.L_overlay_start_2:
0x218: {  	(tag) =	ssettag $0x2  }
0x219: {  	s0 =	rddreg [dreg:$0x0];
	s2 =	stileid.u32  }
0x21a: {  	s1 =	rddreg [dreg:$0x1];
	p0 =	sne.s32 s2, $0x0  }
0x21b: {  	s3 =	rddreg [dreg:$0x2];
	[bflag:$0x3] =	sbarrier.arrive $0xFFFF;
	s2 =	simm.s32 @!p0 $0x1C0A  }
0x21c: {  	[timem:s3], [sflag:s2] =	dma.local @!p0 [hbm:s0], s1  }
0x21d: {  	s0 =	simm.s32 @!p0 $0xA  }
0x21e: {  	_ =	swait.ge @!p0 [sflag:s0], s1  }
0x21f: {  	s1 =	ssub.s32 @!p0 $0x0, s1;
	[sflag:s0] =	ssyncset.done @!p0 $0x0  }
0x220: {  	[sflag:s0] =	ssyncadd.s32 @!p0 s1  }
0x221: {  	[bflag:$0x3] =	sbarrier.arrive $0xFFFF  }
0x222: {  	_ =	shalt  }

</sc_bundles>
